<compile_context>
chip_gen: v7x
topology: tpu7x:2x2x1
jax: 0.10.2.dev20260603
libtpu: 0.0.44.dev20260713+nightly
codegen_flags: <defaults>
</compile_context>

<pallas_src>
import jax
import jax.numpy as jnp
from jax import lax
from jax.experimental import pallas as pl
from jax.experimental.pallas import tpu as pltpu
from jax.experimental.pallas import tpu_sc as plsc

MAX_NUM = 999999
D_MODEL = 32
QUAD = 128 // D_MODEL
NQUAD = (MAX_NUM + 1) // QUAD

NUM_CORES = 2
NUM_SUBCORES = 16
NUM_WORKERS = NUM_CORES * NUM_SUBCORES

NB = 8
HIST = 50
CHUNK = NB * HIST


def _sc_gather(table_pack, idx_flat, batch):
    b = idx_flat.shape[0]
    b_per_w = b // NUM_WORKERS
    nb_per_w = batch // NUM_WORKERS
    n_chunks = nb_per_w // NB
    mesh = plsc.VectorSubcoreMesh(core_axis_name="c", subcore_axis_name="s")

    @pl.kernel(
        out_type=jax.ShapeDtypeStruct((batch, HIST * D_MODEL), jnp.float32),
        mesh=mesh,
        scratch_types=[
            pltpu.VMEM((CHUNK,), jnp.int32),
            pltpu.VMEM((CHUNK,), jnp.int32),
            pltpu.VMEM((CHUNK,), jnp.int32),
            pltpu.VMEM((CHUNK,), jnp.int32),
            pltpu.VMEM((CHUNK, 128), jnp.float32),
            pltpu.VMEM((CHUNK, 128), jnp.float32),
            pltpu.VMEM((NB, HIST * D_MODEL), jnp.float32),
            pltpu.VMEM((NB, HIST * D_MODEL), jnp.float32),
            pltpu.SemaphoreType.DMA,
            pltpu.SemaphoreType.DMA,
            pltpu.SemaphoreType.DMA,
            pltpu.SemaphoreType.DMA,
        ],
    )
    def k(
        table_hbm, idx_hbm, out_hbm,
        idx0, idx1, q0, q1, quad0, quad1, st0, st1,
        gsem0, gsem1, wsem0, wsem1,
    ):
        wid = lax.axis_index("s") * NUM_CORES + lax.axis_index("c")
        base = wid * b_per_w
        bi_base = wid * nb_per_w

        def start(g, idxb, qb, quadb, gsem):
            off = pl.multiple_of(base + (g % n_chunks) * CHUNK, 8)
            pltpu.sync_copy(idx_hbm.at[pl.ds(off, CHUNK)], idxb)

            @pl.loop(0, CHUNK, step=16)
            def _(i):
                qb[pl.ds(i, 16)] = jax.lax.shift_right_logical(
                    idxb[pl.ds(i, 16)], 2
                )

            pltpu.make_async_copy(table_hbm.at[qb], quadb, gsem).start()

        def finish(g, idxb, qb, quadb, stb, gsem, wsem):
            pltpu.make_async_copy(table_hbm.at[qb], quadb, gsem).wait()
            bi = pl.multiple_of(bi_base + g * NB, NB)
            wb = pltpu.make_async_copy(stb, out_hbm.at[pl.ds(bi, NB)], wsem)
            wb.wait()

            @pl.loop(0, CHUNK, step=16)
            def _(r0):
                iv16 = idxb[pl.ds(r0, 16)]
                for j in range(16):
                    r = r0 + j
                    src = (iv16[j] & 3) * D_MODEL
                    bb = r // HIST
                    dst = (r - bb * HIST) * D_MODEL
                    stb[bb, pl.ds(dst, 16)] = quadb[r, pl.ds(src, 16)]
                    stb[bb, pl.ds(dst + 16, 16)] = quadb[r, pl.ds(src + 16, 16)]

            wb.start()

        start(0, idx0, q0, quad0, gsem0)
        start(1, idx1, q1, quad1, gsem1)
        pltpu.make_async_copy(
            st0, out_hbm.at[pl.ds(pl.multiple_of(bi_base, NB), NB)], wsem0
        ).start()
        pltpu.make_async_copy(
            st1, out_hbm.at[pl.ds(pl.multiple_of(bi_base + NB, NB), NB)], wsem1
        ).start()

        @pl.loop(0, n_chunks, step=2)
        def _(g):
            finish(g, idx0, q0, quad0, st0, gsem0, wsem0)
            start(g + 2, idx0, q0, quad0, gsem0)
            finish(g + 1, idx1, q1, quad1, st1, gsem1, wsem1)
            start(g + 3, idx1, q1, quad1, gsem1)

        pltpu.make_async_copy(table_hbm.at[q0], quad0, gsem0).wait()
        pltpu.make_async_copy(table_hbm.at[q1], quad1, gsem1).wait()
        pltpu.make_async_copy(
            st0, out_hbm.at[pl.ds(pl.multiple_of(bi_base, NB), NB)], wsem0
        ).wait()
        pltpu.make_async_copy(
            st1, out_hbm.at[pl.ds(pl.multiple_of(bi_base + NB, NB), NB)], wsem1
        ).wait()

    return k(table_pack, idx_flat)


def kernel(numbers, embed_table):
    batch, hist = numbers.shape
    idx_flat = numbers.reshape(batch * hist)
    table_pack = embed_table.reshape(NQUAD, D_MODEL * QUAD)
    out_flat = _sc_gather(table_pack, idx_flat, batch)
    return out_flat.reshape(batch, hist, D_MODEL)

# --- scband reference (transcript-rebuilt; emitter-appended) ---
"""Pipeline reference for scband-learned-numeric-embedding-29721173688540 (READ-ONLY COPY).

The authoritative reference and input builder live on the scoring server;
editing this copy changes nothing except your own understanding.
"""

import jax, jax.numpy as jnp
import numpy as np

MAX_NUM = 999999
D_MODEL = 32
BATCH = 16384
HIST = 50


def setup_inputs(seed: int = 0) -> dict:
    key = jax.random.key(seed)
    k1, k2 = jax.random.split(key)
    numbers = jax.random.randint(k1, (BATCH, HIST), 0, 1000000, dtype=jnp.int64 if jax.config.jax_enable_x64 else jnp.int32).astype(jnp.int32)
    embed_table = jax.random.normal(k2, (MAX_NUM + 1, D_MODEL), dtype=jnp.float32)
    return {"numbers": numbers, "embed_table": embed_table}


def reference(numbers, embed_table):
    # Faithful translation of LearnedNumericEmbedding.forward
    idx = numbers.astype(jnp.int32) % (MAX_NUM + 1)
    return jnp.take(embed_table, idx, axis=0)

if __name__ == "__main__":
    import jax
    _d = setup_inputs()
    print(jax.jit(kernel)(*tuple(_d.values())))

</pallas_src>

<mosaic_0001>
#map = affine_map<(d0, d1) -> (0, 0)>
#map1 = affine_map<(d0, d1) -> (0)>
module attributes {stable_mosaic.version = 14 : i64} {
  func.func @k(%arg0: i32, %arg1: i32, %arg2: memref<250000x128xf32, #tpu.memory_space<hbm>>, %arg3: memref<819200xi32, #tpu.memory_space<hbm>>, %arg4: memref<16384x1600xf32, #tpu.memory_space<hbm>>, %arg5: memref<400xi32, #tpu.memory_space<vmem>>, %arg6: memref<400xi32, #tpu.memory_space<vmem>>, %arg7: memref<400xi32, #tpu.memory_space<vmem>>, %arg8: memref<400xi32, #tpu.memory_space<vmem>>, %arg9: memref<400x128xf32, #tpu.memory_space<vmem>>, %arg10: memref<400x128xf32, #tpu.memory_space<vmem>>, %arg11: memref<8x1600xf32, #tpu.memory_space<vmem>>, %arg12: memref<8x1600xf32, #tpu.memory_space<vmem>>, %arg13: memref<!tpu.dma_semaphore, #tpu.memory_space<semaphore_mem>>, %arg14: memref<!tpu.dma_semaphore, #tpu.memory_space<semaphore_mem>>, %arg15: memref<!tpu.dma_semaphore, #tpu.memory_space<semaphore_mem>>, %arg16: memref<!tpu.dma_semaphore, #tpu.memory_space<semaphore_mem>>) attributes {dimension_semantics = [#tpu.dimension_semantics<core_parallel>, #tpu.dimension_semantics<subcore_parallel>], iteration_bounds = array<i64: 2, 16>, scalar_prefetch = 0 : i64, scratch_operands = 12 : i64, tpu.core_type = #tpu.core_type<sc_vector_subcore>, window_params = [{transform_indices = #map}, {transform_indices = #map1}, {transform_indices = #map}]} {
    %mul3A = arith.constant 2 : i32
    %mul3A_0 = arith.muli %arg1, %mul3A : i32
    %add3A = arith.addi %mul3A_0, %arg0 : i32
    %mul3A_1 = arith.constant 25600 : i32
    %mul3A_2 = arith.muli %add3A, %mul3A_1 : i32
    %mul3A_3 = arith.constant 512 : i32
    %mul3A_4 = arith.muli %add3A, %mul3A_3 : i32
    %add3A_5 = arith.constant 0 : i32
    %add3A_6 = arith.addi %mul3A_2, %add3A_5 : i32
    %multiple_of3A = tpu.assume_multiple %add3A_6, 8 : i32
    "tpu.region"() ({
      %run_scoped3A = tpu.sem_alloc : memref<!tpu.dma_semaphore, #tpu.memory_space<semaphore_mem>>
      %dma_start3A_58 = tpu.memref_slice %arg3[%multiple_of3A] : memref<819200xi32, #tpu.memory_space<hbm>> -> memref<400xi32, #tpu.memory_space<hbm>>
      %dma_start3A_59 = tpu.memref_slice %arg3[%multiple_of3A] : memref<819200xi32, #tpu.memory_space<hbm>> -> memref<400xi32, #tpu.memory_space<hbm>>
      tpu.enqueue_dma source(%dma_start3A_59 : memref<400xi32, #tpu.memory_space<hbm>>) target(%arg5 : memref<400xi32, #tpu.memory_space<vmem>>) target_semaphore(%run_scoped3A : memref<!tpu.dma_semaphore, #tpu.memory_space<semaphore_mem>>)
      %dma_wait3A_60 = tpu.memref_slice %arg3[%multiple_of3A] : memref<819200xi32, #tpu.memory_space<hbm>> -> memref<400xi32, #tpu.memory_space<hbm>>
      %dma_wait3A_61 = tpu.memref_slice %arg3[%multiple_of3A] : memref<819200xi32, #tpu.memory_space<hbm>> -> memref<400xi32, #tpu.memory_space<hbm>>
      tpu.wait_dma2 semaphore(%run_scoped3A : memref<!tpu.dma_semaphore, #tpu.memory_space<semaphore_mem>>) src(%dma_wait3A_61 : memref<400xi32, #tpu.memory_space<hbm>>) dst(%arg5 : memref<400xi32, #tpu.memory_space<vmem>>)
      tpu.yield
    }) : () -> ()
    %scan3A = arith.constant 0 : i32
    %scan3A_7 = arith.constant 25 : i32
    %scan3A_8 = arith.addi %scan3A, %scan3A_7 : i32
    %scan3A_9 = arith.constant 1 : i32
    scf.for %scan3A_58 = %scan3A to %scan3A_8 step %scan3A_9  : i32 {
      %mul3A_59 = arith.constant 16 : i32
      %mul3A_60 = arith.muli %scan3A_58, %mul3A_59 : i32
      %add3A_61 = arith.constant 0 : i32
      %add3A_62 = arith.addi %add3A_61, %mul3A_60 : i32
      %get3A = arith.index_cast %add3A_62 : i32 to index
      %get3A_63 = tpu.vector_load %arg5[%get3A] {strides = array<i32>} : memref<400xi32, #tpu.memory_space<vmem>>, vector<16xi32>,
      %get3A_64 = vector.shape_cast %get3A_63 : vector<16xi32> to vector<16xi32>
      %shift_right_logical3A = arith.constant 2 : i32
      %shift_right_logical3A_65 = vector.broadcast %shift_right_logical3A : i32 to vector<16xi32>
      %shift_right_logical3A_66 = arith.shrui %get3A_64, %shift_right_logical3A_65 : vector<16xi32>
      %swap3A = arith.index_cast %add3A_62 : i32 to index
      %swap3A_67 = tpu.vector_load %arg7[%swap3A] {strides = array<i32>} : memref<400xi32, #tpu.memory_space<vmem>>, vector<16xi32>,
      %swap3A_68 = vector.shape_cast %swap3A_67 : vector<16xi32> to vector<16xi32>
      %swap3A_69 = vector.shape_cast %shift_right_logical3A_66 : vector<16xi32> to vector<16xi32>
      tpu.vector_store %arg7[%swap3A], %swap3A_69 {strides = array<i32>} : memref<400xi32, #tpu.memory_space<vmem>>, vector<16xi32>,
    }
    %scan3A_10 = arith.constant 25 : i32
    %dma_start3A = arith.constant 0 : i32
    %dma_start3A_11 = arith.constant 0 : i32
    %dma_start3A_12 = tpu.memref_slice %arg2[%dma_start3A, %dma_start3A_11] : memref<250000x128xf32, #tpu.memory_space<hbm>> -> memref<250000x128xf32, #tpu.memory_space<hbm>>
    tpu.enqueue_indirect_dma source(%dma_start3A_12 : memref<250000x128xf32, #tpu.memory_space<hbm>>) target(%arg9 : memref<400x128xf32, #tpu.memory_space<vmem>>) offsets(%arg7 : memref<400xi32, #tpu.memory_space<vmem>>) semaphore(%arg13 : memref<!tpu.dma_semaphore, #tpu.memory_space<semaphore_mem>>)
    %add3A_13 = arith.constant 400 : i32
    %add3A_14 = arith.addi %mul3A_2, %add3A_13 : i32
    %multiple_of3A_15 = tpu.assume_multiple %add3A_14, 8 : i32
    "tpu.region"() ({
      %run_scoped3A = tpu.sem_alloc : memref<!tpu.dma_semaphore, #tpu.memory_space<semaphore_mem>>
      %dma_start3A_58 = tpu.memref_slice %arg3[%multiple_of3A_15] : memref<819200xi32, #tpu.memory_space<hbm>> -> memref<400xi32, #tpu.memory_space<hbm>>
      %dma_start3A_59 = tpu.memref_slice %arg3[%multiple_of3A_15] : memref<819200xi32, #tpu.memory_space<hbm>> -> memref<400xi32, #tpu.memory_space<hbm>>
      tpu.enqueue_dma source(%dma_start3A_59 : memref<400xi32, #tpu.memory_space<hbm>>) target(%arg6 : memref<400xi32, #tpu.memory_space<vmem>>) target_semaphore(%run_scoped3A : memref<!tpu.dma_semaphore, #tpu.memory_space<semaphore_mem>>)
      %dma_wait3A_60 = tpu.memref_slice %arg3[%multiple_of3A_15] : memref<819200xi32, #tpu.memory_space<hbm>> -> memref<400xi32, #tpu.memory_space<hbm>>
      %dma_wait3A_61 = tpu.memref_slice %arg3[%multiple_of3A_15] : memref<819200xi32, #tpu.memory_space<hbm>> -> memref<400xi32, #tpu.memory_space<hbm>>
      tpu.wait_dma2 semaphore(%run_scoped3A : memref<!tpu.dma_semaphore, #tpu.memory_space<semaphore_mem>>) src(%dma_wait3A_61 : memref<400xi32, #tpu.memory_space<hbm>>) dst(%arg6 : memref<400xi32, #tpu.memory_space<vmem>>)
      tpu.yield
    }) : () -> ()
    %scan3A_16 = arith.constant 0 : i32
    %scan3A_17 = arith.constant 25 : i32
    %scan3A_18 = arith.addi %scan3A_16, %scan3A_17 : i32
    %scan3A_19 = arith.constant 1 : i32
    scf.for %scan3A_58 = %scan3A_16 to %scan3A_18 step %scan3A_19  : i32 {
      %mul3A_59 = arith.constant 16 : i32
      %mul3A_60 = arith.muli %scan3A_58, %mul3A_59 : i32
      %add3A_61 = arith.constant 0 : i32
      %add3A_62 = arith.addi %add3A_61, %mul3A_60 : i32
      %get3A = arith.index_cast %add3A_62 : i32 to index
      %get3A_63 = tpu.vector_load %arg6[%get3A] {strides = array<i32>} : memref<400xi32, #tpu.memory_space<vmem>>, vector<16xi32>,
      %get3A_64 = vector.shape_cast %get3A_63 : vector<16xi32> to vector<16xi32>
      %shift_right_logical3A = arith.constant 2 : i32
      %shift_right_logical3A_65 = vector.broadcast %shift_right_logical3A : i32 to vector<16xi32>
      %shift_right_logical3A_66 = arith.shrui %get3A_64, %shift_right_logical3A_65 : vector<16xi32>
      %swap3A = arith.index_cast %add3A_62 : i32 to index
      %swap3A_67 = tpu.vector_load %arg8[%swap3A] {strides = array<i32>} : memref<400xi32, #tpu.memory_space<vmem>>, vector<16xi32>,
      %swap3A_68 = vector.shape_cast %swap3A_67 : vector<16xi32> to vector<16xi32>
      %swap3A_69 = vector.shape_cast %shift_right_logical3A_66 : vector<16xi32> to vector<16xi32>
      tpu.vector_store %arg8[%swap3A], %swap3A_69 {strides = array<i32>} : memref<400xi32, #tpu.memory_space<vmem>>, vector<16xi32>,
    }
    %scan3A_20 = arith.constant 25 : i32
    %dma_start3A_21 = arith.constant 0 : i32
    %dma_start3A_22 = arith.constant 0 : i32
    %dma_start3A_23 = tpu.memref_slice %arg2[%dma_start3A_21, %dma_start3A_22] : memref<250000x128xf32, #tpu.memory_space<hbm>> -> memref<250000x128xf32, #tpu.memory_space<hbm>>
    tpu.enqueue_indirect_dma source(%dma_start3A_23 : memref<250000x128xf32, #tpu.memory_space<hbm>>) target(%arg10 : memref<400x128xf32, #tpu.memory_space<vmem>>) offsets(%arg8 : memref<400xi32, #tpu.memory_space<vmem>>) semaphore(%arg14 : memref<!tpu.dma_semaphore, #tpu.memory_space<semaphore_mem>>)
    %multiple_of3A_24 = tpu.assume_multiple %mul3A_4, 8 : i32
    %dma_start3A_25 = arith.constant 0 : i32
    %dma_start3A_26 = tpu.memref_slice %arg4[%multiple_of3A_24, %dma_start3A_25] : memref<16384x1600xf32, #tpu.memory_space<hbm>> -> memref<8x1600xf32, #tpu.memory_space<hbm>>
    %dma_start3A_27 = arith.constant 0 : i32
    %dma_start3A_28 = tpu.memref_slice %arg4[%multiple_of3A_24, %dma_start3A_27] : memref<16384x1600xf32, #tpu.memory_space<hbm>> -> memref<8x1600xf32, #tpu.memory_space<hbm>>
    tpu.enqueue_dma source(%arg11 : memref<8x1600xf32, #tpu.memory_space<vmem>>) target(%dma_start3A_28 : memref<8x1600xf32, #tpu.memory_space<hbm>>) target_semaphore(%arg15 : memref<!tpu.dma_semaphore, #tpu.memory_space<semaphore_mem>>)
    %add3A_29 = arith.constant 8 : i32
    %add3A_30 = arith.addi %mul3A_4, %add3A_29 : i32
    %multiple_of3A_31 = tpu.assume_multiple %add3A_30, 8 : i32
    %dma_start3A_32 = arith.constant 0 : i32
    %dma_start3A_33 = tpu.memref_slice %arg4[%multiple_of3A_31, %dma_start3A_32] : memref<16384x1600xf32, #tpu.memory_space<hbm>> -> memref<8x1600xf32, #tpu.memory_space<hbm>>
    %dma_start3A_34 = arith.constant 0 : i32
    %dma_start3A_35 = tpu.memref_slice %arg4[%multiple_of3A_31, %dma_start3A_34] : memref<16384x1600xf32, #tpu.memory_space<hbm>> -> memref<8x1600xf32, #tpu.memory_space<hbm>>
    tpu.enqueue_dma source(%arg12 : memref<8x1600xf32, #tpu.memory_space<vmem>>) target(%dma_start3A_35 : memref<8x1600xf32, #tpu.memory_space<hbm>>) target_semaphore(%arg16 : memref<!tpu.dma_semaphore, #tpu.memory_space<semaphore_mem>>)
    %scan3A_36 = arith.constant 0 : i32
    %scan3A_37 = arith.constant 32 : i32
    %scan3A_38 = arith.addi %scan3A_36, %scan3A_37 : i32
    %scan3A_39 = arith.constant 1 : i32
    scf.for %scan3A_58 = %scan3A_36 to %scan3A_38 step %scan3A_39  : i32 {
      %mul3A_59 = arith.constant 2 : i32
      %mul3A_60 = arith.muli %scan3A_58, %mul3A_59 : i32
      %add3A_61 = arith.constant 0 : i32
      %add3A_62 = arith.addi %add3A_61, %mul3A_60 : i32
      %dma_wait3A_63 = arith.constant 0 : i32
      %dma_wait3A_64 = arith.constant 0 : i32
      %dma_wait3A_65 = tpu.memref_slice %arg2[%dma_wait3A_63, %dma_wait3A_64] : memref<250000x128xf32, #tpu.memory_space<hbm>> -> memref<250000x128xf32, #tpu.memory_space<hbm>>
      tpu.wait_indirect_dma semaphore(%arg13 : memref<!tpu.dma_semaphore, #tpu.memory_space<semaphore_mem>>) src(%dma_wait3A_65 : memref<250000x128xf32, #tpu.memory_space<hbm>>) dst(%arg9 : memref<400x128xf32, #tpu.memory_space<vmem>>)
      %mul3A_66 = arith.constant 8 : i32
      %mul3A_67 = arith.muli %add3A_62, %mul3A_66 : i32
      %add3A_68 = arith.addi %mul3A_4, %mul3A_67 : i32
      %multiple_of3A_69 = tpu.assume_multiple %add3A_68, 8 : i32
      %dma_wait3A_70 = arith.constant 0 : i32
      %dma_wait3A_71 = tpu.memref_slice %arg4[%multiple_of3A_69, %dma_wait3A_70] : memref<16384x1600xf32, #tpu.memory_space<hbm>> -> memref<8x1600xf32, #tpu.memory_space<hbm>>
      %dma_wait3A_72 = arith.constant 0 : i32
      %dma_wait3A_73 = tpu.memref_slice %arg4[%multiple_of3A_69, %dma_wait3A_72] : memref<16384x1600xf32, #tpu.memory_space<hbm>> -> memref<8x1600xf32, #tpu.memory_space<hbm>>
      tpu.wait_dma2 semaphore(%arg15 : memref<!tpu.dma_semaphore, #tpu.memory_space<semaphore_mem>>) src(%arg11 : memref<8x1600xf32, #tpu.memory_space<vmem>>) dst(%dma_wait3A_73 : memref<8x1600xf32, #tpu.memory_space<hbm>>)
      %scan3A_74 = arith.constant 0 : i32
      %scan3A_75 = arith.constant 25 : i32
      %scan3A_76 = arith.addi %scan3A_74, %scan3A_75 : i32
      %scan3A_77 = arith.constant 1 : i32
      scf.for %scan3A_158 = %scan3A_74 to %scan3A_76 step %scan3A_77  : i32 {
        %mul3A_159 = arith.constant 16 : i32
        %mul3A_160 = arith.muli %scan3A_158, %mul3A_159 : i32
        %add3A_161 = arith.constant 0 : i32
        %add3A_162 = arith.addi %add3A_161, %mul3A_160 : i32
        %get3A = arith.index_cast %add3A_162 : i32 to index
        %get3A_163 = tpu.vector_load %arg5[%get3A] {strides = array<i32>} : memref<400xi32, #tpu.memory_space<vmem>>, vector<16xi32>,
        %get3A_164 = vector.shape_cast %get3A_163 : vector<16xi32> to vector<16xi32>
        %add3A_165 = arith.constant 0 : i32
        %add3A_166 = arith.addi %add3A_162, %add3A_165 : i32
        %slice3A = vector.extract_strided_slice %get3A_164 {offsets = [0], sizes = [1], strides = [1]} : vector<16xi32> to vector<1xi32>
        %squeeze3A = vector.extract %slice3A[0] : i32 from vector<1xi32>
        %and3A_167 = arith.constant 3 : i32
        %and3A_168 = arith.andi %squeeze3A, %and3A_167 : i32
        %mul3A_169 = arith.constant 32 : i32
        %mul3A_170 = arith.muli %and3A_168, %mul3A_169 : i32
        %jit3A_171 = arith.constant 50 : i32
        %div3A = arith.divsi %add3A_166, %jit3A_171 : i32
        %sign3A = arith.constant 0 : i32
        %sign3A_172 = arith.cmpi sgt, %add3A_166, %sign3A : i32
        %sign3A_173 = arith.extui %sign3A_172 : i1 to i32
        %sign3A_174 = arith.constant 0 : i32
        %sign3A_175 = arith.cmpi slt, %add3A_166, %sign3A_174 : i32
        %sign3A_176 = arith.extui %sign3A_175 : i1 to i32
        %sign3A_177 = arith.subi %sign3A_173, %sign3A_176 : i32
        %sign3A_178 = arith.constant 0 : i32
        %sign3A_179 = arith.cmpi sgt, %jit3A_171, %sign3A_178 : i32
        %sign3A_180 = arith.extui %sign3A_179 : i1 to i32
        %sign3A_181 = arith.constant 0 : i32
        %sign3A_182 = arith.cmpi slt, %jit3A_171, %sign3A_181 : i32
        %sign3A_183 = arith.extui %sign3A_182 : i1 to i32
        %sign3A_184 = arith.subi %sign3A_180, %sign3A_183 : i32
        %ne3A_185 = arith.cmpi ne, %sign3A_177, %sign3A_184 : i32
        %rem3A_186 = arith.remsi %add3A_166, %jit3A_171 : i32
        %ne3A_187 = arith.constant 0 : i32
        %ne3A_188 = arith.cmpi ne, %rem3A_186, %ne3A_187 : i32
        %and3A_189 = arith.andi %ne3A_185, %ne3A_188 : i1
        %sub3A = arith.constant 1 : i32
        %sub3A_190 = arith.subi %div3A, %sub3A : i32
        %select_n3A_191 = arith.select %and3A_189, %sub3A_190, %div3A : i32
        %mul3A_192 = arith.constant 50 : i32
        %mul3A_193 = arith.muli %select_n3A_191, %mul3A_192 : i32
        %sub3A_194 = arith.subi %add3A_166, %mul3A_193 : i32
        %mul3A_195 = arith.constant 32 : i32
        %mul3A_196 = arith.muli %sub3A_194, %mul3A_195 : i32
        %get3A_197 = arith.index_cast %add3A_166 : i32 to index
        %get3A_198 = arith.index_cast %mul3A_170 : i32 to index
        %get3A_199 = tpu.vector_load %arg9[%get3A_197, %get3A_198] {strides = array<i32>} : memref<400x128xf32, #tpu.memory_space<vmem>>, vector<1x16xf32>,
        %get3A_200 = vector.shape_cast %get3A_199 : vector<1x16xf32> to vector<16xf32>
        %swap3A = arith.index_cast %select_n3A_191 : i32 to index
        %swap3A_201 = arith.index_cast %mul3A_196 : i32 to index
        %swap3A_202 = tpu.vector_load %arg11[%swap3A, %swap3A_201] {strides = array<i32>} : memref<8x1600xf32, #tpu.memory_space<vmem>>, vector<1x16xf32>,
        %swap3A_203 = vector.shape_cast %swap3A_202 : vector<1x16xf32> to vector<16xf32>
        %swap3A_204 = vector.shape_cast %get3A_200 : vector<16xf32> to vector<1x16xf32>
        tpu.vector_store %arg11[%swap3A, %swap3A_201], %swap3A_204 {strides = array<i32>} : memref<8x1600xf32, #tpu.memory_space<vmem>>, vector<1x16xf32>,
        %add3A_205 = arith.constant 16 : i32
        %add3A_206 = arith.addi %mul3A_170, %add3A_205 : i32
        %get3A_207 = arith.index_cast %add3A_166 : i32 to index
        %get3A_208 = arith.index_cast %add3A_206 : i32 to index
        %get3A_209 = tpu.vector_load %arg9[%get3A_207, %get3A_208] {strides = array<i32>} : memref<400x128xf32, #tpu.memory_space<vmem>>, vector<1x16xf32>,
        %get3A_210 = vector.shape_cast %get3A_209 : vector<1x16xf32> to vector<16xf32>
        %add3A_211 = arith.constant 16 : i32
        %add3A_212 = arith.addi %mul3A_196, %add3A_211 : i32
        %swap3A_213 = arith.index_cast %select_n3A_191 : i32 to index
        %swap3A_214 = arith.index_cast %add3A_212 : i32 to index
        %swap3A_215 = tpu.vector_load %arg11[%swap3A_213, %swap3A_214] {strides = array<i32>} : memref<8x1600xf32, #tpu.memory_space<vmem>>, vector<1x16xf32>,
        %swap3A_216 = vector.shape_cast %swap3A_215 : vector<1x16xf32> to vector<16xf32>
        %swap3A_217 = vector.shape_cast %get3A_210 : vector<16xf32> to vector<1x16xf32>
        tpu.vector_store %arg11[%swap3A_213, %swap3A_214], %swap3A_217 {strides = array<i32>} : memref<8x1600xf32, #tpu.memory_space<vmem>>, vector<1x16xf32>,
        %add3A_218 = arith.constant 1 : i32
        %add3A_219 = arith.addi %add3A_162, %add3A_218 : i32
        %slice3A_220 = vector.extract_strided_slice %get3A_164 {offsets = [1], sizes = [1], strides = [1]} : vector<16xi32> to vector<1xi32>
        %squeeze3A_221 = vector.extract %slice3A_220[0] : i32 from vector<1xi32>
        %and3A_222 = arith.constant 3 : i32
        %and3A_223 = arith.andi %squeeze3A_221, %and3A_222 : i32
        %mul3A_224 = arith.constant 32 : i32
        %mul3A_225 = arith.muli %and3A_223, %mul3A_224 : i32
        %jit3A_226 = arith.constant 50 : i32
        %div3A_227 = arith.divsi %add3A_219, %jit3A_226 : i32
        %sign3A_228 = arith.constant 0 : i32
        %sign3A_229 = arith.cmpi sgt, %add3A_219, %sign3A_228 : i32
        %sign3A_230 = arith.extui %sign3A_229 : i1 to i32
        %sign3A_231 = arith.constant 0 : i32
        %sign3A_232 = arith.cmpi slt, %add3A_219, %sign3A_231 : i32
        %sign3A_233 = arith.extui %sign3A_232 : i1 to i32
        %sign3A_234 = arith.subi %sign3A_230, %sign3A_233 : i32
        %sign3A_235 = arith.constant 0 : i32
        %sign3A_236 = arith.cmpi sgt, %jit3A_226, %sign3A_235 : i32
        %sign3A_237 = arith.extui %sign3A_236 : i1 to i32
        %sign3A_238 = arith.constant 0 : i32
        %sign3A_239 = arith.cmpi slt, %jit3A_226, %sign3A_238 : i32
        %sign3A_240 = arith.extui %sign3A_239 : i1 to i32
        %sign3A_241 = arith.subi %sign3A_237, %sign3A_240 : i32
        %ne3A_242 = arith.cmpi ne, %sign3A_234, %sign3A_241 : i32
        %rem3A_243 = arith.remsi %add3A_219, %jit3A_226 : i32
        %ne3A_244 = arith.constant 0 : i32
        %ne3A_245 = arith.cmpi ne, %rem3A_243, %ne3A_244 : i32
        %and3A_246 = arith.andi %ne3A_242, %ne3A_245 : i1
        %sub3A_247 = arith.constant 1 : i32
        %sub3A_248 = arith.subi %div3A_227, %sub3A_247 : i32
        %select_n3A_249 = arith.select %and3A_246, %sub3A_248, %div3A_227 : i32
        %mul3A_250 = arith.constant 50 : i32
        %mul3A_251 = arith.muli %select_n3A_249, %mul3A_250 : i32
        %sub3A_252 = arith.subi %add3A_219, %mul3A_251 : i32
        %mul3A_253 = arith.constant 32 : i32
        %mul3A_254 = arith.muli %sub3A_252, %mul3A_253 : i32
        %get3A_255 = arith.index_cast %add3A_219 : i32 to index
        %get3A_256 = arith.index_cast %mul3A_225 : i32 to index
        %get3A_257 = tpu.vector_load %arg9[%get3A_255, %get3A_256] {strides = array<i32>} : memref<400x128xf32, #tpu.memory_space<vmem>>, vector<1x16xf32>,
        %get3A_258 = vector.shape_cast %get3A_257 : vector<1x16xf32> to vector<16xf32>
        %swap3A_259 = arith.index_cast %select_n3A_249 : i32 to index
        %swap3A_260 = arith.index_cast %mul3A_254 : i32 to index
        %swap3A_261 = tpu.vector_load %arg11[%swap3A_259, %swap3A_260] {strides = array<i32>} : memref<8x1600xf32, #tpu.memory_space<vmem>>, vector<1x16xf32>,
        %swap3A_262 = vector.shape_cast %swap3A_261 : vector<1x16xf32> to vector<16xf32>
        %swap3A_263 = vector.shape_cast %get3A_258 : vector<16xf32> to vector<1x16xf32>
        tpu.vector_store %arg11[%swap3A_259, %swap3A_260], %swap3A_263 {strides = array<i32>} : memref<8x1600xf32, #tpu.memory_space<vmem>>, vector<1x16xf32>,
        %add3A_264 = arith.constant 16 : i32
        %add3A_265 = arith.addi %mul3A_225, %add3A_264 : i32
        %get3A_266 = arith.index_cast %add3A_219 : i32 to index
        %get3A_267 = arith.index_cast %add3A_265 : i32 to index
        %get3A_268 = tpu.vector_load %arg9[%get3A_266, %get3A_267] {strides = array<i32>} : memref<400x128xf32, #tpu.memory_space<vmem>>, vector<1x16xf32>,
        %get3A_269 = vector.shape_cast %get3A_268 : vector<1x16xf32> to vector<16xf32>
        %add3A_270 = arith.constant 16 : i32
        %add3A_271 = arith.addi %mul3A_254, %add3A_270 : i32
        %swap3A_272 = arith.index_cast %select_n3A_249 : i32 to index
        %swap3A_273 = arith.index_cast %add3A_271 : i32 to index
        %swap3A_274 = tpu.vector_load %arg11[%swap3A_272, %swap3A_273] {strides = array<i32>} : memref<8x1600xf32, #tpu.memory_space<vmem>>, vector<1x16xf32>,
        %swap3A_275 = vector.shape_cast %swap3A_274 : vector<1x16xf32> to vector<16xf32>
        %swap3A_276 = vector.shape_cast %get3A_269 : vector<16xf32> to vector<1x16xf32>
        tpu.vector_store %arg11[%swap3A_272, %swap3A_273], %swap3A_276 {strides = array<i32>} : memref<8x1600xf32, #tpu.memory_space<vmem>>, vector<1x16xf32>,
        %add3A_277 = arith.constant 2 : i32
        %add3A_278 = arith.addi %add3A_162, %add3A_277 : i32
        %slice3A_279 = vector.extract_strided_slice %get3A_164 {offsets = [2], sizes = [1], strides = [1]} : vector<16xi32> to vector<1xi32>
        %squeeze3A_280 = vector.extract %slice3A_279[0] : i32 from vector<1xi32>
        %and3A_281 = arith.constant 3 : i32
        %and3A_282 = arith.andi %squeeze3A_280, %and3A_281 : i32
        %mul3A_283 = arith.constant 32 : i32
        %mul3A_284 = arith.muli %and3A_282, %mul3A_283 : i32
        %jit3A_285 = arith.constant 50 : i32
        %div3A_286 = arith.divsi %add3A_278, %jit3A_285 : i32
        %sign3A_287 = arith.constant 0 : i32
        %sign3A_288 = arith.cmpi sgt, %add3A_278, %sign3A_287 : i32
        %sign3A_289 = arith.extui %sign3A_288 : i1 to i32
        %sign3A_290 = arith.constant 0 : i32
        %sign3A_291 = arith.cmpi slt, %add3A_278, %sign3A_290 : i32
        %sign3A_292 = arith.extui %sign3A_291 : i1 to i32
        %sign3A_293 = arith.subi %sign3A_289, %sign3A_292 : i32
        %sign3A_294 = arith.constant 0 : i32
        %sign3A_295 = arith.cmpi sgt, %jit3A_285, %sign3A_294 : i32
        %sign3A_296 = arith.extui %sign3A_295 : i1 to i32
        %sign3A_297 = arith.constant 0 : i32
        %sign3A_298 = arith.cmpi slt, %jit3A_285, %sign3A_297 : i32
        %sign3A_299 = arith.extui %sign3A_298 : i1 to i32
        %sign3A_300 = arith.subi %sign3A_296, %sign3A_299 : i32
        %ne3A_301 = arith.cmpi ne, %sign3A_293, %sign3A_300 : i32
        %rem3A_302 = arith.remsi %add3A_278, %jit3A_285 : i32
        %ne3A_303 = arith.constant 0 : i32
        %ne3A_304 = arith.cmpi ne, %rem3A_302, %ne3A_303 : i32
        %and3A_305 = arith.andi %ne3A_301, %ne3A_304 : i1
        %sub3A_306 = arith.constant 1 : i32
        %sub3A_307 = arith.subi %div3A_286, %sub3A_306 : i32
        %select_n3A_308 = arith.select %and3A_305, %sub3A_307, %div3A_286 : i32
        %mul3A_309 = arith.constant 50 : i32
        %mul3A_310 = arith.muli %select_n3A_308, %mul3A_309 : i32
        %sub3A_311 = arith.subi %add3A_278, %mul3A_310 : i32
        %mul3A_312 = arith.constant 32 : i32
        %mul3A_313 = arith.muli %sub3A_311, %mul3A_312 : i32
        %get3A_314 = arith.index_cast %add3A_278 : i32 to index
        %get3A_315 = arith.index_cast %mul3A_284 : i32 to index
        %get3A_316 = tpu.vector_load %arg9[%get3A_314, %get3A_315] {strides = array<i32>} : memref<400x128xf32, #tpu.memory_space<vmem>>, vector<1x16xf32>,
        %get3A_317 = vector.shape_cast %get3A_316 : vector<1x16xf32> to vector<16xf32>
        %swap3A_318 = arith.index_cast %select_n3A_308 : i32 to index
        %swap3A_319 = arith.index_cast %mul3A_313 : i32 to index
        %swap3A_320 = tpu.vector_load %arg11[%swap3A_318, %swap3A_319] {strides = array<i32>} : memref<8x1600xf32, #tpu.memory_space<vmem>>, vector<1x16xf32>,
        %swap3A_321 = vector.shape_cast %swap3A_320 : vector<1x16xf32> to vector<16xf32>
        %swap3A_322 = vector.shape_cast %get3A_317 : vector<16xf32> to vector<1x16xf32>
        tpu.vector_store %arg11[%swap3A_318, %swap3A_319], %swap3A_322 {strides = array<i32>} : memref<8x1600xf32, #tpu.memory_space<vmem>>, vector<1x16xf32>,
        %add3A_323 = arith.constant 16 : i32
        %add3A_324 = arith.addi %mul3A_284, %add3A_323 : i32
        %get3A_325 = arith.index_cast %add3A_278 : i32 to index
        %get3A_326 = arith.index_cast %add3A_324 : i32 to index
        %get3A_327 = tpu.vector_load %arg9[%get3A_325, %get3A_326] {strides = array<i32>} : memref<400x128xf32, #tpu.memory_space<vmem>>, vector<1x16xf32>,
        %get3A_328 = vector.shape_cast %get3A_327 : vector<1x16xf32> to vector<16xf32>
        %add3A_329 = arith.constant 16 : i32
        %add3A_330 = arith.addi %mul3A_313, %add3A_329 : i32
        %swap3A_331 = arith.index_cast %select_n3A_308 : i32 to index
        %swap3A_332 = arith.index_cast %add3A_330 : i32 to index
        %swap3A_333 = tpu.vector_load %arg11[%swap3A_331, %swap3A_332] {strides = array<i32>} : memref<8x1600xf32, #tpu.memory_space<vmem>>, vector<1x16xf32>,
        %swap3A_334 = vector.shape_cast %swap3A_333 : vector<1x16xf32> to vector<16xf32>
        %swap3A_335 = vector.shape_cast %get3A_328 : vector<16xf32> to vector<1x16xf32>
        tpu.vector_store %arg11[%swap3A_331, %swap3A_332], %swap3A_335 {strides = array<i32>} : memref<8x1600xf32, #tpu.memory_space<vmem>>, vector<1x16xf32>,
        %add3A_336 = arith.constant 3 : i32
        %add3A_337 = arith.addi %add3A_162, %add3A_336 : i32
        %slice3A_338 = vector.extract_strided_slice %get3A_164 {offsets = [3], sizes = [1], strides = [1]} : vector<16xi32> to vector<1xi32>
        %squeeze3A_339 = vector.extract %slice3A_338[0] : i32 from vector<1xi32>
        %and3A_340 = arith.constant 3 : i32
        %and3A_341 = arith.andi %squeeze3A_339, %and3A_340 : i32
        %mul3A_342 = arith.constant 32 : i32
        %mul3A_343 = arith.muli %and3A_341, %mul3A_342 : i32
        %jit3A_344 = arith.constant 50 : i32
        %div3A_345 = arith.divsi %add3A_337, %jit3A_344 : i32
        %sign3A_346 = arith.constant 0 : i32
        %sign3A_347 = arith.cmpi sgt, %add3A_337, %sign3A_346 : i32
        %sign3A_348 = arith.extui %sign3A_347 : i1 to i32
        %sign3A_349 = arith.constant 0 : i32
        %sign3A_350 = arith.cmpi slt, %add3A_337, %sign3A_349 : i32
        %sign3A_351 = arith.extui %sign3A_350 : i1 to i32
        %sign3A_352 = arith.subi %sign3A_348, %sign3A_351 : i32
        %sign3A_353 = arith.constant 0 : i32
        %sign3A_354 = arith.cmpi sgt, %jit3A_344, %sign3A_353 : i32
        %sign3A_355 = arith.extui %sign3A_354 : i1 to i32
        %sign3A_356 = arith.constant 0 : i32
        %sign3A_357 = arith.cmpi slt, %jit3A_344, %sign3A_356 : i32
        %sign3A_358 = arith.extui %sign3A_357 : i1 to i32
        %sign3A_359 = arith.subi %sign3A_355, %sign3A_358 : i32
        %ne3A_360 = arith.cmpi ne, %sign3A_352, %sign3A_359 : i32
        %rem3A_361 = arith.remsi %add3A_337, %jit3A_344 : i32
        %ne3A_362 = arith.constant 0 : i32
        %ne3A_363 = arith.cmpi ne, %rem3A_361, %ne3A_362 : i32
        %and3A_364 = arith.andi %ne3A_360, %ne3A_363 : i1
        %sub3A_365 = arith.constant 1 : i32
        %sub3A_366 = arith.subi %div3A_345, %sub3A_365 : i32
        %select_n3A_367 = arith.select %and3A_364, %sub3A_366, %div3A_345 : i32
        %mul3A_368 = arith.constant 50 : i32
        %mul3A_369 = arith.muli %select_n3A_367, %mul3A_368 : i32
        %sub3A_370 = arith.subi %add3A_337, %mul3A_369 : i32
        %mul3A_371 = arith.constant 32 : i32
        %mul3A_372 = arith.muli %sub3A_370, %mul3A_371 : i32
        %get3A_373 = arith.index_cast %add3A_337 : i32 to index
        %get3A_374 = arith.index_cast %mul3A_343 : i32 to index
        %get3A_375 = tpu.vector_load %arg9[%get3A_373, %get3A_374] {strides = array<i32>} : memref<400x128xf32, #tpu.memory_space<vmem>>, vector<1x16xf32>,
        %get3A_376 = vector.shape_cast %get3A_375 : vector<1x16xf32> to vector<16xf32>
        %swap3A_377 = arith.index_cast %select_n3A_367 : i32 to index
        %swap3A_378 = arith.index_cast %mul3A_372 : i32 to index
        %swap3A_379 = tpu.vector_load %arg11[%swap3A_377, %swap3A_378] {strides = array<i32>} : memref<8x1600xf32, #tpu.memory_space<vmem>>, vector<1x16xf32>,
        %swap3A_380 = vector.shape_cast %swap3A_379 : vector<1x16xf32> to vector<16xf32>
        %swap3A_381 = vector.shape_cast %get3A_376 : vector<16xf32> to vector<1x16xf32>
        tpu.vector_store %arg11[%swap3A_377, %swap3A_378], %swap3A_381 {strides = array<i32>} : memref<8x1600xf32, #tpu.memory_space<vmem>>, vector<1x16xf32>,
        %add3A_382 = arith.constant 16 : i32
        %add3A_383 = arith.addi %mul3A_343, %add3A_382 : i32
        %get3A_384 = arith.index_cast %add3A_337 : i32 to index
        %get3A_385 = arith.index_cast %add3A_383 : i32 to index
        %get3A_386 = tpu.vector_load %arg9[%get3A_384, %get3A_385] {strides = array<i32>} : memref<400x128xf32, #tpu.memory_space<vmem>>, vector<1x16xf32>,
        %get3A_387 = vector.shape_cast %get3A_386 : vector<1x16xf32> to vector<16xf32>
        %add3A_388 = arith.constant 16 : i32
        %add3A_389 = arith.addi %mul3A_372, %add3A_388 : i32
        %swap3A_390 = arith.index_cast %select_n3A_367 : i32 to index
        %swap3A_391 = arith.index_cast %add3A_389 : i32 to index
        %swap3A_392 = tpu.vector_load %arg11[%swap3A_390, %swap3A_391] {strides = array<i32>} : memref<8x1600xf32, #tpu.memory_space<vmem>>, vector<1x16xf32>,
        %swap3A_393 = vector.shape_cast %swap3A_392 : vector<1x16xf32> to vector<16xf32>
        %swap3A_394 = vector.shape_cast %get3A_387 : vector<16xf32> to vector<1x16xf32>
        tpu.vector_store %arg11[%swap3A_390, %swap3A_391], %swap3A_394 {strides = array<i32>} : memref<8x1600xf32, #tpu.memory_space<vmem>>, vector<1x16xf32>,
        %add3A_395 = arith.constant 4 : i32
        %add3A_396 = arith.addi %add3A_162, %add3A_395 : i32
        %slice3A_397 = vector.extract_strided_slice %get3A_164 {offsets = [4], sizes = [1], strides = [1]} : vector<16xi32> to vector<1xi32>
        %squeeze3A_398 = vector.extract %slice3A_397[0] : i32 from vector<1xi32>
        %and3A_399 = arith.constant 3 : i32
        %and3A_400 = arith.andi %squeeze3A_398, %and3A_399 : i32
        %mul3A_401 = arith.constant 32 : i32
        %mul3A_402 = arith.muli %and3A_400, %mul3A_401 : i32
        %jit3A_403 = arith.constant 50 : i32
        %div3A_404 = arith.divsi %add3A_396, %jit3A_403 : i32
        %sign3A_405 = arith.constant 0 : i32
        %sign3A_406 = arith.cmpi sgt, %add3A_396, %sign3A_405 : i32
        %sign3A_407 = arith.extui %sign3A_406 : i1 to i32
        %sign3A_408 = arith.constant 0 : i32
        %sign3A_409 = arith.cmpi slt, %add3A_396, %sign3A_408 : i32
        %sign3A_410 = arith.extui %sign3A_409 : i1 to i32
        %sign3A_411 = arith.subi %sign3A_407, %sign3A_410 : i32
        %sign3A_412 = arith.constant 0 : i32
        %sign3A_413 = arith.cmpi sgt, %jit3A_403, %sign3A_412 : i32
        %sign3A_414 = arith.extui %sign3A_413 : i1 to i32
        %sign3A_415 = arith.constant 0 : i32
        %sign3A_416 = arith.cmpi slt, %jit3A_403, %sign3A_415 : i32
        %sign3A_417 = arith.extui %sign3A_416 : i1 to i32
        %sign3A_418 = arith.subi %sign3A_414, %sign3A_417 : i32
        %ne3A_419 = arith.cmpi ne, %sign3A_411, %sign3A_418 : i32
        %rem3A_420 = arith.remsi %add3A_396, %jit3A_403 : i32
        %ne3A_421 = arith.constant 0 : i32
        %ne3A_422 = arith.cmpi ne, %rem3A_420, %ne3A_421 : i32
        %and3A_423 = arith.andi %ne3A_419, %ne3A_422 : i1
        %sub3A_424 = arith.constant 1 : i32
        %sub3A_425 = arith.subi %div3A_404, %sub3A_424 : i32
        %select_n3A_426 = arith.select %and3A_423, %sub3A_425, %div3A_404 : i32
        %mul3A_427 = arith.constant 50 : i32
        %mul3A_428 = arith.muli %select_n3A_426, %mul3A_427 : i32
        %sub3A_429 = arith.subi %add3A_396, %mul3A_428 : i32
        %mul3A_430 = arith.constant 32 : i32
        %mul3A_431 = arith.muli %sub3A_429, %mul3A_430 : i32
        %get3A_432 = arith.index_cast %add3A_396 : i32 to index
        %get3A_433 = arith.index_cast %mul3A_402 : i32 to index
        %get3A_434 = tpu.vector_load %arg9[%get3A_432, %get3A_433] {strides = array<i32>} : memref<400x128xf32, #tpu.memory_space<vmem>>, vector<1x16xf32>,
        %get3A_435 = vector.shape_cast %get3A_434 : vector<1x16xf32> to vector<16xf32>
        %swap3A_436 = arith.index_cast %select_n3A_426 : i32 to index
        %swap3A_437 = arith.index_cast %mul3A_431 : i32 to index
        %swap3A_438 = tpu.vector_load %arg11[%swap3A_436, %swap3A_437] {strides = array<i32>} : memref<8x1600xf32, #tpu.memory_space<vmem>>, vector<1x16xf32>,
        %swap3A_439 = vector.shape_cast %swap3A_438 : vector<1x16xf32> to vector<16xf32>
        %swap3A_440 = vector.shape_cast %get3A_435 : vector<16xf32> to vector<1x16xf32>
        tpu.vector_store %arg11[%swap3A_436, %swap3A_437], %swap3A_440 {strides = array<i32>} : memref<8x1600xf32, #tpu.memory_space<vmem>>, vector<1x16xf32>,
        %add3A_441 = arith.constant 16 : i32
        %add3A_442 = arith.addi %mul3A_402, %add3A_441 : i32
        %get3A_443 = arith.index_cast %add3A_396 : i32 to index
        %get3A_444 = arith.index_cast %add3A_442 : i32 to index
        %get3A_445 = tpu.vector_load %arg9[%get3A_443, %get3A_444] {strides = array<i32>} : memref<400x128xf32, #tpu.memory_space<vmem>>, vector<1x16xf32>,
        %get3A_446 = vector.shape_cast %get3A_445 : vector<1x16xf32> to vector<16xf32>
        %add3A_447 = arith.constant 16 : i32
        %add3A_448 = arith.addi %mul3A_431, %add3A_447 : i32
        %swap3A_449 = arith.index_cast %select_n3A_426 : i32 to index
        %swap3A_450 = arith.index_cast %add3A_448 : i32 to index
        %swap3A_451 = tpu.vector_load %arg11[%swap3A_449, %swap3A_450] {strides = array<i32>} : memref<8x1600xf32, #tpu.memory_space<vmem>>, vector<1x16xf32>,
        %swap3A_452 = vector.shape_cast %swap3A_451 : vector<1x16xf32> to vector<16xf32>
        %swap3A_453 = vector.shape_cast %get3A_446 : vector<16xf32> to vector<1x16xf32>
        tpu.vector_store %arg11[%swap3A_449, %swap3A_450], %swap3A_453 {strides = array<i32>} : memref<8x1600xf32, #tpu.memory_space<vmem>>, vector<1x16xf32>,
        %add3A_454 = arith.constant 5 : i32
        %add3A_455 = arith.addi %add3A_162, %add3A_454 : i32
        %slice3A_456 = vector.extract_strided_slice %get3A_164 {offsets = [5], sizes = [1], strides = [1]} : vector<16xi32> to vector<1xi32>
        %squeeze3A_457 = vector.extract %slice3A_456[0] : i32 from vector<1xi32>
        %and3A_458 = arith.constant 3 : i32
        %and3A_459 = arith.andi %squeeze3A_457, %and3A_458 : i32
        %mul3A_460 = arith.constant 32 : i32
        %mul3A_461 = arith.muli %and3A_459, %mul3A_460 : i32
        %jit3A_462 = arith.constant 50 : i32
        %div3A_463 = arith.divsi %add3A_455, %jit3A_462 : i32
        %sign3A_464 = arith.constant 0 : i32
        %sign3A_465 = arith.cmpi sgt, %add3A_455, %sign3A_464 : i32
        %sign3A_466 = arith.extui %sign3A_465 : i1 to i32
        %sign3A_467 = arith.constant 0 : i32
        %sign3A_468 = arith.cmpi slt, %add3A_455, %sign3A_467 : i32
        %sign3A_469 = arith.extui %sign3A_468 : i1 to i32
        %sign3A_470 = arith.subi %sign3A_466, %sign3A_469 : i32
        %sign3A_471 = arith.constant 0 : i32
        %sign3A_472 = arith.cmpi sgt, %jit3A_462, %sign3A_471 : i32
        %sign3A_473 = arith.extui %sign3A_472 : i1 to i32
        %sign3A_474 = arith.constant 0 : i32
        %sign3A_475 = arith.cmpi slt, %jit3A_462, %sign3A_474 : i32
        %sign3A_476 = arith.extui %sign3A_475 : i1 to i32
        %sign3A_477 = arith.subi %sign3A_473, %sign3A_476 : i32
        %ne3A_478 = arith.cmpi ne, %sign3A_470, %sign3A_477 : i32
        %rem3A_479 = arith.remsi %add3A_455, %jit3A_462 : i32
        %ne3A_480 = arith.constant 0 : i32
        %ne3A_481 = arith.cmpi ne, %rem3A_479, %ne3A_480 : i32
        %and3A_482 = arith.andi %ne3A_478, %ne3A_481 : i1
        %sub3A_483 = arith.constant 1 : i32
        %sub3A_484 = arith.subi %div3A_463, %sub3A_483 : i32
        %select_n3A_485 = arith.select %and3A_482, %sub3A_484, %div3A_463 : i32
        %mul3A_486 = arith.constant 50 : i32
        %mul3A_487 = arith.muli %select_n3A_485, %mul3A_486 : i32
        %sub3A_488 = arith.subi %add3A_455, %mul3A_487 : i32
        %mul3A_489 = arith.constant 32 : i32
        %mul3A_490 = arith.muli %sub3A_488, %mul3A_489 : i32
        %get3A_491 = arith.index_cast %add3A_455 : i32 to index
        %get3A_492 = arith.index_cast %mul3A_461 : i32 to index
        %get3A_493 = tpu.vector_load %arg9[%get3A_491, %get3A_492] {strides = array<i32>} : memref<400x128xf32, #tpu.memory_space<vmem>>, vector<1x16xf32>,
        %get3A_494 = vector.shape_cast %get3A_493 : vector<1x16xf32> to vector<16xf32>
        %swap3A_495 = arith.index_cast %select_n3A_485 : i32 to index
        %swap3A_496 = arith.index_cast %mul3A_490 : i32 to index
        %swap3A_497 = tpu.vector_load %arg11[%swap3A_495, %swap3A_496] {strides = array<i32>} : memref<8x1600xf32, #tpu.memory_space<vmem>>, vector<1x16xf32>,
        %swap3A_498 = vector.shape_cast %swap3A_497 : vector<1x16xf32> to vector<16xf32>
        %swap3A_499 = vector.shape_cast %get3A_494 : vector<16xf32> to vector<1x16xf32>
        tpu.vector_store %arg11[%swap3A_495, %swap3A_496], %swap3A_499 {strides = array<i32>} : memref<8x1600xf32, #tpu.memory_space<vmem>>, vector<1x16xf32>,
        %add3A_500 = arith.constant 16 : i32
        %add3A_501 = arith.addi %mul3A_461, %add3A_500 : i32
        %get3A_502 = arith.index_cast %add3A_455 : i32 to index
        %get3A_503 = arith.index_cast %add3A_501 : i32 to index
        %get3A_504 = tpu.vector_load %arg9[%get3A_502, %get3A_503] {strides = array<i32>} : memref<400x128xf32, #tpu.memory_space<vmem>>, vector<1x16xf32>,
        %get3A_505 = vector.shape_cast %get3A_504 : vector<1x16xf32> to vector<16xf32>
        %add3A_506 = arith.constant 16 : i32
        %add3A_507 = arith.addi %mul3A_490, %add3A_506 : i32
        %swap3A_508 = arith.index_cast %select_n3A_485 : i32 to index
        %swap3A_509 = arith.index_cast %add3A_507 : i32 to index
        %swap3A_510 = tpu.vector_load %arg11[%swap3A_508, %swap3A_509] {strides = array<i32>} : memref<8x1600xf32, #tpu.memory_space<vmem>>, vector<1x16xf32>,
        %swap3A_511 = vector.shape_cast %swap3A_510 : vector<1x16xf32> to vector<16xf32>
        %swap3A_512 = vector.shape_cast %get3A_505 : vector<16xf32> to vector<1x16xf32>
        tpu.vector_store %arg11[%swap3A_508, %swap3A_509], %swap3A_512 {strides = array<i32>} : memref<8x1600xf32, #tpu.memory_space<vmem>>, vector<1x16xf32>,
        %add3A_513 = arith.constant 6 : i32
        %add3A_514 = arith.addi %add3A_162, %add3A_513 : i32
        %slice3A_515 = vector.extract_strided_slice %get3A_164 {offsets = [6], sizes = [1], strides = [1]} : vector<16xi32> to vector<1xi32>
        %squeeze3A_516 = vector.extract %slice3A_515[0] : i32 from vector<1xi32>
        %and3A_517 = arith.constant 3 : i32
        %and3A_518 = arith.andi %squeeze3A_516, %and3A_517 : i32
        %mul3A_519 = arith.constant 32 : i32
        %mul3A_520 = arith.muli %and3A_518, %mul3A_519 : i32
        %jit3A_521 = arith.constant 50 : i32
        %div3A_522 = arith.divsi %add3A_514, %jit3A_521 : i32
        %sign3A_523 = arith.constant 0 : i32
        %sign3A_524 = arith.cmpi sgt, %add3A_514, %sign3A_523 : i32
        %sign3A_525 = arith.extui %sign3A_524 : i1 to i32
        %sign3A_526 = arith.constant 0 : i32
        %sign3A_527 = arith.cmpi slt, %add3A_514, %sign3A_526 : i32
        %sign3A_528 = arith.extui %sign3A_527 : i1 to i32
        %sign3A_529 = arith.subi %sign3A_525, %sign3A_528 : i32
        %sign3A_530 = arith.constant 0 : i32
        %sign3A_531 = arith.cmpi sgt, %jit3A_521, %sign3A_530 : i32
        %sign3A_532 = arith.extui %sign3A_531 : i1 to i32
        %sign3A_533 = arith.constant 0 : i32
        %sign3A_534 = arith.cmpi slt, %jit3A_521, %sign3A_533 : i32
        %sign3A_535 = arith.extui %sign3A_534 : i1 to i32
        %sign3A_536 = arith.subi %sign3A_532, %sign3A_535 : i32
        %ne3A_537 = arith.cmpi ne, %sign3A_529, %sign3A_536 : i32
        %rem3A_538 = arith.remsi %add3A_514, %jit3A_521 : i32
        %ne3A_539 = arith.constant 0 : i32
        %ne3A_540 = arith.cmpi ne, %rem3A_538, %ne3A_539 : i32
        %and3A_541 = arith.andi %ne3A_537, %ne3A_540 : i1
        %sub3A_542 = arith.constant 1 : i32
        %sub3A_543 = arith.subi %div3A_522, %sub3A_542 : i32
        %select_n3A_544 = arith.select %and3A_541, %sub3A_543, %div3A_522 : i32
        %mul3A_545 = arith.constant 50 : i32
        %mul3A_546 = arith.muli %select_n3A_544, %mul3A_545 : i32
        %sub3A_547 = arith.subi %add3A_514, %mul3A_546 : i32
        %mul3A_548 = arith.constant 32 : i32
        %mul3A_549 = arith.muli %sub3A_547, %mul3A_548 : i32
        %get3A_550 = arith.index_cast %add3A_514 : i32 to index
        %get3A_551 = arith.index_cast %mul3A_520 : i32 to index
        %get3A_552 = tpu.vector_load %arg9[%get3A_550, %get3A_551] {strides = array<i32>} : memref<400x128xf32, #tpu.memory_space<vmem>>, vector<1x16xf32>,
        %get3A_553 = vector.shape_cast %get3A_552 : vector<1x16xf32> to vector<16xf32>
        %swap3A_554 = arith.index_cast %select_n3A_544 : i32 to index
        %swap3A_555 = arith.index_cast %mul3A_549 : i32 to index
        %swap3A_556 = tpu.vector_load %arg11[%swap3A_554, %swap3A_555] {strides = array<i32>} : memref<8x1600xf32, #tpu.memory_space<vmem>>, vector<1x16xf32>,
        %swap3A_557 = vector.shape_cast %swap3A_556 : vector<1x16xf32> to vector<16xf32>
        %swap3A_558 = vector.shape_cast %get3A_553 : vector<16xf32> to vector<1x16xf32>
        tpu.vector_store %arg11[%swap3A_554, %swap3A_555], %swap3A_558 {strides = array<i32>} : memref<8x1600xf32, #tpu.memory_space<vmem>>, vector<1x16xf32>,
        %add3A_559 = arith.constant 16 : i32
        %add3A_560 = arith.addi %mul3A_520, %add3A_559 : i32
        %get3A_561 = arith.index_cast %add3A_514 : i32 to index
        %get3A_562 = arith.index_cast %add3A_560 : i32 to index
        %get3A_563 = tpu.vector_load %arg9[%get3A_561, %get3A_562] {strides = array<i32>} : memref<400x128xf32, #tpu.memory_space<vmem>>, vector<1x16xf32>,
        %get3A_564 = vector.shape_cast %get3A_563 : vector<1x16xf32> to vector<16xf32>
        %add3A_565 = arith.constant 16 : i32
        %add3A_566 = arith.addi %mul3A_549, %add3A_565 : i32
        %swap3A_567 = arith.index_cast %select_n3A_544 : i32 to index
        %swap3A_568 = arith.index_cast %add3A_566 : i32 to index
        %swap3A_569 = tpu.vector_load %arg11[%swap3A_567, %swap3A_568] {strides = array<i32>} : memref<8x1600xf32, #tpu.memory_space<vmem>>, vector<1x16xf32>,
        %swap3A_570 = vector.shape_cast %swap3A_569 : vector<1x16xf32> to vector<16xf32>
        %swap3A_571 = vector.shape_cast %get3A_564 : vector<16xf32> to vector<1x16xf32>
        tpu.vector_store %arg11[%swap3A_567, %swap3A_568], %swap3A_571 {strides = array<i32>} : memref<8x1600xf32, #tpu.memory_space<vmem>>, vector<1x16xf32>,
        %add3A_572 = arith.constant 7 : i32
        %add3A_573 = arith.addi %add3A_162, %add3A_572 : i32
        %slice3A_574 = vector.extract_strided_slice %get3A_164 {offsets = [7], sizes = [1], strides = [1]} : vector<16xi32> to vector<1xi32>
        %squeeze3A_575 = vector.extract %slice3A_574[0] : i32 from vector<1xi32>
        %and3A_576 = arith.constant 3 : i32
        %and3A_577 = arith.andi %squeeze3A_575, %and3A_576 : i32
        %mul3A_578 = arith.constant 32 : i32
        %mul3A_579 = arith.muli %and3A_577, %mul3A_578 : i32
        %jit3A_580 = arith.constant 50 : i32
        %div3A_581 = arith.divsi %add3A_573, %jit3A_580 : i32
        %sign3A_582 = arith.constant 0 : i32
        %sign3A_583 = arith.cmpi sgt, %add3A_573, %sign3A_582 : i32
        %sign3A_584 = arith.extui %sign3A_583 : i1 to i32
        %sign3A_585 = arith.constant 0 : i32
        %sign3A_586 = arith.cmpi slt, %add3A_573, %sign3A_585 : i32
        %sign3A_587 = arith.extui %sign3A_586 : i1 to i32
        %sign3A_588 = arith.subi %sign3A_584, %sign3A_587 : i32
        %sign3A_589 = arith.constant 0 : i32
        %sign3A_590 = arith.cmpi sgt, %jit3A_580, %sign3A_589 : i32
        %sign3A_591 = arith.extui %sign3A_590 : i1 to i32
        %sign3A_592 = arith.constant 0 : i32
        %sign3A_593 = arith.cmpi slt, %jit3A_580, %sign3A_592 : i32
        %sign3A_594 = arith.extui %sign3A_593 : i1 to i32
        %sign3A_595 = arith.subi %sign3A_591, %sign3A_594 : i32
        %ne3A_596 = arith.cmpi ne, %sign3A_588, %sign3A_595 : i32
        %rem3A_597 = arith.remsi %add3A_573, %jit3A_580 : i32
        %ne3A_598 = arith.constant 0 : i32
        %ne3A_599 = arith.cmpi ne, %rem3A_597, %ne3A_598 : i32
        %and3A_600 = arith.andi %ne3A_596, %ne3A_599 : i1
        %sub3A_601 = arith.constant 1 : i32
        %sub3A_602 = arith.subi %div3A_581, %sub3A_601 : i32
        %select_n3A_603 = arith.select %and3A_600, %sub3A_602, %div3A_581 : i32
        %mul3A_604 = arith.constant 50 : i32
        %mul3A_605 = arith.muli %select_n3A_603, %mul3A_604 : i32
        %sub3A_606 = arith.subi %add3A_573, %mul3A_605 : i32
        %mul3A_607 = arith.constant 32 : i32
        %mul3A_608 = arith.muli %sub3A_606, %mul3A_607 : i32
        %get3A_609 = arith.index_cast %add3A_573 : i32 to index
        %get3A_610 = arith.index_cast %mul3A_579 : i32 to index
        %get3A_611 = tpu.vector_load %arg9[%get3A_609, %get3A_610] {strides = array<i32>} : memref<400x128xf32, #tpu.memory_space<vmem>>, vector<1x16xf32>,
        %get3A_612 = vector.shape_cast %get3A_611 : vector<1x16xf32> to vector<16xf32>
        %swap3A_613 = arith.index_cast %select_n3A_603 : i32 to index
        %swap3A_614 = arith.index_cast %mul3A_608 : i32 to index
        %swap3A_615 = tpu.vector_load %arg11[%swap3A_613, %swap3A_614] {strides = array<i32>} : memref<8x1600xf32, #tpu.memory_space<vmem>>, vector<1x16xf32>,
        %swap3A_616 = vector.shape_cast %swap3A_615 : vector<1x16xf32> to vector<16xf32>
        %swap3A_617 = vector.shape_cast %get3A_612 : vector<16xf32> to vector<1x16xf32>
        tpu.vector_store %arg11[%swap3A_613, %swap3A_614], %swap3A_617 {strides = array<i32>} : memref<8x1600xf32, #tpu.memory_space<vmem>>, vector<1x16xf32>,
        %add3A_618 = arith.constant 16 : i32
        %add3A_619 = arith.addi %mul3A_579, %add3A_618 : i32
        %get3A_620 = arith.index_cast %add3A_573 : i32 to index
        %get3A_621 = arith.index_cast %add3A_619 : i32 to index
        %get3A_622 = tpu.vector_load %arg9[%get3A_620, %get3A_621] {strides = array<i32>} : memref<400x128xf32, #tpu.memory_space<vmem>>, vector<1x16xf32>,
        %get3A_623 = vector.shape_cast %get3A_622 : vector<1x16xf32> to vector<16xf32>
        %add3A_624 = arith.constant 16 : i32
        %add3A_625 = arith.addi %mul3A_608, %add3A_624 : i32
        %swap3A_626 = arith.index_cast %select_n3A_603 : i32 to index
        %swap3A_627 = arith.index_cast %add3A_625 : i32 to index
        %swap3A_628 = tpu.vector_load %arg11[%swap3A_626, %swap3A_627] {strides = array<i32>} : memref<8x1600xf32, #tpu.memory_space<vmem>>, vector<1x16xf32>,
        %swap3A_629 = vector.shape_cast %swap3A_628 : vector<1x16xf32> to vector<16xf32>
        %swap3A_630 = vector.shape_cast %get3A_623 : vector<16xf32> to vector<1x16xf32>
        tpu.vector_store %arg11[%swap3A_626, %swap3A_627], %swap3A_630 {strides = array<i32>} : memref<8x1600xf32, #tpu.memory_space<vmem>>, vector<1x16xf32>,
        %add3A_631 = arith.constant 8 : i32
        %add3A_632 = arith.addi %add3A_162, %add3A_631 : i32
        %slice3A_633 = vector.extract_strided_slice %get3A_164 {offsets = [8], sizes = [1], strides = [1]} : vector<16xi32> to vector<1xi32>
        %squeeze3A_634 = vector.extract %slice3A_633[0] : i32 from vector<1xi32>
        %and3A_635 = arith.constant 3 : i32
        %and3A_636 = arith.andi %squeeze3A_634, %and3A_635 : i32
        %mul3A_637 = arith.constant 32 : i32
        %mul3A_638 = arith.muli %and3A_636, %mul3A_637 : i32
        %jit3A_639 = arith.constant 50 : i32
        %div3A_640 = arith.divsi %add3A_632, %jit3A_639 : i32
        %sign3A_641 = arith.constant 0 : i32
        %sign3A_642 = arith.cmpi sgt, %add3A_632, %sign3A_641 : i32
        %sign3A_643 = arith.extui %sign3A_642 : i1 to i32
        %sign3A_644 = arith.constant 0 : i32
        %sign3A_645 = arith.cmpi slt, %add3A_632, %sign3A_644 : i32
        %sign3A_646 = arith.extui %sign3A_645 : i1 to i32
        %sign3A_647 = arith.subi %sign3A_643, %sign3A_646 : i32
        %sign3A_648 = arith.constant 0 : i32
        %sign3A_649 = arith.cmpi sgt, %jit3A_639, %sign3A_648 : i32
        %sign3A_650 = arith.extui %sign3A_649 : i1 to i32
        %sign3A_651 = arith.constant 0 : i32
        %sign3A_652 = arith.cmpi slt, %jit3A_639, %sign3A_651 : i32
        %sign3A_653 = arith.extui %sign3A_652 : i1 to i32
        %sign3A_654 = arith.subi %sign3A_650, %sign3A_653 : i32
        %ne3A_655 = arith.cmpi ne, %sign3A_647, %sign3A_654 : i32
        %rem3A_656 = arith.remsi %add3A_632, %jit3A_639 : i32
        %ne3A_657 = arith.constant 0 : i32
        %ne3A_658 = arith.cmpi ne, %rem3A_656, %ne3A_657 : i32
        %and3A_659 = arith.andi %ne3A_655, %ne3A_658 : i1
        %sub3A_660 = arith.constant 1 : i32
        %sub3A_661 = arith.subi %div3A_640, %sub3A_660 : i32
        %select_n3A_662 = arith.select %and3A_659, %sub3A_661, %div3A_640 : i32
        %mul3A_663 = arith.constant 50 : i32
        %mul3A_664 = arith.muli %select_n3A_662, %mul3A_663 : i32
        %sub3A_665 = arith.subi %add3A_632, %mul3A_664 : i32
        %mul3A_666 = arith.constant 32 : i32
        %mul3A_667 = arith.muli %sub3A_665, %mul3A_666 : i32
        %get3A_668 = arith.index_cast %add3A_632 : i32 to index
        %get3A_669 = arith.index_cast %mul3A_638 : i32 to index
        %get3A_670 = tpu.vector_load %arg9[%get3A_668, %get3A_669] {strides = array<i32>} : memref<400x128xf32, #tpu.memory_space<vmem>>, vector<1x16xf32>,
        %get3A_671 = vector.shape_cast %get3A_670 : vector<1x16xf32> to vector<16xf32>
        %swap3A_672 = arith.index_cast %select_n3A_662 : i32 to index
        %swap3A_673 = arith.index_cast %mul3A_667 : i32 to index
        %swap3A_674 = tpu.vector_load %arg11[%swap3A_672, %swap3A_673] {strides = array<i32>} : memref<8x1600xf32, #tpu.memory_space<vmem>>, vector<1x16xf32>,
        %swap3A_675 = vector.shape_cast %swap3A_674 : vector<1x16xf32> to vector<16xf32>
        %swap3A_676 = vector.shape_cast %get3A_671 : vector<16xf32> to vector<1x16xf32>
        tpu.vector_store %arg11[%swap3A_672, %swap3A_673], %swap3A_676 {strides = array<i32>} : memref<8x1600xf32, #tpu.memory_space<vmem>>, vector<1x16xf32>,
        %add3A_677 = arith.constant 16 : i32
        %add3A_678 = arith.addi %mul3A_638, %add3A_677 : i32
        %get3A_679 = arith.index_cast %add3A_632 : i32 to index
        %get3A_680 = arith.index_cast %add3A_678 : i32 to index
        %get3A_681 = tpu.vector_load %arg9[%get3A_679, %get3A_680] {strides = array<i32>} : memref<400x128xf32, #tpu.memory_space<vmem>>, vector<1x16xf32>,
        %get3A_682 = vector.shape_cast %get3A_681 : vector<1x16xf32> to vector<16xf32>
        %add3A_683 = arith.constant 16 : i32
        %add3A_684 = arith.addi %mul3A_667, %add3A_683 : i32
        %swap3A_685 = arith.index_cast %select_n3A_662 : i32 to index
        %swap3A_686 = arith.index_cast %add3A_684 : i32 to index
        %swap3A_687 = tpu.vector_load %arg11[%swap3A_685, %swap3A_686] {strides = array<i32>} : memref<8x1600xf32, #tpu.memory_space<vmem>>, vector<1x16xf32>,
        %swap3A_688 = vector.shape_cast %swap3A_687 : vector<1x16xf32> to vector<16xf32>
        %swap3A_689 = vector.shape_cast %get3A_682 : vector<16xf32> to vector<1x16xf32>
        tpu.vector_store %arg11[%swap3A_685, %swap3A_686], %swap3A_689 {strides = array<i32>} : memref<8x1600xf32, #tpu.memory_space<vmem>>, vector<1x16xf32>,
        %add3A_690 = arith.constant 9 : i32
        %add3A_691 = arith.addi %add3A_162, %add3A_690 : i32
        %slice3A_692 = vector.extract_strided_slice %get3A_164 {offsets = [9], sizes = [1], strides = [1]} : vector<16xi32> to vector<1xi32>
        %squeeze3A_693 = vector.extract %slice3A_692[0] : i32 from vector<1xi32>
        %and3A_694 = arith.constant 3 : i32
        %and3A_695 = arith.andi %squeeze3A_693, %and3A_694 : i32
        %mul3A_696 = arith.constant 32 : i32
        %mul3A_697 = arith.muli %and3A_695, %mul3A_696 : i32
        %jit3A_698 = arith.constant 50 : i32
        %div3A_699 = arith.divsi %add3A_691, %jit3A_698 : i32
        %sign3A_700 = arith.constant 0 : i32
        %sign3A_701 = arith.cmpi sgt, %add3A_691, %sign3A_700 : i32
        %sign3A_702 = arith.extui %sign3A_701 : i1 to i32
        %sign3A_703 = arith.constant 0 : i32
        %sign3A_704 = arith.cmpi slt, %add3A_691, %sign3A_703 : i32
        %sign3A_705 = arith.extui %sign3A_704 : i1 to i32
        %sign3A_706 = arith.subi %sign3A_702, %sign3A_705 : i32
        %sign3A_707 = arith.constant 0 : i32
        %sign3A_708 = arith.cmpi sgt, %jit3A_698, %sign3A_707 : i32
        %sign3A_709 = arith.extui %sign3A_708 : i1 to i32
        %sign3A_710 = arith.constant 0 : i32
        %sign3A_711 = arith.cmpi slt, %jit3A_698, %sign3A_710 : i32
        %sign3A_712 = arith.extui %sign3A_711 : i1 to i32
        %sign3A_713 = arith.subi %sign3A_709, %sign3A_712 : i32
        %ne3A_714 = arith.cmpi ne, %sign3A_706, %sign3A_713 : i32
        %rem3A_715 = arith.remsi %add3A_691, %jit3A_698 : i32
        %ne3A_716 = arith.constant 0 : i32
        %ne3A_717 = arith.cmpi ne, %rem3A_715, %ne3A_716 : i32
        %and3A_718 = arith.andi %ne3A_714, %ne3A_717 : i1
        %sub3A_719 = arith.constant 1 : i32
        %sub3A_720 = arith.subi %div3A_699, %sub3A_719 : i32
        %select_n3A_721 = arith.select %and3A_718, %sub3A_720, %div3A_699 : i32
        %mul3A_722 = arith.constant 50 : i32
        %mul3A_723 = arith.muli %select_n3A_721, %mul3A_722 : i32
        %sub3A_724 = arith.subi %add3A_691, %mul3A_723 : i32
        %mul3A_725 = arith.constant 32 : i32
        %mul3A_726 = arith.muli %sub3A_724, %mul3A_725 : i32
        %get3A_727 = arith.index_cast %add3A_691 : i32 to index
        %get3A_728 = arith.index_cast %mul3A_697 : i32 to index
        %get3A_729 = tpu.vector_load %arg9[%get3A_727, %get3A_728] {strides = array<i32>} : memref<400x128xf32, #tpu.memory_space<vmem>>, vector<1x16xf32>,
        %get3A_730 = vector.shape_cast %get3A_729 : vector<1x16xf32> to vector<16xf32>
        %swap3A_731 = arith.index_cast %select_n3A_721 : i32 to index
        %swap3A_732 = arith.index_cast %mul3A_726 : i32 to index
        %swap3A_733 = tpu.vector_load %arg11[%swap3A_731, %swap3A_732] {strides = array<i32>} : memref<8x1600xf32, #tpu.memory_space<vmem>>, vector<1x16xf32>,
        %swap3A_734 = vector.shape_cast %swap3A_733 : vector<1x16xf32> to vector<16xf32>
        %swap3A_735 = vector.shape_cast %get3A_730 : vector<16xf32> to vector<1x16xf32>
        tpu.vector_store %arg11[%swap3A_731, %swap3A_732], %swap3A_735 {strides = array<i32>} : memref<8x1600xf32, #tpu.memory_space<vmem>>, vector<1x16xf32>,
        %add3A_736 = arith.constant 16 : i32
        %add3A_737 = arith.addi %mul3A_697, %add3A_736 : i32
        %get3A_738 = arith.index_cast %add3A_691 : i32 to index
        %get3A_739 = arith.index_cast %add3A_737 : i32 to index
        %get3A_740 = tpu.vector_load %arg9[%get3A_738, %get3A_739] {strides = array<i32>} : memref<400x128xf32, #tpu.memory_space<vmem>>, vector<1x16xf32>,
        %get3A_741 = vector.shape_cast %get3A_740 : vector<1x16xf32> to vector<16xf32>
        %add3A_742 = arith.constant 16 : i32
        %add3A_743 = arith.addi %mul3A_726, %add3A_742 : i32
        %swap3A_744 = arith.index_cast %select_n3A_721 : i32 to index
        %swap3A_745 = arith.index_cast %add3A_743 : i32 to index
        %swap3A_746 = tpu.vector_load %arg11[%swap3A_744, %swap3A_745] {strides = array<i32>} : memref<8x1600xf32, #tpu.memory_space<vmem>>, vector<1x16xf32>,
        %swap3A_747 = vector.shape_cast %swap3A_746 : vector<1x16xf32> to vector<16xf32>
        %swap3A_748 = vector.shape_cast %get3A_741 : vector<16xf32> to vector<1x16xf32>
        tpu.vector_store %arg11[%swap3A_744, %swap3A_745], %swap3A_748 {strides = array<i32>} : memref<8x1600xf32, #tpu.memory_space<vmem>>, vector<1x16xf32>,
        %add3A_749 = arith.constant 10 : i32
        %add3A_750 = arith.addi %add3A_162, %add3A_749 : i32
        %slice3A_751 = vector.extract_strided_slice %get3A_164 {offsets = [10], sizes = [1], strides = [1]} : vector<16xi32> to vector<1xi32>
        %squeeze3A_752 = vector.extract %slice3A_751[0] : i32 from vector<1xi32>
        %and3A_753 = arith.constant 3 : i32
        %and3A_754 = arith.andi %squeeze3A_752, %and3A_753 : i32
        %mul3A_755 = arith.constant 32 : i32
        %mul3A_756 = arith.muli %and3A_754, %mul3A_755 : i32
        %jit3A_757 = arith.constant 50 : i32
        %div3A_758 = arith.divsi %add3A_750, %jit3A_757 : i32
        %sign3A_759 = arith.constant 0 : i32
        %sign3A_760 = arith.cmpi sgt, %add3A_750, %sign3A_759 : i32
        %sign3A_761 = arith.extui %sign3A_760 : i1 to i32
        %sign3A_762 = arith.constant 0 : i32
        %sign3A_763 = arith.cmpi slt, %add3A_750, %sign3A_762 : i32
        %sign3A_764 = arith.extui %sign3A_763 : i1 to i32
        %sign3A_765 = arith.subi %sign3A_761, %sign3A_764 : i32
        %sign3A_766 = arith.constant 0 : i32
        %sign3A_767 = arith.cmpi sgt, %jit3A_757, %sign3A_766 : i32
        %sign3A_768 = arith.extui %sign3A_767 : i1 to i32
        %sign3A_769 = arith.constant 0 : i32
        %sign3A_770 = arith.cmpi slt, %jit3A_757, %sign3A_769 : i32
        %sign3A_771 = arith.extui %sign3A_770 : i1 to i32
        %sign3A_772 = arith.subi %sign3A_768, %sign3A_771 : i32
        %ne3A_773 = arith.cmpi ne, %sign3A_765, %sign3A_772 : i32
        %rem3A_774 = arith.remsi %add3A_750, %jit3A_757 : i32
        %ne3A_775 = arith.constant 0 : i32
        %ne3A_776 = arith.cmpi ne, %rem3A_774, %ne3A_775 : i32
        %and3A_777 = arith.andi %ne3A_773, %ne3A_776 : i1
        %sub3A_778 = arith.constant 1 : i32
        %sub3A_779 = arith.subi %div3A_758, %sub3A_778 : i32
        %select_n3A_780 = arith.select %and3A_777, %sub3A_779, %div3A_758 : i32
        %mul3A_781 = arith.constant 50 : i32
        %mul3A_782 = arith.muli %select_n3A_780, %mul3A_781 : i32
        %sub3A_783 = arith.subi %add3A_750, %mul3A_782 : i32
        %mul3A_784 = arith.constant 32 : i32
        %mul3A_785 = arith.muli %sub3A_783, %mul3A_784 : i32
        %get3A_786 = arith.index_cast %add3A_750 : i32 to index
        %get3A_787 = arith.index_cast %mul3A_756 : i32 to index
        %get3A_788 = tpu.vector_load %arg9[%get3A_786, %get3A_787] {strides = array<i32>} : memref<400x128xf32, #tpu.memory_space<vmem>>, vector<1x16xf32>,
        %get3A_789 = vector.shape_cast %get3A_788 : vector<1x16xf32> to vector<16xf32>
        %swap3A_790 = arith.index_cast %select_n3A_780 : i32 to index
        %swap3A_791 = arith.index_cast %mul3A_785 : i32 to index
        %swap3A_792 = tpu.vector_load %arg11[%swap3A_790, %swap3A_791] {strides = array<i32>} : memref<8x1600xf32, #tpu.memory_space<vmem>>, vector<1x16xf32>,
        %swap3A_793 = vector.shape_cast %swap3A_792 : vector<1x16xf32> to vector<16xf32>
        %swap3A_794 = vector.shape_cast %get3A_789 : vector<16xf32> to vector<1x16xf32>
        tpu.vector_store %arg11[%swap3A_790, %swap3A_791], %swap3A_794 {strides = array<i32>} : memref<8x1600xf32, #tpu.memory_space<vmem>>, vector<1x16xf32>,
        %add3A_795 = arith.constant 16 : i32
        %add3A_796 = arith.addi %mul3A_756, %add3A_795 : i32
        %get3A_797 = arith.index_cast %add3A_750 : i32 to index
        %get3A_798 = arith.index_cast %add3A_796 : i32 to index
        %get3A_799 = tpu.vector_load %arg9[%get3A_797, %get3A_798] {strides = array<i32>} : memref<400x128xf32, #tpu.memory_space<vmem>>, vector<1x16xf32>,
        %get3A_800 = vector.shape_cast %get3A_799 : vector<1x16xf32> to vector<16xf32>
        %add3A_801 = arith.constant 16 : i32
        %add3A_802 = arith.addi %mul3A_785, %add3A_801 : i32
        %swap3A_803 = arith.index_cast %select_n3A_780 : i32 to index
        %swap3A_804 = arith.index_cast %add3A_802 : i32 to index
        %swap3A_805 = tpu.vector_load %arg11[%swap3A_803, %swap3A_804] {strides = array<i32>} : memref<8x1600xf32, #tpu.memory_space<vmem>>, vector<1x16xf32>,
        %swap3A_806 = vector.shape_cast %swap3A_805 : vector<1x16xf32> to vector<16xf32>
        %swap3A_807 = vector.shape_cast %get3A_800 : vector<16xf32> to vector<1x16xf32>
        tpu.vector_store %arg11[%swap3A_803, %swap3A_804], %swap3A_807 {strides = array<i32>} : memref<8x1600xf32, #tpu.memory_space<vmem>>, vector<1x16xf32>,
        %add3A_808 = arith.constant 11 : i32
        %add3A_809 = arith.addi %add3A_162, %add3A_808 : i32
        %slice3A_810 = vector.extract_strided_slice %get3A_164 {offsets = [11], sizes = [1], strides = [1]} : vector<16xi32> to vector<1xi32>
        %squeeze3A_811 = vector.extract %slice3A_810[0] : i32 from vector<1xi32>
        %and3A_812 = arith.constant 3 : i32
        %and3A_813 = arith.andi %squeeze3A_811, %and3A_812 : i32
        %mul3A_814 = arith.constant 32 : i32
        %mul3A_815 = arith.muli %and3A_813, %mul3A_814 : i32
        %jit3A_816 = arith.constant 50 : i32
        %div3A_817 = arith.divsi %add3A_809, %jit3A_816 : i32
        %sign3A_818 = arith.constant 0 : i32
        %sign3A_819 = arith.cmpi sgt, %add3A_809, %sign3A_818 : i32
        %sign3A_820 = arith.extui %sign3A_819 : i1 to i32
        %sign3A_821 = arith.constant 0 : i32
        %sign3A_822 = arith.cmpi slt, %add3A_809, %sign3A_821 : i32
        %sign3A_823 = arith.extui %sign3A_822 : i1 to i32
        %sign3A_824 = arith.subi %sign3A_820, %sign3A_823 : i32
        %sign3A_825 = arith.constant 0 : i32
        %sign3A_826 = arith.cmpi sgt, %jit3A_816, %sign3A_825 : i32
        %sign3A_827 = arith.extui %sign3A_826 : i1 to i32
        %sign3A_828 = arith.constant 0 : i32
        %sign3A_829 = arith.cmpi slt, %jit3A_816, %sign3A_828 : i32
        %sign3A_830 = arith.extui %sign3A_829 : i1 to i32
        %sign3A_831 = arith.subi %sign3A_827, %sign3A_830 : i32
        %ne3A_832 = arith.cmpi ne, %sign3A_824, %sign3A_831 : i32
        %rem3A_833 = arith.remsi %add3A_809, %jit3A_816 : i32
        %ne3A_834 = arith.constant 0 : i32
        %ne3A_835 = arith.cmpi ne, %rem3A_833, %ne3A_834 : i32
        %and3A_836 = arith.andi %ne3A_832, %ne3A_835 : i1
        %sub3A_837 = arith.constant 1 : i32
        %sub3A_838 = arith.subi %div3A_817, %sub3A_837 : i32
        %select_n3A_839 = arith.select %and3A_836, %sub3A_838, %div3A_817 : i32
        %mul3A_840 = arith.constant 50 : i32
        %mul3A_841 = arith.muli %select_n3A_839, %mul3A_840 : i32
        %sub3A_842 = arith.subi %add3A_809, %mul3A_841 : i32
        %mul3A_843 = arith.constant 32 : i32
        %mul3A_844 = arith.muli %sub3A_842, %mul3A_843 : i32
        %get3A_845 = arith.index_cast %add3A_809 : i32 to index
        %get3A_846 = arith.index_cast %mul3A_815 : i32 to index
        %get3A_847 = tpu.vector_load %arg9[%get3A_845, %get3A_846] {strides = array<i32>} : memref<400x128xf32, #tpu.memory_space<vmem>>, vector<1x16xf32>,
        %get3A_848 = vector.shape_cast %get3A_847 : vector<1x16xf32> to vector<16xf32>
        %swap3A_849 = arith.index_cast %select_n3A_839 : i32 to index
        %swap3A_850 = arith.index_cast %mul3A_844 : i32 to index
        %swap3A_851 = tpu.vector_load %arg11[%swap3A_849, %swap3A_850] {strides = array<i32>} : memref<8x1600xf32, #tpu.memory_space<vmem>>, vector<1x16xf32>,
        %swap3A_852 = vector.shape_cast %swap3A_851 : vector<1x16xf32> to vector<16xf32>
        %swap3A_853 = vector.shape_cast %get3A_848 : vector<16xf32> to vector<1x16xf32>
        tpu.vector_store %arg11[%swap3A_849, %swap3A_850], %swap3A_853 {strides = array<i32>} : memref<8x1600xf32, #tpu.memory_space<vmem>>, vector<1x16xf32>,
        %add3A_854 = arith.constant 16 : i32
        %add3A_855 = arith.addi %mul3A_815, %add3A_854 : i32
        %get3A_856 = arith.index_cast %add3A_809 : i32 to index
        %get3A_857 = arith.index_cast %add3A_855 : i32 to index
        %get3A_858 = tpu.vector_load %arg9[%get3A_856, %get3A_857] {strides = array<i32>} : memref<400x128xf32, #tpu.memory_space<vmem>>, vector<1x16xf32>,
        %get3A_859 = vector.shape_cast %get3A_858 : vector<1x16xf32> to vector<16xf32>
        %add3A_860 = arith.constant 16 : i32
        %add3A_861 = arith.addi %mul3A_844, %add3A_860 : i32
        %swap3A_862 = arith.index_cast %select_n3A_839 : i32 to index
        %swap3A_863 = arith.index_cast %add3A_861 : i32 to index
        %swap3A_864 = tpu.vector_load %arg11[%swap3A_862, %swap3A_863] {strides = array<i32>} : memref<8x1600xf32, #tpu.memory_space<vmem>>, vector<1x16xf32>,
        %swap3A_865 = vector.shape_cast %swap3A_864 : vector<1x16xf32> to vector<16xf32>
        %swap3A_866 = vector.shape_cast %get3A_859 : vector<16xf32> to vector<1x16xf32>
        tpu.vector_store %arg11[%swap3A_862, %swap3A_863], %swap3A_866 {strides = array<i32>} : memref<8x1600xf32, #tpu.memory_space<vmem>>, vector<1x16xf32>,
        %add3A_867 = arith.constant 12 : i32
        %add3A_868 = arith.addi %add3A_162, %add3A_867 : i32
        %slice3A_869 = vector.extract_strided_slice %get3A_164 {offsets = [12], sizes = [1], strides = [1]} : vector<16xi32> to vector<1xi32>
        %squeeze3A_870 = vector.extract %slice3A_869[0] : i32 from vector<1xi32>
        %and3A_871 = arith.constant 3 : i32
        %and3A_872 = arith.andi %squeeze3A_870, %and3A_871 : i32
        %mul3A_873 = arith.constant 32 : i32
        %mul3A_874 = arith.muli %and3A_872, %mul3A_873 : i32
        %jit3A_875 = arith.constant 50 : i32
        %div3A_876 = arith.divsi %add3A_868, %jit3A_875 : i32
        %sign3A_877 = arith.constant 0 : i32
        %sign3A_878 = arith.cmpi sgt, %add3A_868, %sign3A_877 : i32
        %sign3A_879 = arith.extui %sign3A_878 : i1 to i32
        %sign3A_880 = arith.constant 0 : i32
        %sign3A_881 = arith.cmpi slt, %add3A_868, %sign3A_880 : i32
        %sign3A_882 = arith.extui %sign3A_881 : i1 to i32
        %sign3A_883 = arith.subi %sign3A_879, %sign3A_882 : i32
        %sign3A_884 = arith.constant 0 : i32
        %sign3A_885 = arith.cmpi sgt, %jit3A_875, %sign3A_884 : i32
        %sign3A_886 = arith.extui %sign3A_885 : i1 to i32
        %sign3A_887 = arith.constant 0 : i32
        %sign3A_888 = arith.cmpi slt, %jit3A_875, %sign3A_887 : i32
        %sign3A_889 = arith.extui %sign3A_888 : i1 to i32
        %sign3A_890 = arith.subi %sign3A_886, %sign3A_889 : i32
        %ne3A_891 = arith.cmpi ne, %sign3A_883, %sign3A_890 : i32
        %rem3A_892 = arith.remsi %add3A_868, %jit3A_875 : i32
        %ne3A_893 = arith.constant 0 : i32
        %ne3A_894 = arith.cmpi ne, %rem3A_892, %ne3A_893 : i32
        %and3A_895 = arith.andi %ne3A_891, %ne3A_894 : i1
        %sub3A_896 = arith.constant 1 : i32
        %sub3A_897 = arith.subi %div3A_876, %sub3A_896 : i32
        %select_n3A_898 = arith.select %and3A_895, %sub3A_897, %div3A_876 : i32
        %mul3A_899 = arith.constant 50 : i32
        %mul3A_900 = arith.muli %select_n3A_898, %mul3A_899 : i32
        %sub3A_901 = arith.subi %add3A_868, %mul3A_900 : i32
        %mul3A_902 = arith.constant 32 : i32
        %mul3A_903 = arith.muli %sub3A_901, %mul3A_902 : i32
        %get3A_904 = arith.index_cast %add3A_868 : i32 to index
        %get3A_905 = arith.index_cast %mul3A_874 : i32 to index
        %get3A_906 = tpu.vector_load %arg9[%get3A_904, %get3A_905] {strides = array<i32>} : memref<400x128xf32, #tpu.memory_space<vmem>>, vector<1x16xf32>,
        %get3A_907 = vector.shape_cast %get3A_906 : vector<1x16xf32> to vector<16xf32>
        %swap3A_908 = arith.index_cast %select_n3A_898 : i32 to index
        %swap3A_909 = arith.index_cast %mul3A_903 : i32 to index
        %swap3A_910 = tpu.vector_load %arg11[%swap3A_908, %swap3A_909] {strides = array<i32>} : memref<8x1600xf32, #tpu.memory_space<vmem>>, vector<1x16xf32>,
        %swap3A_911 = vector.shape_cast %swap3A_910 : vector<1x16xf32> to vector<16xf32>
        %swap3A_912 = vector.shape_cast %get3A_907 : vector<16xf32> to vector<1x16xf32>
        tpu.vector_store %arg11[%swap3A_908, %swap3A_909], %swap3A_912 {strides = array<i32>} : memref<8x1600xf32, #tpu.memory_space<vmem>>, vector<1x16xf32>,
        %add3A_913 = arith.constant 16 : i32
        %add3A_914 = arith.addi %mul3A_874, %add3A_913 : i32
        %get3A_915 = arith.index_cast %add3A_868 : i32 to index
        %get3A_916 = arith.index_cast %add3A_914 : i32 to index
        %get3A_917 = tpu.vector_load %arg9[%get3A_915, %get3A_916] {strides = array<i32>} : memref<400x128xf32, #tpu.memory_space<vmem>>, vector<1x16xf32>,
        %get3A_918 = vector.shape_cast %get3A_917 : vector<1x16xf32> to vector<16xf32>
        %add3A_919 = arith.constant 16 : i32
        %add3A_920 = arith.addi %mul3A_903, %add3A_919 : i32
        %swap3A_921 = arith.index_cast %select_n3A_898 : i32 to index
        %swap3A_922 = arith.index_cast %add3A_920 : i32 to index
        %swap3A_923 = tpu.vector_load %arg11[%swap3A_921, %swap3A_922] {strides = array<i32>} : memref<8x1600xf32, #tpu.memory_space<vmem>>, vector<1x16xf32>,
        %swap3A_924 = vector.shape_cast %swap3A_923 : vector<1x16xf32> to vector<16xf32>
        %swap3A_925 = vector.shape_cast %get3A_918 : vector<16xf32> to vector<1x16xf32>
        tpu.vector_store %arg11[%swap3A_921, %swap3A_922], %swap3A_925 {strides = array<i32>} : memref<8x1600xf32, #tpu.memory_space<vmem>>, vector<1x16xf32>,
        %add3A_926 = arith.constant 13 : i32
        %add3A_927 = arith.addi %add3A_162, %add3A_926 : i32
        %slice3A_928 = vector.extract_strided_slice %get3A_164 {offsets = [13], sizes = [1], strides = [1]} : vector<16xi32> to vector<1xi32>
        %squeeze3A_929 = vector.extract %slice3A_928[0] : i32 from vector<1xi32>
        %and3A_930 = arith.constant 3 : i32
        %and3A_931 = arith.andi %squeeze3A_929, %and3A_930 : i32
        %mul3A_932 = arith.constant 32 : i32
        %mul3A_933 = arith.muli %and3A_931, %mul3A_932 : i32
        %jit3A_934 = arith.constant 50 : i32
        %div3A_935 = arith.divsi %add3A_927, %jit3A_934 : i32
        %sign3A_936 = arith.constant 0 : i32
        %sign3A_937 = arith.cmpi sgt, %add3A_927, %sign3A_936 : i32
        %sign3A_938 = arith.extui %sign3A_937 : i1 to i32
        %sign3A_939 = arith.constant 0 : i32
        %sign3A_940 = arith.cmpi slt, %add3A_927, %sign3A_939 : i32
        %sign3A_941 = arith.extui %sign3A_940 : i1 to i32
        %sign3A_942 = arith.subi %sign3A_938, %sign3A_941 : i32
        %sign3A_943 = arith.constant 0 : i32
        %sign3A_944 = arith.cmpi sgt, %jit3A_934, %sign3A_943 : i32
        %sign3A_945 = arith.extui %sign3A_944 : i1 to i32
        %sign3A_946 = arith.constant 0 : i32
        %sign3A_947 = arith.cmpi slt, %jit3A_934, %sign3A_946 : i32
        %sign3A_948 = arith.extui %sign3A_947 : i1 to i32
        %sign3A_949 = arith.subi %sign3A_945, %sign3A_948 : i32
        %ne3A_950 = arith.cmpi ne, %sign3A_942, %sign3A_949 : i32
        %rem3A_951 = arith.remsi %add3A_927, %jit3A_934 : i32
        %ne3A_952 = arith.constant 0 : i32
        %ne3A_953 = arith.cmpi ne, %rem3A_951, %ne3A_952 : i32
        %and3A_954 = arith.andi %ne3A_950, %ne3A_953 : i1
        %sub3A_955 = arith.constant 1 : i32
        %sub3A_956 = arith.subi %div3A_935, %sub3A_955 : i32
        %select_n3A_957 = arith.select %and3A_954, %sub3A_956, %div3A_935 : i32
        %mul3A_958 = arith.constant 50 : i32
        %mul3A_959 = arith.muli %select_n3A_957, %mul3A_958 : i32
        %sub3A_960 = arith.subi %add3A_927, %mul3A_959 : i32
        %mul3A_961 = arith.constant 32 : i32
        %mul3A_962 = arith.muli %sub3A_960, %mul3A_961 : i32
        %get3A_963 = arith.index_cast %add3A_927 : i32 to index
        %get3A_964 = arith.index_cast %mul3A_933 : i32 to index
        %get3A_965 = tpu.vector_load %arg9[%get3A_963, %get3A_964] {strides = array<i32>} : memref<400x128xf32, #tpu.memory_space<vmem>>, vector<1x16xf32>,
        %get3A_966 = vector.shape_cast %get3A_965 : vector<1x16xf32> to vector<16xf32>
        %swap3A_967 = arith.index_cast %select_n3A_957 : i32 to index
        %swap3A_968 = arith.index_cast %mul3A_962 : i32 to index
        %swap3A_969 = tpu.vector_load %arg11[%swap3A_967, %swap3A_968] {strides = array<i32>} : memref<8x1600xf32, #tpu.memory_space<vmem>>, vector<1x16xf32>,
        %swap3A_970 = vector.shape_cast %swap3A_969 : vector<1x16xf32> to vector<16xf32>
        %swap3A_971 = vector.shape_cast %get3A_966 : vector<16xf32> to vector<1x16xf32>
        tpu.vector_store %arg11[%swap3A_967, %swap3A_968], %swap3A_971 {strides = array<i32>} : memref<8x1600xf32, #tpu.memory_space<vmem>>, vector<1x16xf32>,
        %add3A_972 = arith.constant 16 : i32
        %add3A_973 = arith.addi %mul3A_933, %add3A_972 : i32
        %get3A_974 = arith.index_cast %add3A_927 : i32 to index
        %get3A_975 = arith.index_cast %add3A_973 : i32 to index
        %get3A_976 = tpu.vector_load %arg9[%get3A_974, %get3A_975] {strides = array<i32>} : memref<400x128xf32, #tpu.memory_space<vmem>>, vector<1x16xf32>,
        %get3A_977 = vector.shape_cast %get3A_976 : vector<1x16xf32> to vector<16xf32>
        %add3A_978 = arith.constant 16 : i32
        %add3A_979 = arith.addi %mul3A_962, %add3A_978 : i32
        %swap3A_980 = arith.index_cast %select_n3A_957 : i32 to index
        %swap3A_981 = arith.index_cast %add3A_979 : i32 to index
        %swap3A_982 = tpu.vector_load %arg11[%swap3A_980, %swap3A_981] {strides = array<i32>} : memref<8x1600xf32, #tpu.memory_space<vmem>>, vector<1x16xf32>,
        %swap3A_983 = vector.shape_cast %swap3A_982 : vector<1x16xf32> to vector<16xf32>
        %swap3A_984 = vector.shape_cast %get3A_977 : vector<16xf32> to vector<1x16xf32>
        tpu.vector_store %arg11[%swap3A_980, %swap3A_981], %swap3A_984 {strides = array<i32>} : memref<8x1600xf32, #tpu.memory_space<vmem>>, vector<1x16xf32>,
        %add3A_985 = arith.constant 14 : i32
        %add3A_986 = arith.addi %add3A_162, %add3A_985 : i32
        %slice3A_987 = vector.extract_strided_slice %get3A_164 {offsets = [14], sizes = [1], strides = [1]} : vector<16xi32> to vector<1xi32>
        %squeeze3A_988 = vector.extract %slice3A_987[0] : i32 from vector<1xi32>
        %and3A_989 = arith.constant 3 : i32
        %and3A_990 = arith.andi %squeeze3A_988, %and3A_989 : i32
        %mul3A_991 = arith.constant 32 : i32
        %mul3A_992 = arith.muli %and3A_990, %mul3A_991 : i32
        %jit3A_993 = arith.constant 50 : i32
        %div3A_994 = arith.divsi %add3A_986, %jit3A_993 : i32
        %sign3A_995 = arith.constant 0 : i32
        %sign3A_996 = arith.cmpi sgt, %add3A_986, %sign3A_995 : i32
        %sign3A_997 = arith.extui %sign3A_996 : i1 to i32
        %sign3A_998 = arith.constant 0 : i32
        %sign3A_999 = arith.cmpi slt, %add3A_986, %sign3A_998 : i32
        %sign3A_1000 = arith.extui %sign3A_999 : i1 to i32
        %sign3A_1001 = arith.subi %sign3A_997, %sign3A_1000 : i32
        %sign3A_1002 = arith.constant 0 : i32
        %sign3A_1003 = arith.cmpi sgt, %jit3A_993, %sign3A_1002 : i32
        %sign3A_1004 = arith.extui %sign3A_1003 : i1 to i32
        %sign3A_1005 = arith.constant 0 : i32
        %sign3A_1006 = arith.cmpi slt, %jit3A_993, %sign3A_1005 : i32
        %sign3A_1007 = arith.extui %sign3A_1006 : i1 to i32
        %sign3A_1008 = arith.subi %sign3A_1004, %sign3A_1007 : i32
        %ne3A_1009 = arith.cmpi ne, %sign3A_1001, %sign3A_1008 : i32
        %rem3A_1010 = arith.remsi %add3A_986, %jit3A_993 : i32
        %ne3A_1011 = arith.constant 0 : i32
        %ne3A_1012 = arith.cmpi ne, %rem3A_1010, %ne3A_1011 : i32
        %and3A_1013 = arith.andi %ne3A_1009, %ne3A_1012 : i1
        %sub3A_1014 = arith.constant 1 : i32
        %sub3A_1015 = arith.subi %div3A_994, %sub3A_1014 : i32
        %select_n3A_1016 = arith.select %and3A_1013, %sub3A_1015, %div3A_994 : i32
        %mul3A_1017 = arith.constant 50 : i32
        %mul3A_1018 = arith.muli %select_n3A_1016, %mul3A_1017 : i32
        %sub3A_1019 = arith.subi %add3A_986, %mul3A_1018 : i32
        %mul3A_1020 = arith.constant 32 : i32
        %mul3A_1021 = arith.muli %sub3A_1019, %mul3A_1020 : i32
        %get3A_1022 = arith.index_cast %add3A_986 : i32 to index
        %get3A_1023 = arith.index_cast %mul3A_992 : i32 to index
        %get3A_1024 = tpu.vector_load %arg9[%get3A_1022, %get3A_1023] {strides = array<i32>} : memref<400x128xf32, #tpu.memory_space<vmem>>, vector<1x16xf32>,
        %get3A_1025 = vector.shape_cast %get3A_1024 : vector<1x16xf32> to vector<16xf32>
        %swap3A_1026 = arith.index_cast %select_n3A_1016 : i32 to index
        %swap3A_1027 = arith.index_cast %mul3A_1021 : i32 to index
        %swap3A_1028 = tpu.vector_load %arg11[%swap3A_1026, %swap3A_1027] {strides = array<i32>} : memref<8x1600xf32, #tpu.memory_space<vmem>>, vector<1x16xf32>,
        %swap3A_1029 = vector.shape_cast %swap3A_1028 : vector<1x16xf32> to vector<16xf32>
        %swap3A_1030 = vector.shape_cast %get3A_1025 : vector<16xf32> to vector<1x16xf32>
        tpu.vector_store %arg11[%swap3A_1026, %swap3A_1027], %swap3A_1030 {strides = array<i32>} : memref<8x1600xf32, #tpu.memory_space<vmem>>, vector<1x16xf32>,
        %add3A_1031 = arith.constant 16 : i32
        %add3A_1032 = arith.addi %mul3A_992, %add3A_1031 : i32
        %get3A_1033 = arith.index_cast %add3A_986 : i32 to index
        %get3A_1034 = arith.index_cast %add3A_1032 : i32 to index
        %get3A_1035 = tpu.vector_load %arg9[%get3A_1033, %get3A_1034] {strides = array<i32>} : memref<400x128xf32, #tpu.memory_space<vmem>>, vector<1x16xf32>,
        %get3A_1036 = vector.shape_cast %get3A_1035 : vector<1x16xf32> to vector<16xf32>
        %add3A_1037 = arith.constant 16 : i32
        %add3A_1038 = arith.addi %mul3A_1021, %add3A_1037 : i32
        %swap3A_1039 = arith.index_cast %select_n3A_1016 : i32 to index
        %swap3A_1040 = arith.index_cast %add3A_1038 : i32 to index
        %swap3A_1041 = tpu.vector_load %arg11[%swap3A_1039, %swap3A_1040] {strides = array<i32>} : memref<8x1600xf32, #tpu.memory_space<vmem>>, vector<1x16xf32>,
        %swap3A_1042 = vector.shape_cast %swap3A_1041 : vector<1x16xf32> to vector<16xf32>
        %swap3A_1043 = vector.shape_cast %get3A_1036 : vector<16xf32> to vector<1x16xf32>
        tpu.vector_store %arg11[%swap3A_1039, %swap3A_1040], %swap3A_1043 {strides = array<i32>} : memref<8x1600xf32, #tpu.memory_space<vmem>>, vector<1x16xf32>,
        %add3A_1044 = arith.constant 15 : i32
        %add3A_1045 = arith.addi %add3A_162, %add3A_1044 : i32
        %slice3A_1046 = vector.extract_strided_slice %get3A_164 {offsets = [15], sizes = [1], strides = [1]} : vector<16xi32> to vector<1xi32>
        %squeeze3A_1047 = vector.extract %slice3A_1046[0] : i32 from vector<1xi32>
        %and3A_1048 = arith.constant 3 : i32
        %and3A_1049 = arith.andi %squeeze3A_1047, %and3A_1048 : i32
        %mul3A_1050 = arith.constant 32 : i32
        %mul3A_1051 = arith.muli %and3A_1049, %mul3A_1050 : i32
        %jit3A_1052 = arith.constant 50 : i32
        %div3A_1053 = arith.divsi %add3A_1045, %jit3A_1052 : i32
        %sign3A_1054 = arith.constant 0 : i32
        %sign3A_1055 = arith.cmpi sgt, %add3A_1045, %sign3A_1054 : i32
        %sign3A_1056 = arith.extui %sign3A_1055 : i1 to i32
        %sign3A_1057 = arith.constant 0 : i32
        %sign3A_1058 = arith.cmpi slt, %add3A_1045, %sign3A_1057 : i32
        %sign3A_1059 = arith.extui %sign3A_1058 : i1 to i32
        %sign3A_1060 = arith.subi %sign3A_1056, %sign3A_1059 : i32
        %sign3A_1061 = arith.constant 0 : i32
        %sign3A_1062 = arith.cmpi sgt, %jit3A_1052, %sign3A_1061 : i32
        %sign3A_1063 = arith.extui %sign3A_1062 : i1 to i32
        %sign3A_1064 = arith.constant 0 : i32
        %sign3A_1065 = arith.cmpi slt, %jit3A_1052, %sign3A_1064 : i32
        %sign3A_1066 = arith.extui %sign3A_1065 : i1 to i32
        %sign3A_1067 = arith.subi %sign3A_1063, %sign3A_1066 : i32
        %ne3A_1068 = arith.cmpi ne, %sign3A_1060, %sign3A_1067 : i32
        %rem3A_1069 = arith.remsi %add3A_1045, %jit3A_1052 : i32
        %ne3A_1070 = arith.constant 0 : i32
        %ne3A_1071 = arith.cmpi ne, %rem3A_1069, %ne3A_1070 : i32
        %and3A_1072 = arith.andi %ne3A_1068, %ne3A_1071 : i1
        %sub3A_1073 = arith.constant 1 : i32
        %sub3A_1074 = arith.subi %div3A_1053, %sub3A_1073 : i32
        %select_n3A_1075 = arith.select %and3A_1072, %sub3A_1074, %div3A_1053 : i32
        %mul3A_1076 = arith.constant 50 : i32
        %mul3A_1077 = arith.muli %select_n3A_1075, %mul3A_1076 : i32
        %sub3A_1078 = arith.subi %add3A_1045, %mul3A_1077 : i32
        %mul3A_1079 = arith.constant 32 : i32
        %mul3A_1080 = arith.muli %sub3A_1078, %mul3A_1079 : i32
        %get3A_1081 = arith.index_cast %add3A_1045 : i32 to index
        %get3A_1082 = arith.index_cast %mul3A_1051 : i32 to index
        %get3A_1083 = tpu.vector_load %arg9[%get3A_1081, %get3A_1082] {strides = array<i32>} : memref<400x128xf32, #tpu.memory_space<vmem>>, vector<1x16xf32>,
        %get3A_1084 = vector.shape_cast %get3A_1083 : vector<1x16xf32> to vector<16xf32>
        %swap3A_1085 = arith.index_cast %select_n3A_1075 : i32 to index
        %swap3A_1086 = arith.index_cast %mul3A_1080 : i32 to index
        %swap3A_1087 = tpu.vector_load %arg11[%swap3A_1085, %swap3A_1086] {strides = array<i32>} : memref<8x1600xf32, #tpu.memory_space<vmem>>, vector<1x16xf32>,
        %swap3A_1088 = vector.shape_cast %swap3A_1087 : vector<1x16xf32> to vector<16xf32>
        %swap3A_1089 = vector.shape_cast %get3A_1084 : vector<16xf32> to vector<1x16xf32>
        tpu.vector_store %arg11[%swap3A_1085, %swap3A_1086], %swap3A_1089 {strides = array<i32>} : memref<8x1600xf32, #tpu.memory_space<vmem>>, vector<1x16xf32>,
        %add3A_1090 = arith.constant 16 : i32
        %add3A_1091 = arith.addi %mul3A_1051, %add3A_1090 : i32
        %get3A_1092 = arith.index_cast %add3A_1045 : i32 to index
        %get3A_1093 = arith.index_cast %add3A_1091 : i32 to index
        %get3A_1094 = tpu.vector_load %arg9[%get3A_1092, %get3A_1093] {strides = array<i32>} : memref<400x128xf32, #tpu.memory_space<vmem>>, vector<1x16xf32>,
        %get3A_1095 = vector.shape_cast %get3A_1094 : vector<1x16xf32> to vector<16xf32>
        %add3A_1096 = arith.constant 16 : i32
        %add3A_1097 = arith.addi %mul3A_1080, %add3A_1096 : i32
        %swap3A_1098 = arith.index_cast %select_n3A_1075 : i32 to index
        %swap3A_1099 = arith.index_cast %add3A_1097 : i32 to index
        %swap3A_1100 = tpu.vector_load %arg11[%swap3A_1098, %swap3A_1099] {strides = array<i32>} : memref<8x1600xf32, #tpu.memory_space<vmem>>, vector<1x16xf32>,
        %swap3A_1101 = vector.shape_cast %swap3A_1100 : vector<1x16xf32> to vector<16xf32>
        %swap3A_1102 = vector.shape_cast %get3A_1095 : vector<16xf32> to vector<1x16xf32>
        tpu.vector_store %arg11[%swap3A_1098, %swap3A_1099], %swap3A_1102 {strides = array<i32>} : memref<8x1600xf32, #tpu.memory_space<vmem>>, vector<1x16xf32>,
      }
      %scan3A_78 = arith.constant 25 : i32
      %dma_start3A_79 = arith.constant 0 : i32
      %dma_start3A_80 = tpu.memref_slice %arg4[%multiple_of3A_69, %dma_start3A_79] : memref<16384x1600xf32, #tpu.memory_space<hbm>> -> memref<8x1600xf32, #tpu.memory_space<hbm>>
      %dma_start3A_81 = arith.constant 0 : i32
      %dma_start3A_82 = tpu.memref_slice %arg4[%multiple_of3A_69, %dma_start3A_81] : memref<16384x1600xf32, #tpu.memory_space<hbm>> -> memref<8x1600xf32, #tpu.memory_space<hbm>>
      tpu.enqueue_dma source(%arg11 : memref<8x1600xf32, #tpu.memory_space<vmem>>) target(%dma_start3A_82 : memref<8x1600xf32, #tpu.memory_space<hbm>>) target_semaphore(%arg15 : memref<!tpu.dma_semaphore, #tpu.memory_space<semaphore_mem>>)
      %add3A_83 = arith.constant 2 : i32
      %add3A_84 = arith.addi %add3A_62, %add3A_83 : i32
      %jit3A = arith.constant 64 : i32
      %eq3A = arith.constant 0 : i32
      %eq3A_85 = arith.cmpi eq, %jit3A, %eq3A : i32
      %jit3A_86 = arith.constant 1 : i32
      %select_n3A = arith.select %eq3A_85, %jit3A_86, %jit3A : i32
      %rem3A = arith.remsi %add3A_84, %select_n3A : i32
      %ne3A = arith.constant 0 : i32
      %ne3A_87 = arith.cmpi ne, %rem3A, %ne3A : i32
      %lt3A = arith.constant 0 : i32
      %lt3A_88 = arith.cmpi slt, %rem3A, %lt3A : i32
      %lt3A_89 = arith.constant 0 : i32
      %lt3A_90 = arith.cmpi slt, %select_n3A, %lt3A_89 : i32
      %ne3A_91 = arith.xori %lt3A_88, %lt3A_90 : i1
      %and3A = arith.andi %ne3A_91, %ne3A_87 : i1
      %add3A_92 = arith.addi %rem3A, %select_n3A : i32
      %select_n3A_93 = arith.select %and3A, %add3A_92, %rem3A : i32
      %mul3A_94 = arith.constant 400 : i32
      %mul3A_95 = arith.muli %select_n3A_93, %mul3A_94 : i32
      %add3A_96 = arith.addi %mul3A_2, %mul3A_95 : i32
      %multiple_of3A_97 = tpu.assume_multiple %add3A_96, 8 : i32
      "tpu.region"() ({
        %run_scoped3A = tpu.sem_alloc : memref<!tpu.dma_semaphore, #tpu.memory_space<semaphore_mem>>
        %dma_start3A_158 = tpu.memref_slice %arg3[%multiple_of3A_97] : memref<819200xi32, #tpu.memory_space<hbm>> -> memref<400xi32, #tpu.memory_space<hbm>>
        %dma_start3A_159 = tpu.memref_slice %arg3[%multiple_of3A_97] : memref<819200xi32, #tpu.memory_space<hbm>> -> memref<400xi32, #tpu.memory_space<hbm>>
        tpu.enqueue_dma source(%dma_start3A_159 : memref<400xi32, #tpu.memory_space<hbm>>) target(%arg5 : memref<400xi32, #tpu.memory_space<vmem>>) target_semaphore(%run_scoped3A : memref<!tpu.dma_semaphore, #tpu.memory_space<semaphore_mem>>)
        %dma_wait3A_160 = tpu.memref_slice %arg3[%multiple_of3A_97] : memref<819200xi32, #tpu.memory_space<hbm>> -> memref<400xi32, #tpu.memory_space<hbm>>
        %dma_wait3A_161 = tpu.memref_slice %arg3[%multiple_of3A_97] : memref<819200xi32, #tpu.memory_space<hbm>> -> memref<400xi32, #tpu.memory_space<hbm>>
        tpu.wait_dma2 semaphore(%run_scoped3A : memref<!tpu.dma_semaphore, #tpu.memory_space<semaphore_mem>>) src(%dma_wait3A_161 : memref<400xi32, #tpu.memory_space<hbm>>) dst(%arg5 : memref<400xi32, #tpu.memory_space<vmem>>)
        tpu.yield
      }) : () -> ()
      %scan3A_98 = arith.constant 0 : i32
      %scan3A_99 = arith.constant 25 : i32
      %scan3A_100 = arith.addi %scan3A_98, %scan3A_99 : i32
      %scan3A_101 = arith.constant 1 : i32
      scf.for %scan3A_158 = %scan3A_98 to %scan3A_100 step %scan3A_101  : i32 {
        %mul3A_159 = arith.constant 16 : i32
        %mul3A_160 = arith.muli %scan3A_158, %mul3A_159 : i32
        %add3A_161 = arith.constant 0 : i32
        %add3A_162 = arith.addi %add3A_161, %mul3A_160 : i32
        %get3A = arith.index_cast %add3A_162 : i32 to index
        %get3A_163 = tpu.vector_load %arg5[%get3A] {strides = array<i32>} : memref<400xi32, #tpu.memory_space<vmem>>, vector<16xi32>,
        %get3A_164 = vector.shape_cast %get3A_163 : vector<16xi32> to vector<16xi32>
        %shift_right_logical3A = arith.constant 2 : i32
        %shift_right_logical3A_165 = vector.broadcast %shift_right_logical3A : i32 to vector<16xi32>
        %shift_right_logical3A_166 = arith.shrui %get3A_164, %shift_right_logical3A_165 : vector<16xi32>
        %swap3A = arith.index_cast %add3A_162 : i32 to index
        %swap3A_167 = tpu.vector_load %arg7[%swap3A] {strides = array<i32>} : memref<400xi32, #tpu.memory_space<vmem>>, vector<16xi32>,
        %swap3A_168 = vector.shape_cast %swap3A_167 : vector<16xi32> to vector<16xi32>
        %swap3A_169 = vector.shape_cast %shift_right_logical3A_166 : vector<16xi32> to vector<16xi32>
        tpu.vector_store %arg7[%swap3A], %swap3A_169 {strides = array<i32>} : memref<400xi32, #tpu.memory_space<vmem>>, vector<16xi32>,
      }
      %scan3A_102 = arith.constant 25 : i32
      %dma_start3A_103 = arith.constant 0 : i32
      %dma_start3A_104 = arith.constant 0 : i32
      %dma_start3A_105 = tpu.memref_slice %arg2[%dma_start3A_103, %dma_start3A_104] : memref<250000x128xf32, #tpu.memory_space<hbm>> -> memref<250000x128xf32, #tpu.memory_space<hbm>>
      tpu.enqueue_indirect_dma source(%dma_start3A_105 : memref<250000x128xf32, #tpu.memory_space<hbm>>) target(%arg9 : memref<400x128xf32, #tpu.memory_space<vmem>>) offsets(%arg7 : memref<400xi32, #tpu.memory_space<vmem>>) semaphore(%arg13 : memref<!tpu.dma_semaphore, #tpu.memory_space<semaphore_mem>>)
      %add3A_106 = arith.constant 1 : i32
      %add3A_107 = arith.addi %add3A_62, %add3A_106 : i32
      %dma_wait3A_108 = arith.constant 0 : i32
      %dma_wait3A_109 = arith.constant 0 : i32
      %dma_wait3A_110 = tpu.memref_slice %arg2[%dma_wait3A_108, %dma_wait3A_109] : memref<250000x128xf32, #tpu.memory_space<hbm>> -> memref<250000x128xf32, #tpu.memory_space<hbm>>
      tpu.wait_indirect_dma semaphore(%arg14 : memref<!tpu.dma_semaphore, #tpu.memory_space<semaphore_mem>>) src(%dma_wait3A_110 : memref<250000x128xf32, #tpu.memory_space<hbm>>) dst(%arg10 : memref<400x128xf32, #tpu.memory_space<vmem>>)
      %mul3A_111 = arith.constant 8 : i32
      %mul3A_112 = arith.muli %add3A_107, %mul3A_111 : i32
      %add3A_113 = arith.addi %mul3A_4, %mul3A_112 : i32
      %multiple_of3A_114 = tpu.assume_multiple %add3A_113, 8 : i32
      %dma_wait3A_115 = arith.constant 0 : i32
      %dma_wait3A_116 = tpu.memref_slice %arg4[%multiple_of3A_114, %dma_wait3A_115] : memref<16384x1600xf32, #tpu.memory_space<hbm>> -> memref<8x1600xf32, #tpu.memory_space<hbm>>
      %dma_wait3A_117 = arith.constant 0 : i32
      %dma_wait3A_118 = tpu.memref_slice %arg4[%multiple_of3A_114, %dma_wait3A_117] : memref<16384x1600xf32, #tpu.memory_space<hbm>> -> memref<8x1600xf32, #tpu.memory_space<hbm>>
      tpu.wait_dma2 semaphore(%arg16 : memref<!tpu.dma_semaphore, #tpu.memory_space<semaphore_mem>>) src(%arg12 : memref<8x1600xf32, #tpu.memory_space<vmem>>) dst(%dma_wait3A_118 : memref<8x1600xf32, #tpu.memory_space<hbm>>)
      %scan3A_119 = arith.constant 0 : i32
      %scan3A_120 = arith.constant 25 : i32
      %scan3A_121 = arith.addi %scan3A_119, %scan3A_120 : i32
      %scan3A_122 = arith.constant 1 : i32
      scf.for %scan3A_158 = %scan3A_119 to %scan3A_121 step %scan3A_122  : i32 {
        %mul3A_159 = arith.constant 16 : i32
        %mul3A_160 = arith.muli %scan3A_158, %mul3A_159 : i32
        %add3A_161 = arith.constant 0 : i32
        %add3A_162 = arith.addi %add3A_161, %mul3A_160 : i32
        %get3A = arith.index_cast %add3A_162 : i32 to index
        %get3A_163 = tpu.vector_load %arg6[%get3A] {strides = array<i32>} : memref<400xi32, #tpu.memory_space<vmem>>, vector<16xi32>,
        %get3A_164 = vector.shape_cast %get3A_163 : vector<16xi32> to vector<16xi32>
        %add3A_165 = arith.constant 0 : i32
        %add3A_166 = arith.addi %add3A_162, %add3A_165 : i32
        %slice3A = vector.extract_strided_slice %get3A_164 {offsets = [0], sizes = [1], strides = [1]} : vector<16xi32> to vector<1xi32>
        %squeeze3A = vector.extract %slice3A[0] : i32 from vector<1xi32>
        %and3A_167 = arith.constant 3 : i32
        %and3A_168 = arith.andi %squeeze3A, %and3A_167 : i32
        %mul3A_169 = arith.constant 32 : i32
        %mul3A_170 = arith.muli %and3A_168, %mul3A_169 : i32
        %jit3A_171 = arith.constant 50 : i32
        %div3A = arith.divsi %add3A_166, %jit3A_171 : i32
        %sign3A = arith.constant 0 : i32
        %sign3A_172 = arith.cmpi sgt, %add3A_166, %sign3A : i32
        %sign3A_173 = arith.extui %sign3A_172 : i1 to i32
        %sign3A_174 = arith.constant 0 : i32
        %sign3A_175 = arith.cmpi slt, %add3A_166, %sign3A_174 : i32
        %sign3A_176 = arith.extui %sign3A_175 : i1 to i32
        %sign3A_177 = arith.subi %sign3A_173, %sign3A_176 : i32
        %sign3A_178 = arith.constant 0 : i32
        %sign3A_179 = arith.cmpi sgt, %jit3A_171, %sign3A_178 : i32
        %sign3A_180 = arith.extui %sign3A_179 : i1 to i32
        %sign3A_181 = arith.constant 0 : i32
        %sign3A_182 = arith.cmpi slt, %jit3A_171, %sign3A_181 : i32
        %sign3A_183 = arith.extui %sign3A_182 : i1 to i32
        %sign3A_184 = arith.subi %sign3A_180, %sign3A_183 : i32
        %ne3A_185 = arith.cmpi ne, %sign3A_177, %sign3A_184 : i32
        %rem3A_186 = arith.remsi %add3A_166, %jit3A_171 : i32
        %ne3A_187 = arith.constant 0 : i32
        %ne3A_188 = arith.cmpi ne, %rem3A_186, %ne3A_187 : i32
        %and3A_189 = arith.andi %ne3A_185, %ne3A_188 : i1
        %sub3A = arith.constant 1 : i32
        %sub3A_190 = arith.subi %div3A, %sub3A : i32
        %select_n3A_191 = arith.select %and3A_189, %sub3A_190, %div3A : i32
        %mul3A_192 = arith.constant 50 : i32
        %mul3A_193 = arith.muli %select_n3A_191, %mul3A_192 : i32
        %sub3A_194 = arith.subi %add3A_166, %mul3A_193 : i32
        %mul3A_195 = arith.constant 32 : i32
        %mul3A_196 = arith.muli %sub3A_194, %mul3A_195 : i32
        %get3A_197 = arith.index_cast %add3A_166 : i32 to index
        %get3A_198 = arith.index_cast %mul3A_170 : i32 to index
        %get3A_199 = tpu.vector_load %arg10[%get3A_197, %get3A_198] {strides = array<i32>} : memref<400x128xf32, #tpu.memory_space<vmem>>, vector<1x16xf32>,
        %get3A_200 = vector.shape_cast %get3A_199 : vector<1x16xf32> to vector<16xf32>
        %swap3A = arith.index_cast %select_n3A_191 : i32 to index
        %swap3A_201 = arith.index_cast %mul3A_196 : i32 to index
        %swap3A_202 = tpu.vector_load %arg12[%swap3A, %swap3A_201] {strides = array<i32>} : memref<8x1600xf32, #tpu.memory_space<vmem>>, vector<1x16xf32>,
        %swap3A_203 = vector.shape_cast %swap3A_202 : vector<1x16xf32> to vector<16xf32>
        %swap3A_204 = vector.shape_cast %get3A_200 : vector<16xf32> to vector<1x16xf32>
        tpu.vector_store %arg12[%swap3A, %swap3A_201], %swap3A_204 {strides = array<i32>} : memref<8x1600xf32, #tpu.memory_space<vmem>>, vector<1x16xf32>,
        %add3A_205 = arith.constant 16 : i32
        %add3A_206 = arith.addi %mul3A_170, %add3A_205 : i32
        %get3A_207 = arith.index_cast %add3A_166 : i32 to index
        %get3A_208 = arith.index_cast %add3A_206 : i32 to index
        %get3A_209 = tpu.vector_load %arg10[%get3A_207, %get3A_208] {strides = array<i32>} : memref<400x128xf32, #tpu.memory_space<vmem>>, vector<1x16xf32>,
        %get3A_210 = vector.shape_cast %get3A_209 : vector<1x16xf32> to vector<16xf32>
        %add3A_211 = arith.constant 16 : i32
        %add3A_212 = arith.addi %mul3A_196, %add3A_211 : i32
        %swap3A_213 = arith.index_cast %select_n3A_191 : i32 to index
        %swap3A_214 = arith.index_cast %add3A_212 : i32 to index
        %swap3A_215 = tpu.vector_load %arg12[%swap3A_213, %swap3A_214] {strides = array<i32>} : memref<8x1600xf32, #tpu.memory_space<vmem>>, vector<1x16xf32>,
        %swap3A_216 = vector.shape_cast %swap3A_215 : vector<1x16xf32> to vector<16xf32>
        %swap3A_217 = vector.shape_cast %get3A_210 : vector<16xf32> to vector<1x16xf32>
        tpu.vector_store %arg12[%swap3A_213, %swap3A_214], %swap3A_217 {strides = array<i32>} : memref<8x1600xf32, #tpu.memory_space<vmem>>, vector<1x16xf32>,
        %add3A_218 = arith.constant 1 : i32
        %add3A_219 = arith.addi %add3A_162, %add3A_218 : i32
        %slice3A_220 = vector.extract_strided_slice %get3A_164 {offsets = [1], sizes = [1], strides = [1]} : vector<16xi32> to vector<1xi32>
        %squeeze3A_221 = vector.extract %slice3A_220[0] : i32 from vector<1xi32>
        %and3A_222 = arith.constant 3 : i32
        %and3A_223 = arith.andi %squeeze3A_221, %and3A_222 : i32
        %mul3A_224 = arith.constant 32 : i32
        %mul3A_225 = arith.muli %and3A_223, %mul3A_224 : i32
        %jit3A_226 = arith.constant 50 : i32
        %div3A_227 = arith.divsi %add3A_219, %jit3A_226 : i32
        %sign3A_228 = arith.constant 0 : i32
        %sign3A_229 = arith.cmpi sgt, %add3A_219, %sign3A_228 : i32
        %sign3A_230 = arith.extui %sign3A_229 : i1 to i32
        %sign3A_231 = arith.constant 0 : i32
        %sign3A_232 = arith.cmpi slt, %add3A_219, %sign3A_231 : i32
        %sign3A_233 = arith.extui %sign3A_232 : i1 to i32
        %sign3A_234 = arith.subi %sign3A_230, %sign3A_233 : i32
        %sign3A_235 = arith.constant 0 : i32
        %sign3A_236 = arith.cmpi sgt, %jit3A_226, %sign3A_235 : i32
        %sign3A_237 = arith.extui %sign3A_236 : i1 to i32
        %sign3A_238 = arith.constant 0 : i32
        %sign3A_239 = arith.cmpi slt, %jit3A_226, %sign3A_238 : i32
        %sign3A_240 = arith.extui %sign3A_239 : i1 to i32
        %sign3A_241 = arith.subi %sign3A_237, %sign3A_240 : i32
        %ne3A_242 = arith.cmpi ne, %sign3A_234, %sign3A_241 : i32
        %rem3A_243 = arith.remsi %add3A_219, %jit3A_226 : i32
        %ne3A_244 = arith.constant 0 : i32
        %ne3A_245 = arith.cmpi ne, %rem3A_243, %ne3A_244 : i32
        %and3A_246 = arith.andi %ne3A_242, %ne3A_245 : i1
        %sub3A_247 = arith.constant 1 : i32
        %sub3A_248 = arith.subi %div3A_227, %sub3A_247 : i32
        %select_n3A_249 = arith.select %and3A_246, %sub3A_248, %div3A_227 : i32
        %mul3A_250 = arith.constant 50 : i32
        %mul3A_251 = arith.muli %select_n3A_249, %mul3A_250 : i32
        %sub3A_252 = arith.subi %add3A_219, %mul3A_251 : i32
        %mul3A_253 = arith.constant 32 : i32
        %mul3A_254 = arith.muli %sub3A_252, %mul3A_253 : i32
        %get3A_255 = arith.index_cast %add3A_219 : i32 to index
        %get3A_256 = arith.index_cast %mul3A_225 : i32 to index
        %get3A_257 = tpu.vector_load %arg10[%get3A_255, %get3A_256] {strides = array<i32>} : memref<400x128xf32, #tpu.memory_space<vmem>>, vector<1x16xf32>,
        %get3A_258 = vector.shape_cast %get3A_257 : vector<1x16xf32> to vector<16xf32>
        %swap3A_259 = arith.index_cast %select_n3A_249 : i32 to index
        %swap3A_260 = arith.index_cast %mul3A_254 : i32 to index
        %swap3A_261 = tpu.vector_load %arg12[%swap3A_259, %swap3A_260] {strides = array<i32>} : memref<8x1600xf32, #tpu.memory_space<vmem>>, vector<1x16xf32>,
        %swap3A_262 = vector.shape_cast %swap3A_261 : vector<1x16xf32> to vector<16xf32>
        %swap3A_263 = vector.shape_cast %get3A_258 : vector<16xf32> to vector<1x16xf32>
        tpu.vector_store %arg12[%swap3A_259, %swap3A_260], %swap3A_263 {strides = array<i32>} : memref<8x1600xf32, #tpu.memory_space<vmem>>, vector<1x16xf32>,
        %add3A_264 = arith.constant 16 : i32
        %add3A_265 = arith.addi %mul3A_225, %add3A_264 : i32
        %get3A_266 = arith.index_cast %add3A_219 : i32 to index
        %get3A_267 = arith.index_cast %add3A_265 : i32 to index
        %get3A_268 = tpu.vector_load %arg10[%get3A_266, %get3A_267] {strides = array<i32>} : memref<400x128xf32, #tpu.memory_space<vmem>>, vector<1x16xf32>,
        %get3A_269 = vector.shape_cast %get3A_268 : vector<1x16xf32> to vector<16xf32>
        %add3A_270 = arith.constant 16 : i32
        %add3A_271 = arith.addi %mul3A_254, %add3A_270 : i32
        %swap3A_272 = arith.index_cast %select_n3A_249 : i32 to index
        %swap3A_273 = arith.index_cast %add3A_271 : i32 to index
        %swap3A_274 = tpu.vector_load %arg12[%swap3A_272, %swap3A_273] {strides = array<i32>} : memref<8x1600xf32, #tpu.memory_space<vmem>>, vector<1x16xf32>,
        %swap3A_275 = vector.shape_cast %swap3A_274 : vector<1x16xf32> to vector<16xf32>
        %swap3A_276 = vector.shape_cast %get3A_269 : vector<16xf32> to vector<1x16xf32>
        tpu.vector_store %arg12[%swap3A_272, %swap3A_273], %swap3A_276 {strides = array<i32>} : memref<8x1600xf32, #tpu.memory_space<vmem>>, vector<1x16xf32>,
        %add3A_277 = arith.constant 2 : i32
        %add3A_278 = arith.addi %add3A_162, %add3A_277 : i32
        %slice3A_279 = vector.extract_strided_slice %get3A_164 {offsets = [2], sizes = [1], strides = [1]} : vector<16xi32> to vector<1xi32>
        %squeeze3A_280 = vector.extract %slice3A_279[0] : i32 from vector<1xi32>
        %and3A_281 = arith.constant 3 : i32
        %and3A_282 = arith.andi %squeeze3A_280, %and3A_281 : i32
        %mul3A_283 = arith.constant 32 : i32
        %mul3A_284 = arith.muli %and3A_282, %mul3A_283 : i32
        %jit3A_285 = arith.constant 50 : i32
        %div3A_286 = arith.divsi %add3A_278, %jit3A_285 : i32
        %sign3A_287 = arith.constant 0 : i32
        %sign3A_288 = arith.cmpi sgt, %add3A_278, %sign3A_287 : i32
        %sign3A_289 = arith.extui %sign3A_288 : i1 to i32
        %sign3A_290 = arith.constant 0 : i32
        %sign3A_291 = arith.cmpi slt, %add3A_278, %sign3A_290 : i32
        %sign3A_292 = arith.extui %sign3A_291 : i1 to i32
        %sign3A_293 = arith.subi %sign3A_289, %sign3A_292 : i32
        %sign3A_294 = arith.constant 0 : i32
        %sign3A_295 = arith.cmpi sgt, %jit3A_285, %sign3A_294 : i32
        %sign3A_296 = arith.extui %sign3A_295 : i1 to i32
        %sign3A_297 = arith.constant 0 : i32
        %sign3A_298 = arith.cmpi slt, %jit3A_285, %sign3A_297 : i32
        %sign3A_299 = arith.extui %sign3A_298 : i1 to i32
        %sign3A_300 = arith.subi %sign3A_296, %sign3A_299 : i32
        %ne3A_301 = arith.cmpi ne, %sign3A_293, %sign3A_300 : i32
        %rem3A_302 = arith.remsi %add3A_278, %jit3A_285 : i32
        %ne3A_303 = arith.constant 0 : i32
        %ne3A_304 = arith.cmpi ne, %rem3A_302, %ne3A_303 : i32
        %and3A_305 = arith.andi %ne3A_301, %ne3A_304 : i1
        %sub3A_306 = arith.constant 1 : i32
        %sub3A_307 = arith.subi %div3A_286, %sub3A_306 : i32
        %select_n3A_308 = arith.select %and3A_305, %sub3A_307, %div3A_286 : i32
        %mul3A_309 = arith.constant 50 : i32
        %mul3A_310 = arith.muli %select_n3A_308, %mul3A_309 : i32
        %sub3A_311 = arith.subi %add3A_278, %mul3A_310 : i32
        %mul3A_312 = arith.constant 32 : i32
        %mul3A_313 = arith.muli %sub3A_311, %mul3A_312 : i32
        %get3A_314 = arith.index_cast %add3A_278 : i32 to index
        %get3A_315 = arith.index_cast %mul3A_284 : i32 to index
        %get3A_316 = tpu.vector_load %arg10[%get3A_314, %get3A_315] {strides = array<i32>} : memref<400x128xf32, #tpu.memory_space<vmem>>, vector<1x16xf32>,
        %get3A_317 = vector.shape_cast %get3A_316 : vector<1x16xf32> to vector<16xf32>
        %swap3A_318 = arith.index_cast %select_n3A_308 : i32 to index
        %swap3A_319 = arith.index_cast %mul3A_313 : i32 to index
        %swap3A_320 = tpu.vector_load %arg12[%swap3A_318, %swap3A_319] {strides = array<i32>} : memref<8x1600xf32, #tpu.memory_space<vmem>>, vector<1x16xf32>,
        %swap3A_321 = vector.shape_cast %swap3A_320 : vector<1x16xf32> to vector<16xf32>
        %swap3A_322 = vector.shape_cast %get3A_317 : vector<16xf32> to vector<1x16xf32>
        tpu.vector_store %arg12[%swap3A_318, %swap3A_319], %swap3A_322 {strides = array<i32>} : memref<8x1600xf32, #tpu.memory_space<vmem>>, vector<1x16xf32>,
        %add3A_323 = arith.constant 16 : i32
        %add3A_324 = arith.addi %mul3A_284, %add3A_323 : i32
        %get3A_325 = arith.index_cast %add3A_278 : i32 to index
        %get3A_326 = arith.index_cast %add3A_324 : i32 to index
        %get3A_327 = tpu.vector_load %arg10[%get3A_325, %get3A_326] {strides = array<i32>} : memref<400x128xf32, #tpu.memory_space<vmem>>, vector<1x16xf32>,
        %get3A_328 = vector.shape_cast %get3A_327 : vector<1x16xf32> to vector<16xf32>
        %add3A_329 = arith.constant 16 : i32
        %add3A_330 = arith.addi %mul3A_313, %add3A_329 : i32
        %swap3A_331 = arith.index_cast %select_n3A_308 : i32 to index
        %swap3A_332 = arith.index_cast %add3A_330 : i32 to index
        %swap3A_333 = tpu.vector_load %arg12[%swap3A_331, %swap3A_332] {strides = array<i32>} : memref<8x1600xf32, #tpu.memory_space<vmem>>, vector<1x16xf32>,
        %swap3A_334 = vector.shape_cast %swap3A_333 : vector<1x16xf32> to vector<16xf32>
        %swap3A_335 = vector.shape_cast %get3A_328 : vector<16xf32> to vector<1x16xf32>
        tpu.vector_store %arg12[%swap3A_331, %swap3A_332], %swap3A_335 {strides = array<i32>} : memref<8x1600xf32, #tpu.memory_space<vmem>>, vector<1x16xf32>,
        %add3A_336 = arith.constant 3 : i32
        %add3A_337 = arith.addi %add3A_162, %add3A_336 : i32
        %slice3A_338 = vector.extract_strided_slice %get3A_164 {offsets = [3], sizes = [1], strides = [1]} : vector<16xi32> to vector<1xi32>
        %squeeze3A_339 = vector.extract %slice3A_338[0] : i32 from vector<1xi32>
        %and3A_340 = arith.constant 3 : i32
        %and3A_341 = arith.andi %squeeze3A_339, %and3A_340 : i32
        %mul3A_342 = arith.constant 32 : i32
        %mul3A_343 = arith.muli %and3A_341, %mul3A_342 : i32
        %jit3A_344 = arith.constant 50 : i32
        %div3A_345 = arith.divsi %add3A_337, %jit3A_344 : i32
        %sign3A_346 = arith.constant 0 : i32
        %sign3A_347 = arith.cmpi sgt, %add3A_337, %sign3A_346 : i32
        %sign3A_348 = arith.extui %sign3A_347 : i1 to i32
        %sign3A_349 = arith.constant 0 : i32
        %sign3A_350 = arith.cmpi slt, %add3A_337, %sign3A_349 : i32
        %sign3A_351 = arith.extui %sign3A_350 : i1 to i32
        %sign3A_352 = arith.subi %sign3A_348, %sign3A_351 : i32
        %sign3A_353 = arith.constant 0 : i32
        %sign3A_354 = arith.cmpi sgt, %jit3A_344, %sign3A_353 : i32
        %sign3A_355 = arith.extui %sign3A_354 : i1 to i32
        %sign3A_356 = arith.constant 0 : i32
        %sign3A_357 = arith.cmpi slt, %jit3A_344, %sign3A_356 : i32
        %sign3A_358 = arith.extui %sign3A_357 : i1 to i32
        %sign3A_359 = arith.subi %sign3A_355, %sign3A_358 : i32
        %ne3A_360 = arith.cmpi ne, %sign3A_352, %sign3A_359 : i32
        %rem3A_361 = arith.remsi %add3A_337, %jit3A_344 : i32
        %ne3A_362 = arith.constant 0 : i32
        %ne3A_363 = arith.cmpi ne, %rem3A_361, %ne3A_362 : i32
        %and3A_364 = arith.andi %ne3A_360, %ne3A_363 : i1
        %sub3A_365 = arith.constant 1 : i32
        %sub3A_366 = arith.subi %div3A_345, %sub3A_365 : i32
        %select_n3A_367 = arith.select %and3A_364, %sub3A_366, %div3A_345 : i32
        %mul3A_368 = arith.constant 50 : i32
        %mul3A_369 = arith.muli %select_n3A_367, %mul3A_368 : i32
        %sub3A_370 = arith.subi %add3A_337, %mul3A_369 : i32
        %mul3A_371 = arith.constant 32 : i32
        %mul3A_372 = arith.muli %sub3A_370, %mul3A_371 : i32
        %get3A_373 = arith.index_cast %add3A_337 : i32 to index
        %get3A_374 = arith.index_cast %mul3A_343 : i32 to index
        %get3A_375 = tpu.vector_load %arg10[%get3A_373, %get3A_374] {strides = array<i32>} : memref<400x128xf32, #tpu.memory_space<vmem>>, vector<1x16xf32>,
        %get3A_376 = vector.shape_cast %get3A_375 : vector<1x16xf32> to vector<16xf32>
        %swap3A_377 = arith.index_cast %select_n3A_367 : i32 to index
        %swap3A_378 = arith.index_cast %mul3A_372 : i32 to index
        %swap3A_379 = tpu.vector_load %arg12[%swap3A_377, %swap3A_378] {strides = array<i32>} : memref<8x1600xf32, #tpu.memory_space<vmem>>, vector<1x16xf32>,
        %swap3A_380 = vector.shape_cast %swap3A_379 : vector<1x16xf32> to vector<16xf32>
        %swap3A_381 = vector.shape_cast %get3A_376 : vector<16xf32> to vector<1x16xf32>
        tpu.vector_store %arg12[%swap3A_377, %swap3A_378], %swap3A_381 {strides = array<i32>} : memref<8x1600xf32, #tpu.memory_space<vmem>>, vector<1x16xf32>,
        %add3A_382 = arith.constant 16 : i32
        %add3A_383 = arith.addi %mul3A_343, %add3A_382 : i32
        %get3A_384 = arith.index_cast %add3A_337 : i32 to index
        %get3A_385 = arith.index_cast %add3A_383 : i32 to index
        %get3A_386 = tpu.vector_load %arg10[%get3A_384, %get3A_385] {strides = array<i32>} : memref<400x128xf32, #tpu.memory_space<vmem>>, vector<1x16xf32>,
        %get3A_387 = vector.shape_cast %get3A_386 : vector<1x16xf32> to vector<16xf32>
        %add3A_388 = arith.constant 16 : i32
        %add3A_389 = arith.addi %mul3A_372, %add3A_388 : i32
        %swap3A_390 = arith.index_cast %select_n3A_367 : i32 to index
        %swap3A_391 = arith.index_cast %add3A_389 : i32 to index
        %swap3A_392 = tpu.vector_load %arg12[%swap3A_390, %swap3A_391] {strides = array<i32>} : memref<8x1600xf32, #tpu.memory_space<vmem>>, vector<1x16xf32>,
        %swap3A_393 = vector.shape_cast %swap3A_392 : vector<1x16xf32> to vector<16xf32>
        %swap3A_394 = vector.shape_cast %get3A_387 : vector<16xf32> to vector<1x16xf32>
        tpu.vector_store %arg12[%swap3A_390, %swap3A_391], %swap3A_394 {strides = array<i32>} : memref<8x1600xf32, #tpu.memory_space<vmem>>, vector<1x16xf32>,
        %add3A_395 = arith.constant 4 : i32
        %add3A_396 = arith.addi %add3A_162, %add3A_395 : i32
        %slice3A_397 = vector.extract_strided_slice %get3A_164 {offsets = [4], sizes = [1], strides = [1]} : vector<16xi32> to vector<1xi32>
        %squeeze3A_398 = vector.extract %slice3A_397[0] : i32 from vector<1xi32>
        %and3A_399 = arith.constant 3 : i32
        %and3A_400 = arith.andi %squeeze3A_398, %and3A_399 : i32
        %mul3A_401 = arith.constant 32 : i32
        %mul3A_402 = arith.muli %and3A_400, %mul3A_401 : i32
        %jit3A_403 = arith.constant 50 : i32
        %div3A_404 = arith.divsi %add3A_396, %jit3A_403 : i32
        %sign3A_405 = arith.constant 0 : i32
        %sign3A_406 = arith.cmpi sgt, %add3A_396, %sign3A_405 : i32
        %sign3A_407 = arith.extui %sign3A_406 : i1 to i32
        %sign3A_408 = arith.constant 0 : i32
        %sign3A_409 = arith.cmpi slt, %add3A_396, %sign3A_408 : i32
        %sign3A_410 = arith.extui %sign3A_409 : i1 to i32
        %sign3A_411 = arith.subi %sign3A_407, %sign3A_410 : i32
        %sign3A_412 = arith.constant 0 : i32
        %sign3A_413 = arith.cmpi sgt, %jit3A_403, %sign3A_412 : i32
        %sign3A_414 = arith.extui %sign3A_413 : i1 to i32
        %sign3A_415 = arith.constant 0 : i32
        %sign3A_416 = arith.cmpi slt, %jit3A_403, %sign3A_415 : i32
        %sign3A_417 = arith.extui %sign3A_416 : i1 to i32
        %sign3A_418 = arith.subi %sign3A_414, %sign3A_417 : i32
        %ne3A_419 = arith.cmpi ne, %sign3A_411, %sign3A_418 : i32
        %rem3A_420 = arith.remsi %add3A_396, %jit3A_403 : i32
        %ne3A_421 = arith.constant 0 : i32
        %ne3A_422 = arith.cmpi ne, %rem3A_420, %ne3A_421 : i32
        %and3A_423 = arith.andi %ne3A_419, %ne3A_422 : i1
        %sub3A_424 = arith.constant 1 : i32
        %sub3A_425 = arith.subi %div3A_404, %sub3A_424 : i32
        %select_n3A_426 = arith.select %and3A_423, %sub3A_425, %div3A_404 : i32
        %mul3A_427 = arith.constant 50 : i32
        %mul3A_428 = arith.muli %select_n3A_426, %mul3A_427 : i32
        %sub3A_429 = arith.subi %add3A_396, %mul3A_428 : i32
        %mul3A_430 = arith.constant 32 : i32
        %mul3A_431 = arith.muli %sub3A_429, %mul3A_430 : i32
        %get3A_432 = arith.index_cast %add3A_396 : i32 to index
        %get3A_433 = arith.index_cast %mul3A_402 : i32 to index
        %get3A_434 = tpu.vector_load %arg10[%get3A_432, %get3A_433] {strides = array<i32>} : memref<400x128xf32, #tpu.memory_space<vmem>>, vector<1x16xf32>,
        %get3A_435 = vector.shape_cast %get3A_434 : vector<1x16xf32> to vector<16xf32>
        %swap3A_436 = arith.index_cast %select_n3A_426 : i32 to index
        %swap3A_437 = arith.index_cast %mul3A_431 : i32 to index
        %swap3A_438 = tpu.vector_load %arg12[%swap3A_436, %swap3A_437] {strides = array<i32>} : memref<8x1600xf32, #tpu.memory_space<vmem>>, vector<1x16xf32>,
        %swap3A_439 = vector.shape_cast %swap3A_438 : vector<1x16xf32> to vector<16xf32>
        %swap3A_440 = vector.shape_cast %get3A_435 : vector<16xf32> to vector<1x16xf32>
        tpu.vector_store %arg12[%swap3A_436, %swap3A_437], %swap3A_440 {strides = array<i32>} : memref<8x1600xf32, #tpu.memory_space<vmem>>, vector<1x16xf32>,
        %add3A_441 = arith.constant 16 : i32
        %add3A_442 = arith.addi %mul3A_402, %add3A_441 : i32
        %get3A_443 = arith.index_cast %add3A_396 : i32 to index
        %get3A_444 = arith.index_cast %add3A_442 : i32 to index
        %get3A_445 = tpu.vector_load %arg10[%get3A_443, %get3A_444] {strides = array<i32>} : memref<400x128xf32, #tpu.memory_space<vmem>>, vector<1x16xf32>,
        %get3A_446 = vector.shape_cast %get3A_445 : vector<1x16xf32> to vector<16xf32>
        %add3A_447 = arith.constant 16 : i32
        %add3A_448 = arith.addi %mul3A_431, %add3A_447 : i32
        %swap3A_449 = arith.index_cast %select_n3A_426 : i32 to index
        %swap3A_450 = arith.index_cast %add3A_448 : i32 to index
        %swap3A_451 = tpu.vector_load %arg12[%swap3A_449, %swap3A_450] {strides = array<i32>} : memref<8x1600xf32, #tpu.memory_space<vmem>>, vector<1x16xf32>,
        %swap3A_452 = vector.shape_cast %swap3A_451 : vector<1x16xf32> to vector<16xf32>
        %swap3A_453 = vector.shape_cast %get3A_446 : vector<16xf32> to vector<1x16xf32>
        tpu.vector_store %arg12[%swap3A_449, %swap3A_450], %swap3A_453 {strides = array<i32>} : memref<8x1600xf32, #tpu.memory_space<vmem>>, vector<1x16xf32>,
        %add3A_454 = arith.constant 5 : i32
        %add3A_455 = arith.addi %add3A_162, %add3A_454 : i32
        %slice3A_456 = vector.extract_strided_slice %get3A_164 {offsets = [5], sizes = [1], strides = [1]} : vector<16xi32> to vector<1xi32>
        %squeeze3A_457 = vector.extract %slice3A_456[0] : i32 from vector<1xi32>
        %and3A_458 = arith.constant 3 : i32
        %and3A_459 = arith.andi %squeeze3A_457, %and3A_458 : i32
        %mul3A_460 = arith.constant 32 : i32
        %mul3A_461 = arith.muli %and3A_459, %mul3A_460 : i32
        %jit3A_462 = arith.constant 50 : i32
        %div3A_463 = arith.divsi %add3A_455, %jit3A_462 : i32
        %sign3A_464 = arith.constant 0 : i32
        %sign3A_465 = arith.cmpi sgt, %add3A_455, %sign3A_464 : i32
        %sign3A_466 = arith.extui %sign3A_465 : i1 to i32
        %sign3A_467 = arith.constant 0 : i32
        %sign3A_468 = arith.cmpi slt, %add3A_455, %sign3A_467 : i32
        %sign3A_469 = arith.extui %sign3A_468 : i1 to i32
        %sign3A_470 = arith.subi %sign3A_466, %sign3A_469 : i32
        %sign3A_471 = arith.constant 0 : i32
        %sign3A_472 = arith.cmpi sgt, %jit3A_462, %sign3A_471 : i32
        %sign3A_473 = arith.extui %sign3A_472 : i1 to i32
        %sign3A_474 = arith.constant 0 : i32
        %sign3A_475 = arith.cmpi slt, %jit3A_462, %sign3A_474 : i32
        %sign3A_476 = arith.extui %sign3A_475 : i1 to i32
        %sign3A_477 = arith.subi %sign3A_473, %sign3A_476 : i32
        %ne3A_478 = arith.cmpi ne, %sign3A_470, %sign3A_477 : i32
        %rem3A_479 = arith.remsi %add3A_455, %jit3A_462 : i32
        %ne3A_480 = arith.constant 0 : i32
        %ne3A_481 = arith.cmpi ne, %rem3A_479, %ne3A_480 : i32
        %and3A_482 = arith.andi %ne3A_478, %ne3A_481 : i1
        %sub3A_483 = arith.constant 1 : i32
        %sub3A_484 = arith.subi %div3A_463, %sub3A_483 : i32
        %select_n3A_485 = arith.select %and3A_482, %sub3A_484, %div3A_463 : i32
        %mul3A_486 = arith.constant 50 : i32
        %mul3A_487 = arith.muli %select_n3A_485, %mul3A_486 : i32
        %sub3A_488 = arith.subi %add3A_455, %mul3A_487 : i32
        %mul3A_489 = arith.constant 32 : i32
        %mul3A_490 = arith.muli %sub3A_488, %mul3A_489 : i32
        %get3A_491 = arith.index_cast %add3A_455 : i32 to index
        %get3A_492 = arith.index_cast %mul3A_461 : i32 to index
        %get3A_493 = tpu.vector_load %arg10[%get3A_491, %get3A_492] {strides = array<i32>} : memref<400x128xf32, #tpu.memory_space<vmem>>, vector<1x16xf32>,
        %get3A_494 = vector.shape_cast %get3A_493 : vector<1x16xf32> to vector<16xf32>
        %swap3A_495 = arith.index_cast %select_n3A_485 : i32 to index
        %swap3A_496 = arith.index_cast %mul3A_490 : i32 to index
        %swap3A_497 = tpu.vector_load %arg12[%swap3A_495, %swap3A_496] {strides = array<i32>} : memref<8x1600xf32, #tpu.memory_space<vmem>>, vector<1x16xf32>,
        %swap3A_498 = vector.shape_cast %swap3A_497 : vector<1x16xf32> to vector<16xf32>
        %swap3A_499 = vector.shape_cast %get3A_494 : vector<16xf32> to vector<1x16xf32>
        tpu.vector_store %arg12[%swap3A_495, %swap3A_496], %swap3A_499 {strides = array<i32>} : memref<8x1600xf32, #tpu.memory_space<vmem>>, vector<1x16xf32>,
        %add3A_500 = arith.constant 16 : i32
        %add3A_501 = arith.addi %mul3A_461, %add3A_500 : i32
        %get3A_502 = arith.index_cast %add3A_455 : i32 to index
        %get3A_503 = arith.index_cast %add3A_501 : i32 to index
        %get3A_504 = tpu.vector_load %arg10[%get3A_502, %get3A_503] {strides = array<i32>} : memref<400x128xf32, #tpu.memory_space<vmem>>, vector<1x16xf32>,
        %get3A_505 = vector.shape_cast %get3A_504 : vector<1x16xf32> to vector<16xf32>
        %add3A_506 = arith.constant 16 : i32
        %add3A_507 = arith.addi %mul3A_490, %add3A_506 : i32
        %swap3A_508 = arith.index_cast %select_n3A_485 : i32 to index
        %swap3A_509 = arith.index_cast %add3A_507 : i32 to index
        %swap3A_510 = tpu.vector_load %arg12[%swap3A_508, %swap3A_509] {strides = array<i32>} : memref<8x1600xf32, #tpu.memory_space<vmem>>, vector<1x16xf32>,
        %swap3A_511 = vector.shape_cast %swap3A_510 : vector<1x16xf32> to vector<16xf32>
        %swap3A_512 = vector.shape_cast %get3A_505 : vector<16xf32> to vector<1x16xf32>
        tpu.vector_store %arg12[%swap3A_508, %swap3A_509], %swap3A_512 {strides = array<i32>} : memref<8x1600xf32, #tpu.memory_space<vmem>>, vector<1x16xf32>,
        %add3A_513 = arith.constant 6 : i32
        %add3A_514 = arith.addi %add3A_162, %add3A_513 : i32
        %slice3A_515 = vector.extract_strided_slice %get3A_164 {offsets = [6], sizes = [1], strides = [1]} : vector<16xi32> to vector<1xi32>
        %squeeze3A_516 = vector.extract %slice3A_515[0] : i32 from vector<1xi32>
        %and3A_517 = arith.constant 3 : i32
        %and3A_518 = arith.andi %squeeze3A_516, %and3A_517 : i32
        %mul3A_519 = arith.constant 32 : i32
        %mul3A_520 = arith.muli %and3A_518, %mul3A_519 : i32
        %jit3A_521 = arith.constant 50 : i32
        %div3A_522 = arith.divsi %add3A_514, %jit3A_521 : i32
        %sign3A_523 = arith.constant 0 : i32
        %sign3A_524 = arith.cmpi sgt, %add3A_514, %sign3A_523 : i32
        %sign3A_525 = arith.extui %sign3A_524 : i1 to i32
        %sign3A_526 = arith.constant 0 : i32
        %sign3A_527 = arith.cmpi slt, %add3A_514, %sign3A_526 : i32
        %sign3A_528 = arith.extui %sign3A_527 : i1 to i32
        %sign3A_529 = arith.subi %sign3A_525, %sign3A_528 : i32
        %sign3A_530 = arith.constant 0 : i32
        %sign3A_531 = arith.cmpi sgt, %jit3A_521, %sign3A_530 : i32
        %sign3A_532 = arith.extui %sign3A_531 : i1 to i32
        %sign3A_533 = arith.constant 0 : i32
        %sign3A_534 = arith.cmpi slt, %jit3A_521, %sign3A_533 : i32
        %sign3A_535 = arith.extui %sign3A_534 : i1 to i32
        %sign3A_536 = arith.subi %sign3A_532, %sign3A_535 : i32
        %ne3A_537 = arith.cmpi ne, %sign3A_529, %sign3A_536 : i32
        %rem3A_538 = arith.remsi %add3A_514, %jit3A_521 : i32
        %ne3A_539 = arith.constant 0 : i32
        %ne3A_540 = arith.cmpi ne, %rem3A_538, %ne3A_539 : i32
        %and3A_541 = arith.andi %ne3A_537, %ne3A_540 : i1
        %sub3A_542 = arith.constant 1 : i32
        %sub3A_543 = arith.subi %div3A_522, %sub3A_542 : i32
        %select_n3A_544 = arith.select %and3A_541, %sub3A_543, %div3A_522 : i32
        %mul3A_545 = arith.constant 50 : i32
        %mul3A_546 = arith.muli %select_n3A_544, %mul3A_545 : i32
        %sub3A_547 = arith.subi %add3A_514, %mul3A_546 : i32
        %mul3A_548 = arith.constant 32 : i32
        %mul3A_549 = arith.muli %sub3A_547, %mul3A_548 : i32
        %get3A_550 = arith.index_cast %add3A_514 : i32 to index
        %get3A_551 = arith.index_cast %mul3A_520 : i32 to index
        %get3A_552 = tpu.vector_load %arg10[%get3A_550, %get3A_551] {strides = array<i32>} : memref<400x128xf32, #tpu.memory_space<vmem>>, vector<1x16xf32>,
        %get3A_553 = vector.shape_cast %get3A_552 : vector<1x16xf32> to vector<16xf32>
        %swap3A_554 = arith.index_cast %select_n3A_544 : i32 to index
        %swap3A_555 = arith.index_cast %mul3A_549 : i32 to index
        %swap3A_556 = tpu.vector_load %arg12[%swap3A_554, %swap3A_555] {strides = array<i32>} : memref<8x1600xf32, #tpu.memory_space<vmem>>, vector<1x16xf32>,
        %swap3A_557 = vector.shape_cast %swap3A_556 : vector<1x16xf32> to vector<16xf32>
        %swap3A_558 = vector.shape_cast %get3A_553 : vector<16xf32> to vector<1x16xf32>
        tpu.vector_store %arg12[%swap3A_554, %swap3A_555], %swap3A_558 {strides = array<i32>} : memref<8x1600xf32, #tpu.memory_space<vmem>>, vector<1x16xf32>,
        %add3A_559 = arith.constant 16 : i32
        %add3A_560 = arith.addi %mul3A_520, %add3A_559 : i32
        %get3A_561 = arith.index_cast %add3A_514 : i32 to index
        %get3A_562 = arith.index_cast %add3A_560 : i32 to index
        %get3A_563 = tpu.vector_load %arg10[%get3A_561, %get3A_562] {strides = array<i32>} : memref<400x128xf32, #tpu.memory_space<vmem>>, vector<1x16xf32>,
        %get3A_564 = vector.shape_cast %get3A_563 : vector<1x16xf32> to vector<16xf32>
        %add3A_565 = arith.constant 16 : i32
        %add3A_566 = arith.addi %mul3A_549, %add3A_565 : i32
        %swap3A_567 = arith.index_cast %select_n3A_544 : i32 to index
        %swap3A_568 = arith.index_cast %add3A_566 : i32 to index
        %swap3A_569 = tpu.vector_load %arg12[%swap3A_567, %swap3A_568] {strides = array<i32>} : memref<8x1600xf32, #tpu.memory_space<vmem>>, vector<1x16xf32>,
        %swap3A_570 = vector.shape_cast %swap3A_569 : vector<1x16xf32> to vector<16xf32>
        %swap3A_571 = vector.shape_cast %get3A_564 : vector<16xf32> to vector<1x16xf32>
        tpu.vector_store %arg12[%swap3A_567, %swap3A_568], %swap3A_571 {strides = array<i32>} : memref<8x1600xf32, #tpu.memory_space<vmem>>, vector<1x16xf32>,
        %add3A_572 = arith.constant 7 : i32
        %add3A_573 = arith.addi %add3A_162, %add3A_572 : i32
        %slice3A_574 = vector.extract_strided_slice %get3A_164 {offsets = [7], sizes = [1], strides = [1]} : vector<16xi32> to vector<1xi32>
        %squeeze3A_575 = vector.extract %slice3A_574[0] : i32 from vector<1xi32>
        %and3A_576 = arith.constant 3 : i32
        %and3A_577 = arith.andi %squeeze3A_575, %and3A_576 : i32
        %mul3A_578 = arith.constant 32 : i32
        %mul3A_579 = arith.muli %and3A_577, %mul3A_578 : i32
        %jit3A_580 = arith.constant 50 : i32
        %div3A_581 = arith.divsi %add3A_573, %jit3A_580 : i32
        %sign3A_582 = arith.constant 0 : i32
        %sign3A_583 = arith.cmpi sgt, %add3A_573, %sign3A_582 : i32
        %sign3A_584 = arith.extui %sign3A_583 : i1 to i32
        %sign3A_585 = arith.constant 0 : i32
        %sign3A_586 = arith.cmpi slt, %add3A_573, %sign3A_585 : i32
        %sign3A_587 = arith.extui %sign3A_586 : i1 to i32
        %sign3A_588 = arith.subi %sign3A_584, %sign3A_587 : i32
        %sign3A_589 = arith.constant 0 : i32
        %sign3A_590 = arith.cmpi sgt, %jit3A_580, %sign3A_589 : i32
        %sign3A_591 = arith.extui %sign3A_590 : i1 to i32
        %sign3A_592 = arith.constant 0 : i32
        %sign3A_593 = arith.cmpi slt, %jit3A_580, %sign3A_592 : i32
        %sign3A_594 = arith.extui %sign3A_593 : i1 to i32
        %sign3A_595 = arith.subi %sign3A_591, %sign3A_594 : i32
        %ne3A_596 = arith.cmpi ne, %sign3A_588, %sign3A_595 : i32
        %rem3A_597 = arith.remsi %add3A_573, %jit3A_580 : i32
        %ne3A_598 = arith.constant 0 : i32
        %ne3A_599 = arith.cmpi ne, %rem3A_597, %ne3A_598 : i32
        %and3A_600 = arith.andi %ne3A_596, %ne3A_599 : i1
        %sub3A_601 = arith.constant 1 : i32
        %sub3A_602 = arith.subi %div3A_581, %sub3A_601 : i32
        %select_n3A_603 = arith.select %and3A_600, %sub3A_602, %div3A_581 : i32
        %mul3A_604 = arith.constant 50 : i32
        %mul3A_605 = arith.muli %select_n3A_603, %mul3A_604 : i32
        %sub3A_606 = arith.subi %add3A_573, %mul3A_605 : i32
        %mul3A_607 = arith.constant 32 : i32
        %mul3A_608 = arith.muli %sub3A_606, %mul3A_607 : i32
        %get3A_609 = arith.index_cast %add3A_573 : i32 to index
        %get3A_610 = arith.index_cast %mul3A_579 : i32 to index
        %get3A_611 = tpu.vector_load %arg10[%get3A_609, %get3A_610] {strides = array<i32>} : memref<400x128xf32, #tpu.memory_space<vmem>>, vector<1x16xf32>,
        %get3A_612 = vector.shape_cast %get3A_611 : vector<1x16xf32> to vector<16xf32>
        %swap3A_613 = arith.index_cast %select_n3A_603 : i32 to index
        %swap3A_614 = arith.index_cast %mul3A_608 : i32 to index
        %swap3A_615 = tpu.vector_load %arg12[%swap3A_613, %swap3A_614] {strides = array<i32>} : memref<8x1600xf32, #tpu.memory_space<vmem>>, vector<1x16xf32>,
        %swap3A_616 = vector.shape_cast %swap3A_615 : vector<1x16xf32> to vector<16xf32>
        %swap3A_617 = vector.shape_cast %get3A_612 : vector<16xf32> to vector<1x16xf32>
        tpu.vector_store %arg12[%swap3A_613, %swap3A_614], %swap3A_617 {strides = array<i32>} : memref<8x1600xf32, #tpu.memory_space<vmem>>, vector<1x16xf32>,
        %add3A_618 = arith.constant 16 : i32
        %add3A_619 = arith.addi %mul3A_579, %add3A_618 : i32
        %get3A_620 = arith.index_cast %add3A_573 : i32 to index
        %get3A_621 = arith.index_cast %add3A_619 : i32 to index
        %get3A_622 = tpu.vector_load %arg10[%get3A_620, %get3A_621] {strides = array<i32>} : memref<400x128xf32, #tpu.memory_space<vmem>>, vector<1x16xf32>,
        %get3A_623 = vector.shape_cast %get3A_622 : vector<1x16xf32> to vector<16xf32>
        %add3A_624 = arith.constant 16 : i32
        %add3A_625 = arith.addi %mul3A_608, %add3A_624 : i32
        %swap3A_626 = arith.index_cast %select_n3A_603 : i32 to index
        %swap3A_627 = arith.index_cast %add3A_625 : i32 to index
        %swap3A_628 = tpu.vector_load %arg12[%swap3A_626, %swap3A_627] {strides = array<i32>} : memref<8x1600xf32, #tpu.memory_space<vmem>>, vector<1x16xf32>,
        %swap3A_629 = vector.shape_cast %swap3A_628 : vector<1x16xf32> to vector<16xf32>
        %swap3A_630 = vector.shape_cast %get3A_623 : vector<16xf32> to vector<1x16xf32>
        tpu.vector_store %arg12[%swap3A_626, %swap3A_627], %swap3A_630 {strides = array<i32>} : memref<8x1600xf32, #tpu.memory_space<vmem>>, vector<1x16xf32>,
        %add3A_631 = arith.constant 8 : i32
        %add3A_632 = arith.addi %add3A_162, %add3A_631 : i32
        %slice3A_633 = vector.extract_strided_slice %get3A_164 {offsets = [8], sizes = [1], strides = [1]} : vector<16xi32> to vector<1xi32>
        %squeeze3A_634 = vector.extract %slice3A_633[0] : i32 from vector<1xi32>
        %and3A_635 = arith.constant 3 : i32
        %and3A_636 = arith.andi %squeeze3A_634, %and3A_635 : i32
        %mul3A_637 = arith.constant 32 : i32
        %mul3A_638 = arith.muli %and3A_636, %mul3A_637 : i32
        %jit3A_639 = arith.constant 50 : i32
        %div3A_640 = arith.divsi %add3A_632, %jit3A_639 : i32
        %sign3A_641 = arith.constant 0 : i32
        %sign3A_642 = arith.cmpi sgt, %add3A_632, %sign3A_641 : i32
        %sign3A_643 = arith.extui %sign3A_642 : i1 to i32
        %sign3A_644 = arith.constant 0 : i32
        %sign3A_645 = arith.cmpi slt, %add3A_632, %sign3A_644 : i32
        %sign3A_646 = arith.extui %sign3A_645 : i1 to i32
        %sign3A_647 = arith.subi %sign3A_643, %sign3A_646 : i32
        %sign3A_648 = arith.constant 0 : i32
        %sign3A_649 = arith.cmpi sgt, %jit3A_639, %sign3A_648 : i32
        %sign3A_650 = arith.extui %sign3A_649 : i1 to i32
        %sign3A_651 = arith.constant 0 : i32
        %sign3A_652 = arith.cmpi slt, %jit3A_639, %sign3A_651 : i32
        %sign3A_653 = arith.extui %sign3A_652 : i1 to i32
        %sign3A_654 = arith.subi %sign3A_650, %sign3A_653 : i32
        %ne3A_655 = arith.cmpi ne, %sign3A_647, %sign3A_654 : i32
        %rem3A_656 = arith.remsi %add3A_632, %jit3A_639 : i32
        %ne3A_657 = arith.constant 0 : i32
        %ne3A_658 = arith.cmpi ne, %rem3A_656, %ne3A_657 : i32
        %and3A_659 = arith.andi %ne3A_655, %ne3A_658 : i1
        %sub3A_660 = arith.constant 1 : i32
        %sub3A_661 = arith.subi %div3A_640, %sub3A_660 : i32
        %select_n3A_662 = arith.select %and3A_659, %sub3A_661, %div3A_640 : i32
        %mul3A_663 = arith.constant 50 : i32
        %mul3A_664 = arith.muli %select_n3A_662, %mul3A_663 : i32
        %sub3A_665 = arith.subi %add3A_632, %mul3A_664 : i32
        %mul3A_666 = arith.constant 32 : i32
        %mul3A_667 = arith.muli %sub3A_665, %mul3A_666 : i32
        %get3A_668 = arith.index_cast %add3A_632 : i32 to index
        %get3A_669 = arith.index_cast %mul3A_638 : i32 to index
        %get3A_670 = tpu.vector_load %arg10[%get3A_668, %get3A_669] {strides = array<i32>} : memref<400x128xf32, #tpu.memory_space<vmem>>, vector<1x16xf32>,
        %get3A_671 = vector.shape_cast %get3A_670 : vector<1x16xf32> to vector<16xf32>
        %swap3A_672 = arith.index_cast %select_n3A_662 : i32 to index
        %swap3A_673 = arith.index_cast %mul3A_667 : i32 to index
        %swap3A_674 = tpu.vector_load %arg12[%swap3A_672, %swap3A_673] {strides = array<i32>} : memref<8x1600xf32, #tpu.memory_space<vmem>>, vector<1x16xf32>,
        %swap3A_675 = vector.shape_cast %swap3A_674 : vector<1x16xf32> to vector<16xf32>
        %swap3A_676 = vector.shape_cast %get3A_671 : vector<16xf32> to vector<1x16xf32>
        tpu.vector_store %arg12[%swap3A_672, %swap3A_673], %swap3A_676 {strides = array<i32>} : memref<8x1600xf32, #tpu.memory_space<vmem>>, vector<1x16xf32>,
        %add3A_677 = arith.constant 16 : i32
        %add3A_678 = arith.addi %mul3A_638, %add3A_677 : i32
        %get3A_679 = arith.index_cast %add3A_632 : i32 to index
        %get3A_680 = arith.index_cast %add3A_678 : i32 to index
        %get3A_681 = tpu.vector_load %arg10[%get3A_679, %get3A_680] {strides = array<i32>} : memref<400x128xf32, #tpu.memory_space<vmem>>, vector<1x16xf32>,
        %get3A_682 = vector.shape_cast %get3A_681 : vector<1x16xf32> to vector<16xf32>
        %add3A_683 = arith.constant 16 : i32
        %add3A_684 = arith.addi %mul3A_667, %add3A_683 : i32
        %swap3A_685 = arith.index_cast %select_n3A_662 : i32 to index
        %swap3A_686 = arith.index_cast %add3A_684 : i32 to index
        %swap3A_687 = tpu.vector_load %arg12[%swap3A_685, %swap3A_686] {strides = array<i32>} : memref<8x1600xf32, #tpu.memory_space<vmem>>, vector<1x16xf32>,
        %swap3A_688 = vector.shape_cast %swap3A_687 : vector<1x16xf32> to vector<16xf32>
        %swap3A_689 = vector.shape_cast %get3A_682 : vector<16xf32> to vector<1x16xf32>
        tpu.vector_store %arg12[%swap3A_685, %swap3A_686], %swap3A_689 {strides = array<i32>} : memref<8x1600xf32, #tpu.memory_space<vmem>>, vector<1x16xf32>,
        %add3A_690 = arith.constant 9 : i32
        %add3A_691 = arith.addi %add3A_162, %add3A_690 : i32
        %slice3A_692 = vector.extract_strided_slice %get3A_164 {offsets = [9], sizes = [1], strides = [1]} : vector<16xi32> to vector<1xi32>
        %squeeze3A_693 = vector.extract %slice3A_692[0] : i32 from vector<1xi32>
        %and3A_694 = arith.constant 3 : i32
        %and3A_695 = arith.andi %squeeze3A_693, %and3A_694 : i32
        %mul3A_696 = arith.constant 32 : i32
        %mul3A_697 = arith.muli %and3A_695, %mul3A_696 : i32
        %jit3A_698 = arith.constant 50 : i32
        %div3A_699 = arith.divsi %add3A_691, %jit3A_698 : i32
        %sign3A_700 = arith.constant 0 : i32
        %sign3A_701 = arith.cmpi sgt, %add3A_691, %sign3A_700 : i32
        %sign3A_702 = arith.extui %sign3A_701 : i1 to i32
        %sign3A_703 = arith.constant 0 : i32
        %sign3A_704 = arith.cmpi slt, %add3A_691, %sign3A_703 : i32
        %sign3A_705 = arith.extui %sign3A_704 : i1 to i32
        %sign3A_706 = arith.subi %sign3A_702, %sign3A_705 : i32
        %sign3A_707 = arith.constant 0 : i32
        %sign3A_708 = arith.cmpi sgt, %jit3A_698, %sign3A_707 : i32
        %sign3A_709 = arith.extui %sign3A_708 : i1 to i32
        %sign3A_710 = arith.constant 0 : i32
        %sign3A_711 = arith.cmpi slt, %jit3A_698, %sign3A_710 : i32
        %sign3A_712 = arith.extui %sign3A_711 : i1 to i32
        %sign3A_713 = arith.subi %sign3A_709, %sign3A_712 : i32
        %ne3A_714 = arith.cmpi ne, %sign3A_706, %sign3A_713 : i32
        %rem3A_715 = arith.remsi %add3A_691, %jit3A_698 : i32
        %ne3A_716 = arith.constant 0 : i32
        %ne3A_717 = arith.cmpi ne, %rem3A_715, %ne3A_716 : i32
        %and3A_718 = arith.andi %ne3A_714, %ne3A_717 : i1
        %sub3A_719 = arith.constant 1 : i32
        %sub3A_720 = arith.subi %div3A_699, %sub3A_719 : i32
        %select_n3A_721 = arith.select %and3A_718, %sub3A_720, %div3A_699 : i32
        %mul3A_722 = arith.constant 50 : i32
        %mul3A_723 = arith.muli %select_n3A_721, %mul3A_722 : i32
        %sub3A_724 = arith.subi %add3A_691, %mul3A_723 : i32
        %mul3A_725 = arith.constant 32 : i32
        %mul3A_726 = arith.muli %sub3A_724, %mul3A_725 : i32
        %get3A_727 = arith.index_cast %add3A_691 : i32 to index
        %get3A_728 = arith.index_cast %mul3A_697 : i32 to index
        %get3A_729 = tpu.vector_load %arg10[%get3A_727, %get3A_728] {strides = array<i32>} : memref<400x128xf32, #tpu.memory_space<vmem>>, vector<1x16xf32>,
        %get3A_730 = vector.shape_cast %get3A_729 : vector<1x16xf32> to vector<16xf32>
        %swap3A_731 = arith.index_cast %select_n3A_721 : i32 to index
        %swap3A_732 = arith.index_cast %mul3A_726 : i32 to index
        %swap3A_733 = tpu.vector_load %arg12[%swap3A_731, %swap3A_732] {strides = array<i32>} : memref<8x1600xf32, #tpu.memory_space<vmem>>, vector<1x16xf32>,
        %swap3A_734 = vector.shape_cast %swap3A_733 : vector<1x16xf32> to vector<16xf32>
        %swap3A_735 = vector.shape_cast %get3A_730 : vector<16xf32> to vector<1x16xf32>
        tpu.vector_store %arg12[%swap3A_731, %swap3A_732], %swap3A_735 {strides = array<i32>} : memref<8x1600xf32, #tpu.memory_space<vmem>>, vector<1x16xf32>,
        %add3A_736 = arith.constant 16 : i32
        %add3A_737 = arith.addi %mul3A_697, %add3A_736 : i32
        %get3A_738 = arith.index_cast %add3A_691 : i32 to index
        %get3A_739 = arith.index_cast %add3A_737 : i32 to index
        %get3A_740 = tpu.vector_load %arg10[%get3A_738, %get3A_739] {strides = array<i32>} : memref<400x128xf32, #tpu.memory_space<vmem>>, vector<1x16xf32>,
        %get3A_741 = vector.shape_cast %get3A_740 : vector<1x16xf32> to vector<16xf32>
        %add3A_742 = arith.constant 16 : i32
        %add3A_743 = arith.addi %mul3A_726, %add3A_742 : i32
        %swap3A_744 = arith.index_cast %select_n3A_721 : i32 to index
        %swap3A_745 = arith.index_cast %add3A_743 : i32 to index
        %swap3A_746 = tpu.vector_load %arg12[%swap3A_744, %swap3A_745] {strides = array<i32>} : memref<8x1600xf32, #tpu.memory_space<vmem>>, vector<1x16xf32>,
        %swap3A_747 = vector.shape_cast %swap3A_746 : vector<1x16xf32> to vector<16xf32>
        %swap3A_748 = vector.shape_cast %get3A_741 : vector<16xf32> to vector<1x16xf32>
        tpu.vector_store %arg12[%swap3A_744, %swap3A_745], %swap3A_748 {strides = array<i32>} : memref<8x1600xf32, #tpu.memory_space<vmem>>, vector<1x16xf32>,
        %add3A_749 = arith.constant 10 : i32
        %add3A_750 = arith.addi %add3A_162, %add3A_749 : i32
        %slice3A_751 = vector.extract_strided_slice %get3A_164 {offsets = [10], sizes = [1], strides = [1]} : vector<16xi32> to vector<1xi32>
        %squeeze3A_752 = vector.extract %slice3A_751[0] : i32 from vector<1xi32>
        %and3A_753 = arith.constant 3 : i32
        %and3A_754 = arith.andi %squeeze3A_752, %and3A_753 : i32
        %mul3A_755 = arith.constant 32 : i32
        %mul3A_756 = arith.muli %and3A_754, %mul3A_755 : i32
        %jit3A_757 = arith.constant 50 : i32
        %div3A_758 = arith.divsi %add3A_750, %jit3A_757 : i32
        %sign3A_759 = arith.constant 0 : i32
        %sign3A_760 = arith.cmpi sgt, %add3A_750, %sign3A_759 : i32
        %sign3A_761 = arith.extui %sign3A_760 : i1 to i32
        %sign3A_762 = arith.constant 0 : i32
        %sign3A_763 = arith.cmpi slt, %add3A_750, %sign3A_762 : i32
        %sign3A_764 = arith.extui %sign3A_763 : i1 to i32
        %sign3A_765 = arith.subi %sign3A_761, %sign3A_764 : i32
        %sign3A_766 = arith.constant 0 : i32
        %sign3A_767 = arith.cmpi sgt, %jit3A_757, %sign3A_766 : i32
        %sign3A_768 = arith.extui %sign3A_767 : i1 to i32
        %sign3A_769 = arith.constant 0 : i32
        %sign3A_770 = arith.cmpi slt, %jit3A_757, %sign3A_769 : i32
        %sign3A_771 = arith.extui %sign3A_770 : i1 to i32
        %sign3A_772 = arith.subi %sign3A_768, %sign3A_771 : i32
        %ne3A_773 = arith.cmpi ne, %sign3A_765, %sign3A_772 : i32
        %rem3A_774 = arith.remsi %add3A_750, %jit3A_757 : i32
        %ne3A_775 = arith.constant 0 : i32
        %ne3A_776 = arith.cmpi ne, %rem3A_774, %ne3A_775 : i32
        %and3A_777 = arith.andi %ne3A_773, %ne3A_776 : i1
        %sub3A_778 = arith.constant 1 : i32
        %sub3A_779 = arith.subi %div3A_758, %sub3A_778 : i32
        %select_n3A_780 = arith.select %and3A_777, %sub3A_779, %div3A_758 : i32
        %mul3A_781 = arith.constant 50 : i32
        %mul3A_782 = arith.muli %select_n3A_780, %mul3A_781 : i32
        %sub3A_783 = arith.subi %add3A_750, %mul3A_782 : i32
        %mul3A_784 = arith.constant 32 : i32
        %mul3A_785 = arith.muli %sub3A_783, %mul3A_784 : i32
        %get3A_786 = arith.index_cast %add3A_750 : i32 to index
        %get3A_787 = arith.index_cast %mul3A_756 : i32 to index
        %get3A_788 = tpu.vector_load %arg10[%get3A_786, %get3A_787] {strides = array<i32>} : memref<400x128xf32, #tpu.memory_space<vmem>>, vector<1x16xf32>,
        %get3A_789 = vector.shape_cast %get3A_788 : vector<1x16xf32> to vector<16xf32>
        %swap3A_790 = arith.index_cast %select_n3A_780 : i32 to index
        %swap3A_791 = arith.index_cast %mul3A_785 : i32 to index
        %swap3A_792 = tpu.vector_load %arg12[%swap3A_790, %swap3A_791] {strides = array<i32>} : memref<8x1600xf32, #tpu.memory_space<vmem>>, vector<1x16xf32>,
        %swap3A_793 = vector.shape_cast %swap3A_792 : vector<1x16xf32> to vector<16xf32>
        %swap3A_794 = vector.shape_cast %get3A_789 : vector<16xf32> to vector<1x16xf32>
        tpu.vector_store %arg12[%swap3A_790, %swap3A_791], %swap3A_794 {strides = array<i32>} : memref<8x1600xf32, #tpu.memory_space<vmem>>, vector<1x16xf32>,
        %add3A_795 = arith.constant 16 : i32
        %add3A_796 = arith.addi %mul3A_756, %add3A_795 : i32
        %get3A_797 = arith.index_cast %add3A_750 : i32 to index
        %get3A_798 = arith.index_cast %add3A_796 : i32 to index
        %get3A_799 = tpu.vector_load %arg10[%get3A_797, %get3A_798] {strides = array<i32>} : memref<400x128xf32, #tpu.memory_space<vmem>>, vector<1x16xf32>,
        %get3A_800 = vector.shape_cast %get3A_799 : vector<1x16xf32> to vector<16xf32>
        %add3A_801 = arith.constant 16 : i32
        %add3A_802 = arith.addi %mul3A_785, %add3A_801 : i32
        %swap3A_803 = arith.index_cast %select_n3A_780 : i32 to index
        %swap3A_804 = arith.index_cast %add3A_802 : i32 to index
        %swap3A_805 = tpu.vector_load %arg12[%swap3A_803, %swap3A_804] {strides = array<i32>} : memref<8x1600xf32, #tpu.memory_space<vmem>>, vector<1x16xf32>,
        %swap3A_806 = vector.shape_cast %swap3A_805 : vector<1x16xf32> to vector<16xf32>
        %swap3A_807 = vector.shape_cast %get3A_800 : vector<16xf32> to vector<1x16xf32>
        tpu.vector_store %arg12[%swap3A_803, %swap3A_804], %swap3A_807 {strides = array<i32>} : memref<8x1600xf32, #tpu.memory_space<vmem>>, vector<1x16xf32>,
        %add3A_808 = arith.constant 11 : i32
        %add3A_809 = arith.addi %add3A_162, %add3A_808 : i32
        %slice3A_810 = vector.extract_strided_slice %get3A_164 {offsets = [11], sizes = [1], strides = [1]} : vector<16xi32> to vector<1xi32>
        %squeeze3A_811 = vector.extract %slice3A_810[0] : i32 from vector<1xi32>
        %and3A_812 = arith.constant 3 : i32
        %and3A_813 = arith.andi %squeeze3A_811, %and3A_812 : i32
        %mul3A_814 = arith.constant 32 : i32
        %mul3A_815 = arith.muli %and3A_813, %mul3A_814 : i32
        %jit3A_816 = arith.constant 50 : i32
        %div3A_817 = arith.divsi %add3A_809, %jit3A_816 : i32
        %sign3A_818 = arith.constant 0 : i32
        %sign3A_819 = arith.cmpi sgt, %add3A_809, %sign3A_818 : i32
        %sign3A_820 = arith.extui %sign3A_819 : i1 to i32
        %sign3A_821 = arith.constant 0 : i32
        %sign3A_822 = arith.cmpi slt, %add3A_809, %sign3A_821 : i32
        %sign3A_823 = arith.extui %sign3A_822 : i1 to i32
        %sign3A_824 = arith.subi %sign3A_820, %sign3A_823 : i32
        %sign3A_825 = arith.constant 0 : i32
        %sign3A_826 = arith.cmpi sgt, %jit3A_816, %sign3A_825 : i32
        %sign3A_827 = arith.extui %sign3A_826 : i1 to i32
        %sign3A_828 = arith.constant 0 : i32
        %sign3A_829 = arith.cmpi slt, %jit3A_816, %sign3A_828 : i32
        %sign3A_830 = arith.extui %sign3A_829 : i1 to i32
        %sign3A_831 = arith.subi %sign3A_827, %sign3A_830 : i32
        %ne3A_832 = arith.cmpi ne, %sign3A_824, %sign3A_831 : i32
        %rem3A_833 = arith.remsi %add3A_809, %jit3A_816 : i32
        %ne3A_834 = arith.constant 0 : i32
        %ne3A_835 = arith.cmpi ne, %rem3A_833, %ne3A_834 : i32
        %and3A_836 = arith.andi %ne3A_832, %ne3A_835 : i1
        %sub3A_837 = arith.constant 1 : i32
        %sub3A_838 = arith.subi %div3A_817, %sub3A_837 : i32
        %select_n3A_839 = arith.select %and3A_836, %sub3A_838, %div3A_817 : i32
        %mul3A_840 = arith.constant 50 : i32
        %mul3A_841 = arith.muli %select_n3A_839, %mul3A_840 : i32
        %sub3A_842 = arith.subi %add3A_809, %mul3A_841 : i32
        %mul3A_843 = arith.constant 32 : i32
        %mul3A_844 = arith.muli %sub3A_842, %mul3A_843 : i32
        %get3A_845 = arith.index_cast %add3A_809 : i32 to index
        %get3A_846 = arith.index_cast %mul3A_815 : i32 to index
        %get3A_847 = tpu.vector_load %arg10[%get3A_845, %get3A_846] {strides = array<i32>} : memref<400x128xf32, #tpu.memory_space<vmem>>, vector<1x16xf32>,
        %get3A_848 = vector.shape_cast %get3A_847 : vector<1x16xf32> to vector<16xf32>
        %swap3A_849 = arith.index_cast %select_n3A_839 : i32 to index
        %swap3A_850 = arith.index_cast %mul3A_844 : i32 to index
        %swap3A_851 = tpu.vector_load %arg12[%swap3A_849, %swap3A_850] {strides = array<i32>} : memref<8x1600xf32, #tpu.memory_space<vmem>>, vector<1x16xf32>,
        %swap3A_852 = vector.shape_cast %swap3A_851 : vector<1x16xf32> to vector<16xf32>
        %swap3A_853 = vector.shape_cast %get3A_848 : vector<16xf32> to vector<1x16xf32>
        tpu.vector_store %arg12[%swap3A_849, %swap3A_850], %swap3A_853 {strides = array<i32>} : memref<8x1600xf32, #tpu.memory_space<vmem>>, vector<1x16xf32>,
        %add3A_854 = arith.constant 16 : i32
        %add3A_855 = arith.addi %mul3A_815, %add3A_854 : i32
        %get3A_856 = arith.index_cast %add3A_809 : i32 to index
        %get3A_857 = arith.index_cast %add3A_855 : i32 to index
        %get3A_858 = tpu.vector_load %arg10[%get3A_856, %get3A_857] {strides = array<i32>} : memref<400x128xf32, #tpu.memory_space<vmem>>, vector<1x16xf32>,
        %get3A_859 = vector.shape_cast %get3A_858 : vector<1x16xf32> to vector<16xf32>
        %add3A_860 = arith.constant 16 : i32
        %add3A_861 = arith.addi %mul3A_844, %add3A_860 : i32
        %swap3A_862 = arith.index_cast %select_n3A_839 : i32 to index
        %swap3A_863 = arith.index_cast %add3A_861 : i32 to index
        %swap3A_864 = tpu.vector_load %arg12[%swap3A_862, %swap3A_863] {strides = array<i32>} : memref<8x1600xf32, #tpu.memory_space<vmem>>, vector<1x16xf32>,
        %swap3A_865 = vector.shape_cast %swap3A_864 : vector<1x16xf32> to vector<16xf32>
        %swap3A_866 = vector.shape_cast %get3A_859 : vector<16xf32> to vector<1x16xf32>
        tpu.vector_store %arg12[%swap3A_862, %swap3A_863], %swap3A_866 {strides = array<i32>} : memref<8x1600xf32, #tpu.memory_space<vmem>>, vector<1x16xf32>,
        %add3A_867 = arith.constant 12 : i32
        %add3A_868 = arith.addi %add3A_162, %add3A_867 : i32
        %slice3A_869 = vector.extract_strided_slice %get3A_164 {offsets = [12], sizes = [1], strides = [1]} : vector<16xi32> to vector<1xi32>
        %squeeze3A_870 = vector.extract %slice3A_869[0] : i32 from vector<1xi32>
        %and3A_871 = arith.constant 3 : i32
        %and3A_872 = arith.andi %squeeze3A_870, %and3A_871 : i32
        %mul3A_873 = arith.constant 32 : i32
        %mul3A_874 = arith.muli %and3A_872, %mul3A_873 : i32
        %jit3A_875 = arith.constant 50 : i32
        %div3A_876 = arith.divsi %add3A_868, %jit3A_875 : i32
        %sign3A_877 = arith.constant 0 : i32
        %sign3A_878 = arith.cmpi sgt, %add3A_868, %sign3A_877 : i32
        %sign3A_879 = arith.extui %sign3A_878 : i1 to i32
        %sign3A_880 = arith.constant 0 : i32
        %sign3A_881 = arith.cmpi slt, %add3A_868, %sign3A_880 : i32
        %sign3A_882 = arith.extui %sign3A_881 : i1 to i32
        %sign3A_883 = arith.subi %sign3A_879, %sign3A_882 : i32
        %sign3A_884 = arith.constant 0 : i32
        %sign3A_885 = arith.cmpi sgt, %jit3A_875, %sign3A_884 : i32
        %sign3A_886 = arith.extui %sign3A_885 : i1 to i32
        %sign3A_887 = arith.constant 0 : i32
        %sign3A_888 = arith.cmpi slt, %jit3A_875, %sign3A_887 : i32
        %sign3A_889 = arith.extui %sign3A_888 : i1 to i32
        %sign3A_890 = arith.subi %sign3A_886, %sign3A_889 : i32
        %ne3A_891 = arith.cmpi ne, %sign3A_883, %sign3A_890 : i32
        %rem3A_892 = arith.remsi %add3A_868, %jit3A_875 : i32
        %ne3A_893 = arith.constant 0 : i32
        %ne3A_894 = arith.cmpi ne, %rem3A_892, %ne3A_893 : i32
        %and3A_895 = arith.andi %ne3A_891, %ne3A_894 : i1
        %sub3A_896 = arith.constant 1 : i32
        %sub3A_897 = arith.subi %div3A_876, %sub3A_896 : i32
        %select_n3A_898 = arith.select %and3A_895, %sub3A_897, %div3A_876 : i32
        %mul3A_899 = arith.constant 50 : i32
        %mul3A_900 = arith.muli %select_n3A_898, %mul3A_899 : i32
        %sub3A_901 = arith.subi %add3A_868, %mul3A_900 : i32
        %mul3A_902 = arith.constant 32 : i32
        %mul3A_903 = arith.muli %sub3A_901, %mul3A_902 : i32
        %get3A_904 = arith.index_cast %add3A_868 : i32 to index
        %get3A_905 = arith.index_cast %mul3A_874 : i32 to index
        %get3A_906 = tpu.vector_load %arg10[%get3A_904, %get3A_905] {strides = array<i32>} : memref<400x128xf32, #tpu.memory_space<vmem>>, vector<1x16xf32>,
        %get3A_907 = vector.shape_cast %get3A_906 : vector<1x16xf32> to vector<16xf32>
        %swap3A_908 = arith.index_cast %select_n3A_898 : i32 to index
        %swap3A_909 = arith.index_cast %mul3A_903 : i32 to index
        %swap3A_910 = tpu.vector_load %arg12[%swap3A_908, %swap3A_909] {strides = array<i32>} : memref<8x1600xf32, #tpu.memory_space<vmem>>, vector<1x16xf32>,
        %swap3A_911 = vector.shape_cast %swap3A_910 : vector<1x16xf32> to vector<16xf32>
        %swap3A_912 = vector.shape_cast %get3A_907 : vector<16xf32> to vector<1x16xf32>
        tpu.vector_store %arg12[%swap3A_908, %swap3A_909], %swap3A_912 {strides = array<i32>} : memref<8x1600xf32, #tpu.memory_space<vmem>>, vector<1x16xf32>,
        %add3A_913 = arith.constant 16 : i32
        %add3A_914 = arith.addi %mul3A_874, %add3A_913 : i32
        %get3A_915 = arith.index_cast %add3A_868 : i32 to index
        %get3A_916 = arith.index_cast %add3A_914 : i32 to index
        %get3A_917 = tpu.vector_load %arg10[%get3A_915, %get3A_916] {strides = array<i32>} : memref<400x128xf32, #tpu.memory_space<vmem>>, vector<1x16xf32>,
        %get3A_918 = vector.shape_cast %get3A_917 : vector<1x16xf32> to vector<16xf32>
        %add3A_919 = arith.constant 16 : i32
        %add3A_920 = arith.addi %mul3A_903, %add3A_919 : i32
        %swap3A_921 = arith.index_cast %select_n3A_898 : i32 to index
        %swap3A_922 = arith.index_cast %add3A_920 : i32 to index
        %swap3A_923 = tpu.vector_load %arg12[%swap3A_921, %swap3A_922] {strides = array<i32>} : memref<8x1600xf32, #tpu.memory_space<vmem>>, vector<1x16xf32>,
        %swap3A_924 = vector.shape_cast %swap3A_923 : vector<1x16xf32> to vector<16xf32>
        %swap3A_925 = vector.shape_cast %get3A_918 : vector<16xf32> to vector<1x16xf32>
        tpu.vector_store %arg12[%swap3A_921, %swap3A_922], %swap3A_925 {strides = array<i32>} : memref<8x1600xf32, #tpu.memory_space<vmem>>, vector<1x16xf32>,
        %add3A_926 = arith.constant 13 : i32
        %add3A_927 = arith.addi %add3A_162, %add3A_926 : i32
        %slice3A_928 = vector.extract_strided_slice %get3A_164 {offsets = [13], sizes = [1], strides = [1]} : vector<16xi32> to vector<1xi32>
        %squeeze3A_929 = vector.extract %slice3A_928[0] : i32 from vector<1xi32>
        %and3A_930 = arith.constant 3 : i32
        %and3A_931 = arith.andi %squeeze3A_929, %and3A_930 : i32
        %mul3A_932 = arith.constant 32 : i32
        %mul3A_933 = arith.muli %and3A_931, %mul3A_932 : i32
        %jit3A_934 = arith.constant 50 : i32
        %div3A_935 = arith.divsi %add3A_927, %jit3A_934 : i32
        %sign3A_936 = arith.constant 0 : i32
        %sign3A_937 = arith.cmpi sgt, %add3A_927, %sign3A_936 : i32
        %sign3A_938 = arith.extui %sign3A_937 : i1 to i32
        %sign3A_939 = arith.constant 0 : i32
        %sign3A_940 = arith.cmpi slt, %add3A_927, %sign3A_939 : i32
        %sign3A_941 = arith.extui %sign3A_940 : i1 to i32
        %sign3A_942 = arith.subi %sign3A_938, %sign3A_941 : i32
        %sign3A_943 = arith.constant 0 : i32
        %sign3A_944 = arith.cmpi sgt, %jit3A_934, %sign3A_943 : i32
        %sign3A_945 = arith.extui %sign3A_944 : i1 to i32
        %sign3A_946 = arith.constant 0 : i32
        %sign3A_947 = arith.cmpi slt, %jit3A_934, %sign3A_946 : i32
        %sign3A_948 = arith.extui %sign3A_947 : i1 to i32
        %sign3A_949 = arith.subi %sign3A_945, %sign3A_948 : i32
        %ne3A_950 = arith.cmpi ne, %sign3A_942, %sign3A_949 : i32
        %rem3A_951 = arith.remsi %add3A_927, %jit3A_934 : i32
        %ne3A_952 = arith.constant 0 : i32
        %ne3A_953 = arith.cmpi ne, %rem3A_951, %ne3A_952 : i32
        %and3A_954 = arith.andi %ne3A_950, %ne3A_953 : i1
        %sub3A_955 = arith.constant 1 : i32
        %sub3A_956 = arith.subi %div3A_935, %sub3A_955 : i32
        %select_n3A_957 = arith.select %and3A_954, %sub3A_956, %div3A_935 : i32
        %mul3A_958 = arith.constant 50 : i32
        %mul3A_959 = arith.muli %select_n3A_957, %mul3A_958 : i32
        %sub3A_960 = arith.subi %add3A_927, %mul3A_959 : i32
        %mul3A_961 = arith.constant 32 : i32
        %mul3A_962 = arith.muli %sub3A_960, %mul3A_961 : i32
        %get3A_963 = arith.index_cast %add3A_927 : i32 to index
        %get3A_964 = arith.index_cast %mul3A_933 : i32 to index
        %get3A_965 = tpu.vector_load %arg10[%get3A_963, %get3A_964] {strides = array<i32>} : memref<400x128xf32, #tpu.memory_space<vmem>>, vector<1x16xf32>,
        %get3A_966 = vector.shape_cast %get3A_965 : vector<1x16xf32> to vector<16xf32>
        %swap3A_967 = arith.index_cast %select_n3A_957 : i32 to index
        %swap3A_968 = arith.index_cast %mul3A_962 : i32 to index
        %swap3A_969 = tpu.vector_load %arg12[%swap3A_967, %swap3A_968] {strides = array<i32>} : memref<8x1600xf32, #tpu.memory_space<vmem>>, vector<1x16xf32>,
        %swap3A_970 = vector.shape_cast %swap3A_969 : vector<1x16xf32> to vector<16xf32>
        %swap3A_971 = vector.shape_cast %get3A_966 : vector<16xf32> to vector<1x16xf32>
        tpu.vector_store %arg12[%swap3A_967, %swap3A_968], %swap3A_971 {strides = array<i32>} : memref<8x1600xf32, #tpu.memory_space<vmem>>, vector<1x16xf32>,
        %add3A_972 = arith.constant 16 : i32
        %add3A_973 = arith.addi %mul3A_933, %add3A_972 : i32
        %get3A_974 = arith.index_cast %add3A_927 : i32 to index
        %get3A_975 = arith.index_cast %add3A_973 : i32 to index
        %get3A_976 = tpu.vector_load %arg10[%get3A_974, %get3A_975] {strides = array<i32>} : memref<400x128xf32, #tpu.memory_space<vmem>>, vector<1x16xf32>,
        %get3A_977 = vector.shape_cast %get3A_976 : vector<1x16xf32> to vector<16xf32>
        %add3A_978 = arith.constant 16 : i32
        %add3A_979 = arith.addi %mul3A_962, %add3A_978 : i32
        %swap3A_980 = arith.index_cast %select_n3A_957 : i32 to index
        %swap3A_981 = arith.index_cast %add3A_979 : i32 to index
        %swap3A_982 = tpu.vector_load %arg12[%swap3A_980, %swap3A_981] {strides = array<i32>} : memref<8x1600xf32, #tpu.memory_space<vmem>>, vector<1x16xf32>,
        %swap3A_983 = vector.shape_cast %swap3A_982 : vector<1x16xf32> to vector<16xf32>
        %swap3A_984 = vector.shape_cast %get3A_977 : vector<16xf32> to vector<1x16xf32>
        tpu.vector_store %arg12[%swap3A_980, %swap3A_981], %swap3A_984 {strides = array<i32>} : memref<8x1600xf32, #tpu.memory_space<vmem>>, vector<1x16xf32>,
        %add3A_985 = arith.constant 14 : i32
        %add3A_986 = arith.addi %add3A_162, %add3A_985 : i32
        %slice3A_987 = vector.extract_strided_slice %get3A_164 {offsets = [14], sizes = [1], strides = [1]} : vector<16xi32> to vector<1xi32>
        %squeeze3A_988 = vector.extract %slice3A_987[0] : i32 from vector<1xi32>
        %and3A_989 = arith.constant 3 : i32
        %and3A_990 = arith.andi %squeeze3A_988, %and3A_989 : i32
        %mul3A_991 = arith.constant 32 : i32
        %mul3A_992 = arith.muli %and3A_990, %mul3A_991 : i32
        %jit3A_993 = arith.constant 50 : i32
        %div3A_994 = arith.divsi %add3A_986, %jit3A_993 : i32
        %sign3A_995 = arith.constant 0 : i32
        %sign3A_996 = arith.cmpi sgt, %add3A_986, %sign3A_995 : i32
        %sign3A_997 = arith.extui %sign3A_996 : i1 to i32
        %sign3A_998 = arith.constant 0 : i32
        %sign3A_999 = arith.cmpi slt, %add3A_986, %sign3A_998 : i32
        %sign3A_1000 = arith.extui %sign3A_999 : i1 to i32
        %sign3A_1001 = arith.subi %sign3A_997, %sign3A_1000 : i32
        %sign3A_1002 = arith.constant 0 : i32
        %sign3A_1003 = arith.cmpi sgt, %jit3A_993, %sign3A_1002 : i32
        %sign3A_1004 = arith.extui %sign3A_1003 : i1 to i32
        %sign3A_1005 = arith.constant 0 : i32
        %sign3A_1006 = arith.cmpi slt, %jit3A_993, %sign3A_1005 : i32
        %sign3A_1007 = arith.extui %sign3A_1006 : i1 to i32
        %sign3A_1008 = arith.subi %sign3A_1004, %sign3A_1007 : i32
        %ne3A_1009 = arith.cmpi ne, %sign3A_1001, %sign3A_1008 : i32
        %rem3A_1010 = arith.remsi %add3A_986, %jit3A_993 : i32
        %ne3A_1011 = arith.constant 0 : i32
        %ne3A_1012 = arith.cmpi ne, %rem3A_1010, %ne3A_1011 : i32
        %and3A_1013 = arith.andi %ne3A_1009, %ne3A_1012 : i1
        %sub3A_1014 = arith.constant 1 : i32
        %sub3A_1015 = arith.subi %div3A_994, %sub3A_1014 : i32
        %select_n3A_1016 = arith.select %and3A_1013, %sub3A_1015, %div3A_994 : i32
        %mul3A_1017 = arith.constant 50 : i32
        %mul3A_1018 = arith.muli %select_n3A_1016, %mul3A_1017 : i32
        %sub3A_1019 = arith.subi %add3A_986, %mul3A_1018 : i32
        %mul3A_1020 = arith.constant 32 : i32
        %mul3A_1021 = arith.muli %sub3A_1019, %mul3A_1020 : i32
        %get3A_1022 = arith.index_cast %add3A_986 : i32 to index
        %get3A_1023 = arith.index_cast %mul3A_992 : i32 to index
        %get3A_1024 = tpu.vector_load %arg10[%get3A_1022, %get3A_1023] {strides = array<i32>} : memref<400x128xf32, #tpu.memory_space<vmem>>, vector<1x16xf32>,
        %get3A_1025 = vector.shape_cast %get3A_1024 : vector<1x16xf32> to vector<16xf32>
        %swap3A_1026 = arith.index_cast %select_n3A_1016 : i32 to index
        %swap3A_1027 = arith.index_cast %mul3A_1021 : i32 to index
        %swap3A_1028 = tpu.vector_load %arg12[%swap3A_1026, %swap3A_1027] {strides = array<i32>} : memref<8x1600xf32, #tpu.memory_space<vmem>>, vector<1x16xf32>,
        %swap3A_1029 = vector.shape_cast %swap3A_1028 : vector<1x16xf32> to vector<16xf32>
        %swap3A_1030 = vector.shape_cast %get3A_1025 : vector<16xf32> to vector<1x16xf32>
        tpu.vector_store %arg12[%swap3A_1026, %swap3A_1027], %swap3A_1030 {strides = array<i32>} : memref<8x1600xf32, #tpu.memory_space<vmem>>, vector<1x16xf32>,
        %add3A_1031 = arith.constant 16 : i32
        %add3A_1032 = arith.addi %mul3A_992, %add3A_1031 : i32
        %get3A_1033 = arith.index_cast %add3A_986 : i32 to index
        %get3A_1034 = arith.index_cast %add3A_1032 : i32 to index
        %get3A_1035 = tpu.vector_load %arg10[%get3A_1033, %get3A_1034] {strides = array<i32>} : memref<400x128xf32, #tpu.memory_space<vmem>>, vector<1x16xf32>,
        %get3A_1036 = vector.shape_cast %get3A_1035 : vector<1x16xf32> to vector<16xf32>
        %add3A_1037 = arith.constant 16 : i32
        %add3A_1038 = arith.addi %mul3A_1021, %add3A_1037 : i32
        %swap3A_1039 = arith.index_cast %select_n3A_1016 : i32 to index
        %swap3A_1040 = arith.index_cast %add3A_1038 : i32 to index
        %swap3A_1041 = tpu.vector_load %arg12[%swap3A_1039, %swap3A_1040] {strides = array<i32>} : memref<8x1600xf32, #tpu.memory_space<vmem>>, vector<1x16xf32>,
        %swap3A_1042 = vector.shape_cast %swap3A_1041 : vector<1x16xf32> to vector<16xf32>
        %swap3A_1043 = vector.shape_cast %get3A_1036 : vector<16xf32> to vector<1x16xf32>
        tpu.vector_store %arg12[%swap3A_1039, %swap3A_1040], %swap3A_1043 {strides = array<i32>} : memref<8x1600xf32, #tpu.memory_space<vmem>>, vector<1x16xf32>,
        %add3A_1044 = arith.constant 15 : i32
        %add3A_1045 = arith.addi %add3A_162, %add3A_1044 : i32
        %slice3A_1046 = vector.extract_strided_slice %get3A_164 {offsets = [15], sizes = [1], strides = [1]} : vector<16xi32> to vector<1xi32>
        %squeeze3A_1047 = vector.extract %slice3A_1046[0] : i32 from vector<1xi32>
        %and3A_1048 = arith.constant 3 : i32
        %and3A_1049 = arith.andi %squeeze3A_1047, %and3A_1048 : i32
        %mul3A_1050 = arith.constant 32 : i32
        %mul3A_1051 = arith.muli %and3A_1049, %mul3A_1050 : i32
        %jit3A_1052 = arith.constant 50 : i32
        %div3A_1053 = arith.divsi %add3A_1045, %jit3A_1052 : i32
        %sign3A_1054 = arith.constant 0 : i32
        %sign3A_1055 = arith.cmpi sgt, %add3A_1045, %sign3A_1054 : i32
        %sign3A_1056 = arith.extui %sign3A_1055 : i1 to i32
        %sign3A_1057 = arith.constant 0 : i32
        %sign3A_1058 = arith.cmpi slt, %add3A_1045, %sign3A_1057 : i32
        %sign3A_1059 = arith.extui %sign3A_1058 : i1 to i32
        %sign3A_1060 = arith.subi %sign3A_1056, %sign3A_1059 : i32
        %sign3A_1061 = arith.constant 0 : i32
        %sign3A_1062 = arith.cmpi sgt, %jit3A_1052, %sign3A_1061 : i32
        %sign3A_1063 = arith.extui %sign3A_1062 : i1 to i32
        %sign3A_1064 = arith.constant 0 : i32
        %sign3A_1065 = arith.cmpi slt, %jit3A_1052, %sign3A_1064 : i32
        %sign3A_1066 = arith.extui %sign3A_1065 : i1 to i32
        %sign3A_1067 = arith.subi %sign3A_1063, %sign3A_1066 : i32
        %ne3A_1068 = arith.cmpi ne, %sign3A_1060, %sign3A_1067 : i32
        %rem3A_1069 = arith.remsi %add3A_1045, %jit3A_1052 : i32
        %ne3A_1070 = arith.constant 0 : i32
        %ne3A_1071 = arith.cmpi ne, %rem3A_1069, %ne3A_1070 : i32
        %and3A_1072 = arith.andi %ne3A_1068, %ne3A_1071 : i1
        %sub3A_1073 = arith.constant 1 : i32
        %sub3A_1074 = arith.subi %div3A_1053, %sub3A_1073 : i32
        %select_n3A_1075 = arith.select %and3A_1072, %sub3A_1074, %div3A_1053 : i32
        %mul3A_1076 = arith.constant 50 : i32
        %mul3A_1077 = arith.muli %select_n3A_1075, %mul3A_1076 : i32
        %sub3A_1078 = arith.subi %add3A_1045, %mul3A_1077 : i32
        %mul3A_1079 = arith.constant 32 : i32
        %mul3A_1080 = arith.muli %sub3A_1078, %mul3A_1079 : i32
        %get3A_1081 = arith.index_cast %add3A_1045 : i32 to index
        %get3A_1082 = arith.index_cast %mul3A_1051 : i32 to index
        %get3A_1083 = tpu.vector_load %arg10[%get3A_1081, %get3A_1082] {strides = array<i32>} : memref<400x128xf32, #tpu.memory_space<vmem>>, vector<1x16xf32>,
        %get3A_1084 = vector.shape_cast %get3A_1083 : vector<1x16xf32> to vector<16xf32>
        %swap3A_1085 = arith.index_cast %select_n3A_1075 : i32 to index
        %swap3A_1086 = arith.index_cast %mul3A_1080 : i32 to index
        %swap3A_1087 = tpu.vector_load %arg12[%swap3A_1085, %swap3A_1086] {strides = array<i32>} : memref<8x1600xf32, #tpu.memory_space<vmem>>, vector<1x16xf32>,
        %swap3A_1088 = vector.shape_cast %swap3A_1087 : vector<1x16xf32> to vector<16xf32>
        %swap3A_1089 = vector.shape_cast %get3A_1084 : vector<16xf32> to vector<1x16xf32>
        tpu.vector_store %arg12[%swap3A_1085, %swap3A_1086], %swap3A_1089 {strides = array<i32>} : memref<8x1600xf32, #tpu.memory_space<vmem>>, vector<1x16xf32>,
        %add3A_1090 = arith.constant 16 : i32
        %add3A_1091 = arith.addi %mul3A_1051, %add3A_1090 : i32
        %get3A_1092 = arith.index_cast %add3A_1045 : i32 to index
        %get3A_1093 = arith.index_cast %add3A_1091 : i32 to index
        %get3A_1094 = tpu.vector_load %arg10[%get3A_1092, %get3A_1093] {strides = array<i32>} : memref<400x128xf32, #tpu.memory_space<vmem>>, vector<1x16xf32>,
        %get3A_1095 = vector.shape_cast %get3A_1094 : vector<1x16xf32> to vector<16xf32>
        %add3A_1096 = arith.constant 16 : i32
        %add3A_1097 = arith.addi %mul3A_1080, %add3A_1096 : i32
        %swap3A_1098 = arith.index_cast %select_n3A_1075 : i32 to index
        %swap3A_1099 = arith.index_cast %add3A_1097 : i32 to index
        %swap3A_1100 = tpu.vector_load %arg12[%swap3A_1098, %swap3A_1099] {strides = array<i32>} : memref<8x1600xf32, #tpu.memory_space<vmem>>, vector<1x16xf32>,
        %swap3A_1101 = vector.shape_cast %swap3A_1100 : vector<1x16xf32> to vector<16xf32>
        %swap3A_1102 = vector.shape_cast %get3A_1095 : vector<16xf32> to vector<1x16xf32>
        tpu.vector_store %arg12[%swap3A_1098, %swap3A_1099], %swap3A_1102 {strides = array<i32>} : memref<8x1600xf32, #tpu.memory_space<vmem>>, vector<1x16xf32>,
      }
      %scan3A_123 = arith.constant 25 : i32
      %dma_start3A_124 = arith.constant 0 : i32
      %dma_start3A_125 = tpu.memref_slice %arg4[%multiple_of3A_114, %dma_start3A_124] : memref<16384x1600xf32, #tpu.memory_space<hbm>> -> memref<8x1600xf32, #tpu.memory_space<hbm>>
      %dma_start3A_126 = arith.constant 0 : i32
      %dma_start3A_127 = tpu.memref_slice %arg4[%multiple_of3A_114, %dma_start3A_126] : memref<16384x1600xf32, #tpu.memory_space<hbm>> -> memref<8x1600xf32, #tpu.memory_space<hbm>>
      tpu.enqueue_dma source(%arg12 : memref<8x1600xf32, #tpu.memory_space<vmem>>) target(%dma_start3A_127 : memref<8x1600xf32, #tpu.memory_space<hbm>>) target_semaphore(%arg16 : memref<!tpu.dma_semaphore, #tpu.memory_space<semaphore_mem>>)
      %add3A_128 = arith.constant 3 : i32
      %add3A_129 = arith.addi %add3A_62, %add3A_128 : i32
      %jit3A_130 = arith.constant 64 : i32
      %eq3A_131 = arith.constant 0 : i32
      %eq3A_132 = arith.cmpi eq, %jit3A_130, %eq3A_131 : i32
      %jit3A_133 = arith.constant 1 : i32
      %select_n3A_134 = arith.select %eq3A_132, %jit3A_133, %jit3A_130 : i32
      %rem3A_135 = arith.remsi %add3A_129, %select_n3A_134 : i32
      %ne3A_136 = arith.constant 0 : i32
      %ne3A_137 = arith.cmpi ne, %rem3A_135, %ne3A_136 : i32
      %lt3A_138 = arith.constant 0 : i32
      %lt3A_139 = arith.cmpi slt, %rem3A_135, %lt3A_138 : i32
      %lt3A_140 = arith.constant 0 : i32
      %lt3A_141 = arith.cmpi slt, %select_n3A_134, %lt3A_140 : i32
      %ne3A_142 = arith.xori %lt3A_139, %lt3A_141 : i1
      %and3A_143 = arith.andi %ne3A_142, %ne3A_137 : i1
      %add3A_144 = arith.addi %rem3A_135, %select_n3A_134 : i32
      %select_n3A_145 = arith.select %and3A_143, %add3A_144, %rem3A_135 : i32
      %mul3A_146 = arith.constant 400 : i32
      %mul3A_147 = arith.muli %select_n3A_145, %mul3A_146 : i32
      %add3A_148 = arith.addi %mul3A_2, %mul3A_147 : i32
      %multiple_of3A_149 = tpu.assume_multiple %add3A_148, 8 : i32
      "tpu.region"() ({
        %run_scoped3A = tpu.sem_alloc : memref<!tpu.dma_semaphore, #tpu.memory_space<semaphore_mem>>
        %dma_start3A_158 = tpu.memref_slice %arg3[%multiple_of3A_149] : memref<819200xi32, #tpu.memory_space<hbm>> -> memref<400xi32, #tpu.memory_space<hbm>>
        %dma_start3A_159 = tpu.memref_slice %arg3[%multiple_of3A_149] : memref<819200xi32, #tpu.memory_space<hbm>> -> memref<400xi32, #tpu.memory_space<hbm>>
        tpu.enqueue_dma source(%dma_start3A_159 : memref<400xi32, #tpu.memory_space<hbm>>) target(%arg6 : memref<400xi32, #tpu.memory_space<vmem>>) target_semaphore(%run_scoped3A : memref<!tpu.dma_semaphore, #tpu.memory_space<semaphore_mem>>)
        %dma_wait3A_160 = tpu.memref_slice %arg3[%multiple_of3A_149] : memref<819200xi32, #tpu.memory_space<hbm>> -> memref<400xi32, #tpu.memory_space<hbm>>
        %dma_wait3A_161 = tpu.memref_slice %arg3[%multiple_of3A_149] : memref<819200xi32, #tpu.memory_space<hbm>> -> memref<400xi32, #tpu.memory_space<hbm>>
        tpu.wait_dma2 semaphore(%run_scoped3A : memref<!tpu.dma_semaphore, #tpu.memory_space<semaphore_mem>>) src(%dma_wait3A_161 : memref<400xi32, #tpu.memory_space<hbm>>) dst(%arg6 : memref<400xi32, #tpu.memory_space<vmem>>)
        tpu.yield
      }) : () -> ()
      %scan3A_150 = arith.constant 0 : i32
      %scan3A_151 = arith.constant 25 : i32
      %scan3A_152 = arith.addi %scan3A_150, %scan3A_151 : i32
      %scan3A_153 = arith.constant 1 : i32
      scf.for %scan3A_158 = %scan3A_150 to %scan3A_152 step %scan3A_153  : i32 {
        %mul3A_159 = arith.constant 16 : i32
        %mul3A_160 = arith.muli %scan3A_158, %mul3A_159 : i32
        %add3A_161 = arith.constant 0 : i32
        %add3A_162 = arith.addi %add3A_161, %mul3A_160 : i32
        %get3A = arith.index_cast %add3A_162 : i32 to index
        %get3A_163 = tpu.vector_load %arg6[%get3A] {strides = array<i32>} : memref<400xi32, #tpu.memory_space<vmem>>, vector<16xi32>,
        %get3A_164 = vector.shape_cast %get3A_163 : vector<16xi32> to vector<16xi32>
        %shift_right_logical3A = arith.constant 2 : i32
        %shift_right_logical3A_165 = vector.broadcast %shift_right_logical3A : i32 to vector<16xi32>
        %shift_right_logical3A_166 = arith.shrui %get3A_164, %shift_right_logical3A_165 : vector<16xi32>
        %swap3A = arith.index_cast %add3A_162 : i32 to index
        %swap3A_167 = tpu.vector_load %arg8[%swap3A] {strides = array<i32>} : memref<400xi32, #tpu.memory_space<vmem>>, vector<16xi32>,
        %swap3A_168 = vector.shape_cast %swap3A_167 : vector<16xi32> to vector<16xi32>
        %swap3A_169 = vector.shape_cast %shift_right_logical3A_166 : vector<16xi32> to vector<16xi32>
        tpu.vector_store %arg8[%swap3A], %swap3A_169 {strides = array<i32>} : memref<400xi32, #tpu.memory_space<vmem>>, vector<16xi32>,
      }
      %scan3A_154 = arith.constant 25 : i32
      %dma_start3A_155 = arith.constant 0 : i32
      %dma_start3A_156 = arith.constant 0 : i32
      %dma_start3A_157 = tpu.memref_slice %arg2[%dma_start3A_155, %dma_start3A_156] : memref<250000x128xf32, #tpu.memory_space<hbm>> -> memref<250000x128xf32, #tpu.memory_space<hbm>>
      tpu.enqueue_indirect_dma source(%dma_start3A_157 : memref<250000x128xf32, #tpu.memory_space<hbm>>) target(%arg10 : memref<400x128xf32, #tpu.memory_space<vmem>>) offsets(%arg8 : memref<400xi32, #tpu.memory_space<vmem>>) semaphore(%arg14 : memref<!tpu.dma_semaphore, #tpu.memory_space<semaphore_mem>>)
    }
    %scan3A_40 = arith.constant 32 : i32
    %dma_wait3A = arith.constant 0 : i32
    %dma_wait3A_41 = arith.constant 0 : i32
    %dma_wait3A_42 = tpu.memref_slice %arg2[%dma_wait3A, %dma_wait3A_41] : memref<250000x128xf32, #tpu.memory_space<hbm>> -> memref<250000x128xf32, #tpu.memory_space<hbm>>
    tpu.wait_indirect_dma semaphore(%arg13 : memref<!tpu.dma_semaphore, #tpu.memory_space<semaphore_mem>>) src(%dma_wait3A_42 : memref<250000x128xf32, #tpu.memory_space<hbm>>) dst(%arg9 : memref<400x128xf32, #tpu.memory_space<vmem>>)
    %dma_wait3A_43 = arith.constant 0 : i32
    %dma_wait3A_44 = arith.constant 0 : i32
    %dma_wait3A_45 = tpu.memref_slice %arg2[%dma_wait3A_43, %dma_wait3A_44] : memref<250000x128xf32, #tpu.memory_space<hbm>> -> memref<250000x128xf32, #tpu.memory_space<hbm>>
    tpu.wait_indirect_dma semaphore(%arg14 : memref<!tpu.dma_semaphore, #tpu.memory_space<semaphore_mem>>) src(%dma_wait3A_45 : memref<250000x128xf32, #tpu.memory_space<hbm>>) dst(%arg10 : memref<400x128xf32, #tpu.memory_space<vmem>>)
    %multiple_of3A_46 = tpu.assume_multiple %mul3A_4, 8 : i32
    %dma_wait3A_47 = arith.constant 0 : i32
    %dma_wait3A_48 = tpu.memref_slice %arg4[%multiple_of3A_46, %dma_wait3A_47] : memref<16384x1600xf32, #tpu.memory_space<hbm>> -> memref<8x1600xf32, #tpu.memory_space<hbm>>
    %dma_wait3A_49 = arith.constant 0 : i32
    %dma_wait3A_50 = tpu.memref_slice %arg4[%multiple_of3A_46, %dma_wait3A_49] : memref<16384x1600xf32, #tpu.memory_space<hbm>> -> memref<8x1600xf32, #tpu.memory_space<hbm>>
    tpu.wait_dma2 semaphore(%arg15 : memref<!tpu.dma_semaphore, #tpu.memory_space<semaphore_mem>>) src(%arg11 : memref<8x1600xf32, #tpu.memory_space<vmem>>) dst(%dma_wait3A_50 : memref<8x1600xf32, #tpu.memory_space<hbm>>)
    %add3A_51 = arith.constant 8 : i32
    %add3A_52 = arith.addi %mul3A_4, %add3A_51 : i32
    %multiple_of3A_53 = tpu.assume_multiple %add3A_52, 8 : i32
    %dma_wait3A_54 = arith.constant 0 : i32
    %dma_wait3A_55 = tpu.memref_slice %arg4[%multiple_of3A_53, %dma_wait3A_54] : memref<16384x1600xf32, #tpu.memory_space<hbm>> -> memref<8x1600xf32, #tpu.memory_space<hbm>>
    %dma_wait3A_56 = arith.constant 0 : i32
    %dma_wait3A_57 = tpu.memref_slice %arg4[%multiple_of3A_53, %dma_wait3A_56] : memref<16384x1600xf32, #tpu.memory_space<hbm>> -> memref<8x1600xf32, #tpu.memory_space<hbm>>
    tpu.wait_dma2 semaphore(%arg16 : memref<!tpu.dma_semaphore, #tpu.memory_space<semaphore_mem>>) src(%arg12 : memref<8x1600xf32, #tpu.memory_space<vmem>>) dst(%dma_wait3A_57 : memref<8x1600xf32, #tpu.memory_space<hbm>>)
    return
  }
}

</mosaic_0001>

<sc_bundles>
// kernel: kernel.3.cloned.1.call-start
scs
__scs_entry_jumppad:
0x0: {  	(pc) =	sbr.rel $0x88, $3  }
0x1: {  	(tag) =	ssettag $0x0;
	lr =	simm.s32 $0x1  }
0x2: {  	[smem:$0x3F9F] =	sst lr;
	_ =	strace $0xD0000000  }
0x3: {  	_ = 	snop  }
0x4: {  	_ = 	snop  }
0x5: {  	_ = 	snop  }
0x6: {  	_ = 	snop  }
0x7: {  	_ = 	snop  }
__scs_overlays_trampoline_lowered:
0x8: {  	[smem:$0x3FAE] =	sst s0  }
0x9: {  	[smem:$0x3FAF] =	sst s1  }
0xa: {  	[smem:$0x3FB0] =	sst s2  }
0xb: {  	[smem:$0x3FB1] =	sst s3  }
0xc: {  	[smem:$0x3FB2] =	sst s4  }
0xd: {  	[smem:$0x3FB3] =	sst s5  }
0xe: {  	[smem:$0x3FB4] =	sst s6  }
0xf: {  	[smem:$0x3FB5] =	sst s7  }
0x10: {  	[smem:$0x3FB6] =	sst s8  }
0x11: {  	[smem:$0x3FB7] =	sst s9;
	s0 =	simm.s32 @!p0 $0x0  }
0x12: {  	s1 =	sld [smem:$0x3F9D];
	s0 =	simm.s32 @p0 $0x1  }
0x13: {  	[smem:$0x3FB8] =	sst s0;
	s0 =	simm.s32 @!p1 $0x0  }
0x14: {  	s2 =	sld [smem:$0x3F9C];
	s0 =	simm.s32 @p1 $0x1  }
0x15: {  	[smem:$0x3FB9] =	sst s0;
	s0 =	simm.s32 @!p2 $0x0  }
0x16: {  	s3 =	sld [smem:$0x3FDB];
	s0 =	simm.s32 @p2 $0x1  }
0x17: {  	s4 =	simm.s32 $0x1BF5;
	[smem:$0x3FBB] =	sst s0  }
0x18: {  	s0 =	sld [smem:$0x3F9E];
	_ =	swait.ge [sflag:s4], $0x0  }
0x19: {  	s7 =	sld [smem:$0x3F9F]  }
0x1a: {  	s8 =	sadd.s32 $0xFFFFE003, lr  }
0x1b: {  	s9 =	sadd.s32 $0xFFFFFEF7, lr;
	s5 =	simm.s32 $0xFFFFFFFF;
	p2 =	slt.u32 s8, $0xFFFFF086  }
0x1c: {  	p1 =	slt.u32 s9, $0xF7A;
	s5 =	simm.s32 @!p2 $0x0  }
0x1d: {  	s5 =	simm.s32 @p1 $0x1;
	p0 =	seq.s32 s7, s2  }
0x1e: {  	s7 =	smul.u32 @!p0 $0xF7A, s2;
	p2 =	seq.s32 @!p0 s5, $0x0  }
0x1f: {  	s9 =	smul.u32 $0xF7A, s1;
	s8 =	simm.s32 @!p0 $0x1BF5;
	p2 =	por !p2, p0  }
0x20: {  	[sflag:s8] =	ssyncset.s32 @!p0 $0xFFFFF086;
	s6 =	sadd.s32 @!p0 s3, s7;
	s7 =	simm.s32 @!p0 $0x108  }
0x21: {  	s3 =	sadd.s32 s3, s9;
	s6 =	sadd.s32 @!p0 $0x88, s6;
	s7 =	simm.s32 @p2 $0x1082  }
0x22: {  	[simem:s7], [sflag:s8] =	dma.local @!p0 [hbm:s6], $0xF7A  }
0x23: {  	s9 =	sor.u32 $0xD0000000, s2;
	s6 =	simm.s32 $0x108;
	_ =	swait.ge @!p0 [sflag:s8], $0x0  }
0x24: {  	s3 =	sadd.s32 $0x88, s3;
	s6 =	simm.s32 @!p1 $0x1082;
	[sflag:s4] =	ssyncset.s32 $0xFFFFF086  }
0x25: {  	[simem:s6], [sflag:s4] =	dma.local [hbm:s3], $0xF7A  }
0x26: {  	[smem:$0x3F9F] =	sst s1;
	(tag) =	ssettag s2;
	_ =	strace s9  }
0x27: {  	s1 =	sld [smem:$0x3FAF]  }
0x28: {  	s2 =	sld [smem:$0x3FB0]  }
0x29: {  	s4 =	sld [smem:$0x3FB2]  }
0x2a: {  	p0 =	seq.s32 s5, $0x0;
	s5 =	sld [smem:$0x3FB3]  }
0x2b: {  	s6 =	sld [smem:$0x3FB4]  }
0x2c: {  	s7 =	sld [smem:$0x3FB5]  }
0x2d: {  	s3 =	simm.s32 $0x108;
	s8 =	sld [smem:$0x3FB6]  }
0x2e: {  	s3 =	simm.s32 @!p0 $0x1082;
	s9 =	sld [smem:$0x3FB7]  }
0x2f: {  	lr =	sadd.s32 s0, s3;
	s0 =	sld [smem:$0x3FAE]  }
0x30: {  	s3 =	sld [smem:$0x3FB1]  }
0x31: {  	[smem:$0x3FBA] =	sst s10  }
0x32: {  	s10 =	sld [smem:$0x3FB8];
	_ =	sdelay $0x3  }
0x33: {  	p0 =	seq.s32 s10, $0x1;
	s10 =	sld [smem:$0x3FBA];
	_ =	sdelay $0x3  }
0x34: {  	[smem:$0x3FBA] =	sst s10  }
0x35: {  	s10 =	sld [smem:$0x3FB9];
	_ =	sdelay $0x3  }
0x36: {  	p1 =	seq.s32 s10, $0x1;
	s10 =	sld [smem:$0x3FBA];
	_ =	sdelay $0x3  }
0x37: {  	[smem:$0x3FBA] =	sst s10  }
0x38: {  	s10 =	sld [smem:$0x3FBB]  }
0x39: {  	_ = 	snop;
	(pc) =	sbr.ind lr, $3  }
0x3a: {  	_ = 	snop  }
0x3b: {  	_ = 	snop  }
0x3c: {  	p2 =	seq.s32 s10, $0x1;
	s10 =	sld [smem:$0x3FBA]  }
0x3d: {  	_ =	shalt  }
0x3e: {  	_ =	shalt  }
0x3f: {  	_ =	shalt  }
0x40: {  	_ =	shalt  }
0x41: {  	_ =	shalt  }
0x42: {  	_ =	shalt  }
0x43: {  	_ =	shalt  }
0x44: {  	_ =	shalt  }
0x45: {  	_ =	shalt  }
0x46: {  	_ =	shalt  }
0x47: {  	_ =	shalt  }
0x48: {  	_ =	shalt  }
0x49: {  	_ =	shalt  }
0x4a: {  	_ =	shalt  }
0x4b: {  	_ =	shalt  }
0x4c: {  	_ =	shalt  }
0x4d: {  	_ =	shalt  }
0x4e: {  	_ =	shalt  }
0x4f: {  	_ =	shalt  }
0x50: {  	_ =	shalt  }
0x51: {  	_ =	shalt  }
0x52: {  	_ =	shalt  }
0x53: {  	_ =	shalt  }
0x54: {  	_ =	shalt  }
0x55: {  	_ =	shalt  }
0x56: {  	_ =	shalt  }
0x57: {  	_ =	shalt  }
0x58: {  	_ =	shalt  }
0x59: {  	_ =	shalt  }
0x5a: {  	_ =	shalt  }
0x5b: {  	_ =	shalt  }
0x5c: {  	_ =	shalt  }
0x5d: {  	_ =	shalt  }
0x5e: {  	_ =	shalt  }
0x5f: {  	_ =	shalt  }
0x60: {  	_ =	shalt  }
0x61: {  	_ =	shalt  }
0x62: {  	_ =	shalt  }
0x63: {  	_ =	shalt  }
0x64: {  	_ =	shalt  }
0x65: {  	_ =	shalt  }
0x66: {  	_ =	shalt  }
0x67: {  	_ =	shalt  }
0x68: {  	_ =	shalt  }
0x69: {  	_ =	shalt  }
0x6a: {  	_ =	shalt  }
0x6b: {  	_ =	shalt  }
0x6c: {  	_ =	shalt  }
0x6d: {  	_ =	shalt  }
0x6e: {  	_ =	shalt  }
0x6f: {  	_ =	shalt  }
0x70: {  	_ =	shalt  }
0x71: {  	_ =	shalt  }
0x72: {  	_ =	shalt  }
0x73: {  	_ =	shalt  }
0x74: {  	_ =	shalt  }
0x75: {  	_ =	shalt  }
0x76: {  	_ =	shalt  }
0x77: {  	_ =	shalt  }
0x78: {  	_ =	shalt  }
0x79: {  	_ =	shalt  }
0x7a: {  	_ =	shalt  }
0x7b: {  	_ =	shalt  }
0x7c: {  	_ =	shalt  }
0x7d: {  	_ =	shalt  }
0x7e: {  	_ =	shalt  }
0x7f: {  	_ =	shalt  }
0x80: {  	_ =	shalt  }
0x81: {  	_ =	shalt  }
0x82: {  	_ =	shalt  }
0x83: {  	_ =	shalt  }
0x84: {  	_ =	shalt  }
0x85: {  	_ =	shalt  }
0x86: {  	_ =	shalt  }
0x87: {  	_ =	shalt  }
.Lfunc_end0:
.L_simem_size_0:
called_computation_lowered:
.L_overlay_start_0:
0x88: {  	s2 =	sld [smem:$0x3FD9]  }
0x89: {  	s3 =	sld [smem:$0x3FFE];
	_ =	sdelay $0x1  }
0x8a: {  	s1 =	srdreg.scid  }
0x8b: {  	s0 =	sand.u32 $0x1, s1  }
0x8c: {  	s17 =	sshll.u32 s0, $0xA;
	s2 =	sadd.s32 s3, s2  }
0x8d: {  	s2 =	sadd.s32 s2, s17  }
0x8e: {  	[smem:$0x3FC6] =	sst s2  }
0x8f: {  	_ = 	snop  }
0x90: {  	s2 =	sld [smem:$0x3FD0];
	(tm) =	ssettm $0x1  }
0x91: {  	s18 =	sld [smem:$0x3FFB];
	_ =	sdelay $0x3  }
0x92: {  	_ =	strace s18  }
0x93: {  	s3 =	sld [smem:$0x3FFC];
	_ =	sdelay $0x3  }
0x94: {  	_ =	strace s3  }
0x95: {  	s3 =	sld [smem:$0x3FFD];
	_ =	sdelay $0x3  }
0x96: {  	_ =	strace s3  }
0x97: {  	_ =	strace $0x8FFFFFFF  }
0x98: {  	s19 =	sld [smem:$0x3FDB];
	_ =	sdelay $0x1  }
0x99: {  	s4 =	simm.s32 $_scs_section_size  }
0x9a: {  	s5 =	simm.s32 $_size__tile_overlayer_lowered;
	s6 =	simm.s32 $_tile_overlayer_lowered  }
0x9b: {  	s22 =	simm.s32 $0x1BFF;
	s21 =	sshll.u32 s6, $0x1;
	s3 =	sadd.s32 s4, s19  }
0x9c: {  	s7 =	simm.s32 $0x0;
	s20 =	sshll.u32 s5, $0x1;
	s5 =	sadd.s32 s21, s3  }
0x9d: {  	[timem:s7], [sflag:s22] =	dma.local [hbm:s5], s20  }
0x9e: {  	_ =	swait.ge [sflag:s22], s20  }
0x9f: {  	s4 =	ssub.s32 $0x0, s20;
	[sflag:s22] =	ssyncset.done $0x0  }
0xa0: {  	[sflag:s22] =	ssyncadd.s32 s4;
	_ =	sdelay $0x1  }
0xa1: {  	s23 =	simm.s32 $0x1B8B  }
0xa2: {  	_ =	swait.ge [sflag:s23], $0x1  }
0xa3: {  	[sflag:s23] =	ssyncset.done $0x0  }
0xa4: {  	s25 =	simm.s32 $0x1B8E;
	s24 =	sld [smem:$0x3FFE];
	[sflag:s23] =	ssyncadd.s32 $0xFFFFFFFF  }
0xa5: {  	s26 =	simm.s32 $execute0_lowered;
	[smem:$0x3FD2] =	sst s25  }
0xa6: {  	s5 =	sshll.u32 s26, $0x1;
	_ =	strace $0x80000046;
	[dreg:$0x1] =	wrdreg $0xFFFFFFFF  }
0xa7: {  	s28 =	simm.s32 $_size_execute0_lowered;
	s3 =	sadd.s32 s3, s5;
	[dreg:$0x0] =	wrdreg $0x0  }
0xa8: {  	s5 =	sshll.u32 s28, $0x1;
	[dreg:$0x2] =	wrdreg s3  }
0xa9: {  	[dreg:$0x3] =	wrdreg s5  }
0xaa: {  	[dreg:$0x4] =	wrdreg $0xC0  }
0xab: {  	_ =	task [dreg:s7], $0x5FFFF  }
0xac: {  	[dreg:$0x1] =	wrdreg $0xFFFFFFFF  }
0xad: {  	[dreg:$0x0] =	wrdreg $0x60  }
0xae: {  	[dreg:$0x2] =	wrdreg s24  }
0xaf: {  	[dreg:$0x3] =	wrdreg s2  }
0xb0: {  	[dreg:$0x4] =	wrdreg $0x9  }
0xb1: {  	_ =	task.clear_ibuf [dreg:s7], $0x5FFFF;
	_ =	strace $0x90000046  }
0xb2: {  	s29 =	simm.s32 $0x9;
	_ =	strace $0x80000048  }
0xb3: {  	_ =	swait.ge [sflag:s29], $0x1  }
0xb4: {  	[sflag:s29] =	ssyncadd.s32 $0xFFFFFFFF  }
0xb5: {  	_ =	strace $0x90000048  }
0xb6: {  	_ =	sfence  }
0xb7: {  	s30 =	sld [smem:$0x0];
	_ =	sdelay $0x2  }
0xb8: {  	s31 =	sshll.u32 s1, $0xD;
	s1 =	sshrl.u32 s1, $0x2  }
0xb9: {  	s3 =	sand.u32 $0x4000, s31;
	s1 =	sadd.s32 s1, s30  }
0xba: {  	s0 =	sor.u32 s3, s0;
	s1 =	sshll.u32 s1, $0x11  }
0xbb: {  	s0 =	sor.u32 s1, s0  }
0xbc: {  	s0 =	sadd.s32 $0x8F2B, s0  }
0xbd: {  	[sflag:s0] =	ssyncadd.remote.s32 $0x1  }
0xbe: {  	_ =	sfence.sel $0xFFFF  }
0xbf: {  	[dreg:$0x0] =	wrdreg $0xFFFFFFFF;
	(pc) =	sbr.abs _section_cstart, $3  }
0xc0: {  	[dreg:$0x1] =	wrdreg $0xFFFFFFFF  }
0xc1: {  	_ =	task.clear_ibuf [dreg:s7], $0x2FFFF;
	_ =	strace $0x9FFFFFFF  }
0xc2: {  	(tm) =	ssettm $0x7FFFFFFF  }
0xc3: {  	_ =	shalt  }
tec
execute0_lowered:
.L_overlay_start_1:
0x0: {  	(tag) =	ssettag $0x1  }
0x1: {  	s0 =	rddreg [dreg:$0x0]  }
0x2: {  	s5 =	rddreg [dreg:$0x1]  }
0x3: {  	s1 =	srdreg.scid;
	s2 =	stileid.u32  }
0x4: {  	s3 =	simm.s32 $0x0;
	s1 =	sand.u32 $0x1, s1;
	s2 =	sshll.u32 s2, $0x1  }
0x5: {  	[smem:$0x7FF] =	sst s3;
	s24 =	sadd.s32 $0xF42A00, s0;
	s6 =	sadd.s32 $0x600, s0  }
0x6: {  	s2 =	sor.u32 s1, s2;
	_ =	strace $0x80000047;
	[dreg:$0x13] =	wrdreg s24  }
0x7: {  	s0 =	sadd.s32 $0xC80, s0;
	[dreg:$0x14] =	wrdreg s6;
	s4 =	smul.u32 $0x6400, s2  }
0x8: {  	[dreg:$0x17] =	wrdreg s0;
	s28 =	smul.u32 $0x1A000, s2;
	s2 =	sshll.u32 s2, $0x9  }
0x9: {  	s1 =	ssub.s32 $0x2, s1;
	[dreg:$0x15] =	wrdreg s2  }
0xa: {  	s25 =	sshrl.u32 s1, $0x1;
	[dreg:$0x12] =	wrdreg s4;
	s30 =	sadd.s32 s6, s28  }
0xb: {  	s1 =	ssub.s32 s1, s25;
	s0 =	sadd.s32 s28, s0;
	[dreg:$0x19] =	wrdreg s30  }
0xc: {  	s26 =	sshrl.u32 s4, $0x3;
	s31 =	smax.u32 s1, $0x1;
	[dreg:$0x1a] =	wrdreg s0  }
0xd: {  	s29 =	sadd.s32 s5, s26;
	[dreg:$0x1b] =	wrdreg s31  }
0xe: {  	[dreg:$0x16] =	wrdreg s29;
	s2 =	sadd.s32 $0x32, s29  }
0xf: {  	[dreg:$0x18] =	wrdreg s2;
	s2 =	simm.s32 $0x0  }
.LBB2_1:
0x10: {  	[dreg:$0x1c] =	wrdreg s2  }
0x11: {  	s0 =	simm.s32 $0x0;
	s1 =	rddreg [dreg:$0x16];
	s31 =	simm.s32 $0x5  }
0x12: {  	[tilespmem:s0], [sflag:$0x5] =	stream.linear.gather [hbm4b:s1+s0], $0x190, $0x38;
	v63 =	vld [tilespmem:$0x0]  }
0x13: {  	_ =	swait.ge [sflag:s31], $0x190  }
0x14: {  	[sflag:s31] =	ssyncset.done $0x0  }
0x15: {  	s0 =	simm.s32 $0x0;
	[sflag:s31] =	ssyncadd.s32 $0xFFFFFE70  }
0x16: {  	s1 =	simm.s32 $0x40;
	v0 =	vld [tilespmem:s0+$0x0]  }
.LBB2_2:
0x17: {  	p0 =	sne.s32 s1, $0x600  }
.Ltmp0:
0x18: {  	_ = 	snop;
	(pc) =	sbr.rel @p0 .LBB2_2-.Ltmp0, $3  }
0x19: {  	_ =	sdelay $0x1  }
0x1a: {  	s2 =	sshra.s32 s1, $0x2;
	s1 =	sadd.s32 $0x40, s1;
	v1 =	vshrl.u32 v0, $0x2  }
0x1b: {  	v0 =	vld [tilespmem:s2+$0x0];
	[tilespmem:s0+$0x400] =	vst v1;
	s0 =	smov.u32 s2  }
0x1c: {  	_ =	sdelay $0x3  }
0x1d: {  	s26 =	rddreg [dreg:$0x13];
	s1 =	simm.s32 $0x190;
	v0 =	vshrl.u32 v0, $0x2  }
0x1e: {  	s2 =	simm.s32 $0x400;
	s3 =	simm.s32 $0x800;
	s28 =	simm.s32 $0x0;
	[tilespmem:s0+$0x400] =	vst v0  }
0x1f: {  	[tilespmem:s3], [sflag:$0x1] =	stream.indirect.gather [hbm4b:s26+s1], $0x80, s2, s1, $0xb8;
	v63 =	vld [tilespmem:$0x0]  }
0x20: {  	s29 =	rddreg [dreg:$0x18];
	s30 =	simm.s32 $0x200;
	s31 =	simm.s32 $0x5  }
0x21: {  	[tilespmem:s30], [sflag:$0x5] =	stream.linear.gather [hbm4b:s29+s28], $0x190, $0x38;
	v63 =	vld [tilespmem:$0x0]  }
0x22: {  	_ =	swait.ge [sflag:s31], $0x190  }
0x23: {  	[sflag:s31] =	ssyncset.done $0x0  }
0x24: {  	s0 =	simm.s32 $0x0;
	[sflag:s31] =	ssyncadd.s32 $0xFFFFFE70  }
0x25: {  	s1 =	simm.s32 $0x40;
	v0 =	vld [tilespmem:s0+$0x200]  }
.LBB2_4:
0x26: {  	p0 =	sne.s32 s1, $0x600  }
.Ltmp1:
0x27: {  	_ = 	snop;
	(pc) =	sbr.rel @p0 .LBB2_4-.Ltmp1, $3  }
0x28: {  	_ =	sdelay $0x1  }
0x29: {  	s2 =	sshra.s32 s1, $0x2;
	s1 =	sadd.s32 $0x40, s1;
	v1 =	vshrl.u32 v0, $0x2  }
0x2a: {  	v0 =	vld [tilespmem:s2+$0x200];
	[tilespmem:s0+$0x600] =	vst v1;
	s0 =	smov.u32 s2  }
0x2b: {  	_ =	sdelay $0x3  }
0x2c: {  	s24 =	rddreg [dreg:$0x13];
	s1 =	simm.s32 $0x190;
	s2 =	simm.s32 $0x600;
	v0 =	vshrl.u32 v0, $0x2  }
0x2d: {  	s3 =	simm.s32 $0xD000;
	s25 =	simm.s32 $0x0;
	s26 =	rddreg [dreg:$0x19];
	[tilespmem:s0+$0x600] =	vst v0  }
0x2e: {  	[tilespmem:s3], [sflag:$0x2] =	stream.indirect.gather [hbm4b:s24+s1], $0x80, s2, s1, $0xb8;
	v63 =	vld [tilespmem:$0x0]  }
0x2f: {  	s28 =	simm.s32 $0x19800;
	s29 =	rddreg [dreg:$0x1a];
	s31 =	simm.s32 $0x0  }
0x30: {  	[hbm4b:s26+s25] =	stream.linear.scatter [tilespmem:s28], [sflag:$0x3], $0x3400, $0x38;
	v63 =	vld [tilespmem:$0x0]  }
0x31: {  	s30 =	simm.s32 $0x1CC00;
	[dreg:$0x1d] =	wrdreg s31  }
0x32: {  	[hbm4b:s29+s25] =	stream.linear.scatter [tilespmem:s30], [sflag:$0x4], $0x3400, $0x38;
	v63 =	vld [tilespmem:$0x0]  }
.LBB2_6:
0x33: {  	s0 =	simm.s32 $0x1  }
0x34: {  	_ =	swait.ge [sflag:s0], $0xC800  }
0x35: {  	[sflag:s0] =	ssyncset.done $0x0  }
0x36: {  	s22 =	simm.s32 $0x3;
	[sflag:s0] =	ssyncadd.s32 $0xFFFF3800  }
0x37: {  	_ =	swait.ge [sflag:s22], $0x3400  }
0x38: {  	[sflag:s22] =	ssyncset.done $0x0  }
0x39: {  	s2 =	simm.s32 $0x0;
	[sflag:s22] =	ssyncadd.s32 $0xFFFFCC00  }
0x3a: {  	v0 =	vld [tilespmem:s2+$0x0];
	_ =	sdelay $0x4  }
0x3b: {  	(v2sf) =	vpush v0, $0x0;
	_ =	sdelay $0xb  }
0x3c: {  	s1 =	sand.u32 $0xFFFE, s2;
	(v2sf) =	vpush v0, $0x1  }
0x3d: {  	s1 =	sshrl.u32 s1, $0x1;
	s2 =	smulhi.u32 $0x51EB851F, s2  }
0x3e: {  	s1 =	smul.u32 $0x147B, s1  }
0x3f: {  	s2 =	sshrl.u32 s2, $0x4;
	s3 =	spop (v2sf)  }
0x40: {  	s5 =	sshrl.u32 s1, $0x14;
	s4 =	smul.u32 $0x3200, s2;
	s3 =	sand.u32 $0x3, s3  }
0x41: {  	s5 =	smul.u32 $0xD000, s5;
	s3 =	sshll.u32 s3, $0x5  }
0x42: {  	s4 =	ssub.s32 $0xF00, s4;
	s3 =	sadd.s32 $0x0, s3  }
0x43: {  	s5 =	sshrl.u32 s5, $0x2;
	s6 =	sadd.s32 $0xFFFFF100, s4;
	v1 =	vld [tilespmem:s3+$0x800]  }
0x44: {  	s7 =	sshrl.u32 s1, $0xB;
	s5 =	sadd.s32 $0x19800, s5;
	s6 =	sand.u32 $0xFFFFFC00, s6  }
0x45: {  	s1 =	sshrl.u32 s1, $0xA;
	s7 =	sand.u32 $0x40, s7;
	s6 =	sadd.s32 s6, s5  }
0x46: {  	s1 =	sand.u32 $0x380, s1;
	s6 =	sor.u32 s7, s6  }
0x47: {  	s6 =	sor.u32 s1, s6  }
0x48: {  	(v2sf) =	vpush v0, $0x2;
	[tilespmem:s6+$0x0] =	vst v1  }
0x49: {  	v1 =	vld [tilespmem:s3+$0x810];
	_ =	sdelay $0x1  }
0x4a: {  	s23 =	spop (v2sf)  }
0x4b: {  	s3 =	sand.u32 $0x3, s23  }
0x4c: {  	s3 =	sshll.u32 s3, $0x5  }
0x4d: {  	s2 =	sshll.u32 s2, $0x6;
	s3 =	sadd.s32 $0x0, s3;
	[tilespmem:s6+$0x10] =	vst v1  }
0x4e: {  	s2 =	sadd.s32 $0x1E0, s2;
	s4 =	sadd.s32 $0xFFFFF200, s4;
	v1 =	vld [tilespmem:s3+$0x880]  }
0x4f: {  	s2 =	sadd.s32 $0xFFFFFE40, s2;
	s4 =	sand.u32 $0xFFFFFC00, s4  }
0x50: {  	s2 =	sand.u32 $0x60, s2;
	s4 =	sadd.s32 s4, s5  }
0x51: {  	s2 =	sor.u32 s2, s4  }
0x52: {  	s1 =	sor.u32 s1, s2  }
0x53: {  	s24 =	simm.s32 $0x2;
	s25 =	simm.s32 $0x2;
	(v2sf) =	vpush v0, $0x3;
	[tilespmem:s1+$0x0] =	vst v1  }
0x54: {  	s4 =	sand.u32 $0xFFFE, s25;
	s2 =	smulhi.u32 $0x51EB851F, s24;
	v1 =	vld [tilespmem:s3+$0x890]  }
0x55: {  	s26 =	sshrl.u32 s4, $0x1  }
0x56: {  	s2 =	sshrl.u32 s2, $0x4;
	s29 =	spop (v2sf);
	s3 =	smul.u32 $0x147B, s26  }
0x57: {  	s30 =	smul.u32 $0x3200, s2;
	s4 =	sand.u32 $0x3, s29  }
0x58: {  	s2 =	sshll.u32 s2, $0x6;
	s4 =	sshll.u32 s4, $0x5;
	s31 =	sshrl.u32 s3, $0x14  }
0x59: {  	s5 =	ssub.s32 $0xF00, s30;
	s4 =	sadd.s32 $0x0, s4;
	s6 =	smul.u32 $0xD000, s31;
	[tilespmem:s1+$0x10] =	vst v1  }
0x5a: {  	s7 =	sadd.s32 $0x1E0, s2;
	s8 =	sadd.s32 $0xFFFFF300, s5;
	v1 =	vld [tilespmem:s4+$0x900]  }
0x5b: {  	s2 =	sand.u32 $0xFFFFFC00, s8;
	s1 =	sadd.s32 $0xFFFFFE60, s7;
	s9 =	sshrl.u32 s6, $0x2  }
0x5c: {  	s3 =	sshrl.u32 s3, $0xA;
	s1 =	sand.u32 $0x40, s1;
	s2 =	sadd.s32 s2, s9  }
0x5d: {  	s3 =	sand.u32 $0x380, s3;
	s1 =	sor.u32 s1, s2  }
0x5e: {  	s1 =	sor.u32 s3, s1  }
0x5f: {  	s10 =	simm.s32 $0x3;
	(v2sf) =	vpush v0, $0x4;
	[tilespmem:s1+$0x19800] =	vst v1  }
0x60: {  	s0 =	smulhi.u32 $0x51EB851F, s22;
	s2 =	sand.u32 $0xFFFE, s10;
	v1 =	vld [tilespmem:s4+$0x910]  }
0x61: {  	s2 =	sshrl.u32 s2, $0x1  }
0x62: {  	s0 =	sshrl.u32 s0, $0x4;
	s11 =	spop (v2sf);
	s2 =	smul.u32 $0x147B, s2  }
0x63: {  	s12 =	smul.u32 $0x3200, s0;
	s0 =	sshll.u32 s0, $0x6;
	s3 =	sand.u32 $0x3, s11  }
0x64: {  	s3 =	sshll.u32 s3, $0x5;
	s1 =	sadd.s32 $0x19800, s1;
	s13 =	sshrl.u32 s2, $0x14  }
0x65: {  	s3 =	sadd.s32 $0x0, s3;
	s4 =	ssub.s32 $0xF00, s12;
	s5 =	smul.u32 $0xD000, s13;
	[tilespmem:s1+$0x10] =	vst v1  }
0x66: {  	s0 =	sadd.s32 $0x1E0, s0;
	s14 =	sadd.s32 $0xFFFFF400, s4;
	v1 =	vld [tilespmem:s3+$0x980]  }
0x67: {  	s0 =	sadd.s32 $0xFFFFFE80, s0;
	s15 =	sshrl.u32 s5, $0x2;
	s1 =	sand.u32 $0xFFFFFC00, s14  }
0x68: {  	s0 =	sand.u32 $0x60, s0;
	s2 =	sshrl.u32 s2, $0xA;
	s1 =	sadd.s32 s1, s15  }
0x69: {  	s2 =	sand.u32 $0x380, s2;
	s0 =	sor.u32 s0, s1  }
0x6a: {  	s0 =	sor.u32 s2, s0  }
0x6b: {  	s16 =	simm.s32 $0x4;
	s17 =	simm.s32 $0x4;
	(v2sf) =	vpush v0, $0x5;
	[tilespmem:s0+$0x19800] =	vst v1  }
0x6c: {  	s1 =	smulhi.u32 $0x51EB851F, s16;
	s2 =	sand.u32 $0xFFFE, s17;
	v1 =	vld [tilespmem:s3+$0x990]  }
0x6d: {  	s2 =	sshrl.u32 s2, $0x1  }
0x6e: {  	s18 =	spop (v2sf);
	s1 =	sshrl.u32 s1, $0x4;
	s2 =	smul.u32 $0x147B, s2  }
0x6f: {  	s1 =	smul.u32 $0x3200, s1;
	s3 =	sand.u32 $0x3, s18  }
0x70: {  	s0 =	sadd.s32 $0x19800, s0;
	s19 =	sshrl.u32 s2, $0x14;
	s3 =	sshll.u32 s3, $0x5  }
0x71: {  	s1 =	ssub.s32 $0xF00, s1;
	s4 =	smul.u32 $0xD000, s19;
	s3 =	sadd.s32 $0x0, s3;
	[tilespmem:s0+$0x10] =	vst v1  }
0x72: {  	s20 =	sadd.s32 $0xFFFFF500, s1;
	v1 =	vld [tilespmem:s3+$0xA00]  }
0x73: {  	s21 =	sshrl.u32 s2, $0xB;
	s4 =	sshrl.u32 s4, $0x2;
	s0 =	sand.u32 $0xFFFFFC00, s20  }
0x74: {  	s2 =	sshrl.u32 s2, $0xA;
	s1 =	sand.u32 $0x40, s21;
	s0 =	sadd.s32 s0, s4  }
0x75: {  	s2 =	sand.u32 $0x380, s2;
	s0 =	sor.u32 s1, s0  }
0x76: {  	s0 =	sor.u32 s2, s0  }
0x77: {  	s22 =	simm.s32 $0x5;
	s23 =	simm.s32 $0x5;
	(v2sf) =	vpush v0, $0x6;
	[tilespmem:s0+$0x19800] =	vst v1  }
0x78: {  	s1 =	smulhi.u32 $0x51EB851F, s22;
	s2 =	sand.u32 $0xFFFE, s23;
	v1 =	vld [tilespmem:s3+$0xA10]  }
0x79: {  	s2 =	sshrl.u32 s2, $0x1  }
0x7a: {  	s24 =	spop (v2sf);
	s1 =	sshrl.u32 s1, $0x4;
	s2 =	smul.u32 $0x147B, s2  }
0x7b: {  	s25 =	smul.u32 $0x3200, s1;
	s1 =	sshll.u32 s1, $0x6;
	s3 =	sand.u32 $0x3, s24  }
0x7c: {  	s0 =	sadd.s32 $0x19800, s0;
	s26 =	sshrl.u32 s2, $0x14;
	s3 =	sshll.u32 s3, $0x5  }
0x7d: {  	s4 =	ssub.s32 $0xF00, s25;
	s5 =	smul.u32 $0xD000, s26;
	s3 =	sadd.s32 $0x0, s3;
	[tilespmem:s0+$0x10] =	vst v1  }
0x7e: {  	s29 =	sadd.s32 $0x1E0, s1;
	s30 =	sadd.s32 $0xFFFFF600, s4;
	v1 =	vld [tilespmem:s3+$0xA80]  }
0x7f: {  	s1 =	sand.u32 $0xFFFFFC00, s30;
	s31 =	sshrl.u32 s5, $0x2;
	s0 =	sadd.s32 $0xFFFFFEC0, s29  }
0x80: {  	s2 =	sshrl.u32 s2, $0xA;
	s1 =	sadd.s32 s1, s31;
	s0 =	sand.u32 $0x60, s0  }
0x81: {  	s2 =	sand.u32 $0x380, s2;
	s0 =	sor.u32 s0, s1  }
0x82: {  	s0 =	sor.u32 s2, s0  }
0x83: {  	(v2sf) =	vpush v0, $0x7;
	s4 =	simm.s32 $0x6;
	s2 =	simm.s32 $0x6;
	[tilespmem:s0+$0x19800] =	vst v1  }
0x84: {  	s1 =	smulhi.u32 $0x51EB851F, s2;
	s2 =	sand.u32 $0xFFFE, s4;
	v1 =	vld [tilespmem:s3+$0xA90]  }
0x85: {  	s2 =	sshrl.u32 s2, $0x1  }
0x86: {  	s5 =	spop (v2sf);
	s1 =	sshrl.u32 s1, $0x4;
	s2 =	smul.u32 $0x147B, s2  }
0x87: {  	s0 =	sadd.s32 $0x19800, s0;
	s3 =	sand.u32 $0x3, s5;
	s6 =	smul.u32 $0x3200, s1  }
0x88: {  	s1 =	sshll.u32 s1, $0x6;
	s3 =	sshll.u32 s3, $0x5;
	s7 =	sshrl.u32 s2, $0x14  }
0x89: {  	s3 =	sadd.s32 $0x0, s3;
	s4 =	ssub.s32 $0xF00, s6;
	s5 =	smul.u32 $0xD000, s7;
	[tilespmem:s0+$0x10] =	vst v1  }
0x8a: {  	s8 =	sadd.s32 $0x1E0, s1;
	s9 =	sadd.s32 $0xFFFFF700, s4;
	v1 =	vld [tilespmem:s3+$0xB00]  }
0x8b: {  	s1 =	sand.u32 $0xFFFFFC00, s9;
	s10 =	sshrl.u32 s5, $0x2;
	s0 =	sadd.s32 $0xFFFFFEE0, s8  }
0x8c: {  	s2 =	sshrl.u32 s2, $0xA;
	s1 =	sadd.s32 s1, s10;
	s0 =	sand.u32 $0x40, s0  }
0x8d: {  	s2 =	sand.u32 $0x380, s2;
	s0 =	sor.u32 s0, s1  }
0x8e: {  	s0 =	sor.u32 s2, s0  }
0x8f: {  	s11 =	simm.s32 $0x7;
	s12 =	simm.s32 $0x7;
	(v2sf) =	vpush v0, $0x8;
	[tilespmem:s0+$0x19800] =	vst v1  }
0x90: {  	s1 =	smulhi.u32 $0x51EB851F, s11;
	s2 =	sand.u32 $0xFFFE, s12;
	v1 =	vld [tilespmem:s3+$0xB10]  }
0x91: {  	s2 =	sshrl.u32 s2, $0x1  }
0x92: {  	s13 =	spop (v2sf);
	s1 =	sshrl.u32 s1, $0x4;
	s2 =	smul.u32 $0x147B, s2  }
0x93: {  	s14 =	smul.u32 $0x3200, s1;
	s1 =	sshll.u32 s1, $0x6;
	s3 =	sand.u32 $0x3, s13  }
0x94: {  	s0 =	sadd.s32 $0x19800, s0;
	s15 =	sshrl.u32 s2, $0x14;
	s3 =	sshll.u32 s3, $0x5  }
0x95: {  	s4 =	ssub.s32 $0xF00, s14;
	s5 =	smul.u32 $0xD000, s15;
	s3 =	sadd.s32 $0x0, s3;
	[tilespmem:s0+$0x10] =	vst v1  }
0x96: {  	s16 =	sadd.s32 $0x1E0, s1;
	s17 =	sadd.s32 $0xFFFFF800, s4;
	v1 =	vld [tilespmem:s3+$0xB80]  }
0x97: {  	s1 =	sand.u32 $0xFFFFFC00, s17;
	s18 =	sshrl.u32 s5, $0x2;
	s0 =	sadd.s32 $0xFFFFFF00, s16  }
0x98: {  	s2 =	sshrl.u32 s2, $0xA;
	s1 =	sadd.s32 s1, s18;
	s0 =	sand.u32 $0x60, s0  }
0x99: {  	s2 =	sand.u32 $0x380, s2;
	s0 =	sor.u32 s0, s1  }
0x9a: {  	s0 =	sor.u32 s2, s0  }
0x9b: {  	s19 =	simm.s32 $0x8;
	s20 =	simm.s32 $0x8;
	(v2sf) =	vpush v0, $0x9;
	[tilespmem:s0+$0x19800] =	vst v1  }
0x9c: {  	s1 =	smulhi.u32 $0x51EB851F, s19;
	s2 =	sand.u32 $0xFFFE, s20;
	v1 =	vld [tilespmem:s3+$0xB90]  }
0x9d: {  	s2 =	sshrl.u32 s2, $0x1  }
0x9e: {  	s21 =	spop (v2sf);
	s1 =	sshrl.u32 s1, $0x4;
	s2 =	smul.u32 $0x147B, s2  }
0x9f: {  	s1 =	smul.u32 $0x3200, s1;
	s3 =	sand.u32 $0x3, s21  }
0xa0: {  	s0 =	sadd.s32 $0x19800, s0;
	s22 =	sshrl.u32 s2, $0x14;
	s3 =	sshll.u32 s3, $0x5  }
0xa1: {  	s1 =	ssub.s32 $0xF00, s1;
	s4 =	smul.u32 $0xD000, s22;
	s3 =	sadd.s32 $0x0, s3;
	[tilespmem:s0+$0x10] =	vst v1  }
0xa2: {  	s23 =	sadd.s32 $0xFFFFF900, s1;
	v1 =	vld [tilespmem:s3+$0xC00]  }
0xa3: {  	s24 =	sshrl.u32 s2, $0xB;
	s4 =	sshrl.u32 s4, $0x2;
	s0 =	sand.u32 $0xFFFFFC00, s23  }
0xa4: {  	s2 =	sshrl.u32 s2, $0xA;
	s1 =	sand.u32 $0x40, s24;
	s0 =	sadd.s32 s0, s4  }
0xa5: {  	s2 =	sand.u32 $0x380, s2;
	s0 =	sor.u32 s1, s0  }
0xa6: {  	s0 =	sor.u32 s2, s0  }
0xa7: {  	s25 =	simm.s32 $0x9;
	s26 =	simm.s32 $0x9;
	(v2sf) =	vpush v0, $0xA;
	[tilespmem:s0+$0x19800] =	vst v1  }
0xa8: {  	s1 =	smulhi.u32 $0x51EB851F, s25;
	s2 =	sand.u32 $0xFFFE, s26;
	v1 =	vld [tilespmem:s3+$0xC10]  }
0xa9: {  	s2 =	sshrl.u32 s2, $0x1  }
0xaa: {  	s29 =	spop (v2sf);
	s1 =	sshrl.u32 s1, $0x4;
	s2 =	smul.u32 $0x147B, s2  }
0xab: {  	s30 =	smul.u32 $0x3200, s1;
	s1 =	sshll.u32 s1, $0x6;
	s3 =	sand.u32 $0x3, s29  }
0xac: {  	s0 =	sadd.s32 $0x19800, s0;
	s31 =	sshrl.u32 s2, $0x14;
	s3 =	sshll.u32 s3, $0x5  }
0xad: {  	s4 =	ssub.s32 $0xF00, s30;
	s5 =	smul.u32 $0xD000, s31;
	s3 =	sadd.s32 $0x0, s3;
	[tilespmem:s0+$0x10] =	vst v1  }
0xae: {  	s1 =	sadd.s32 $0x1E0, s1;
	s4 =	sadd.s32 $0xFFFFFA00, s4;
	v1 =	vld [tilespmem:s3+$0xC80]  }
0xaf: {  	s5 =	sshrl.u32 s5, $0x2;
	s0 =	sadd.s32 $0xFFFFFF40, s1;
	s1 =	sand.u32 $0xFFFFFC00, s4  }
0xb0: {  	s2 =	sshrl.u32 s2, $0xA;
	s0 =	sand.u32 $0x60, s0;
	s1 =	sadd.s32 s1, s5  }
0xb1: {  	s2 =	sand.u32 $0x380, s2;
	s0 =	sor.u32 s0, s1  }
0xb2: {  	s0 =	sor.u32 s2, s0  }
0xb3: {  	s6 =	simm.s32 $0xA;
	s7 =	simm.s32 $0xA;
	(v2sf) =	vpush v0, $0xB;
	[tilespmem:s0+$0x19800] =	vst v1  }
0xb4: {  	s1 =	smulhi.u32 $0x51EB851F, s6;
	s2 =	sand.u32 $0xFFFE, s7;
	v1 =	vld [tilespmem:s3+$0xC90]  }
0xb5: {  	s2 =	sshrl.u32 s2, $0x1  }
0xb6: {  	s8 =	spop (v2sf);
	s1 =	sshrl.u32 s1, $0x4;
	s2 =	smul.u32 $0x147B, s2  }
0xb7: {  	s9 =	smul.u32 $0x3200, s1;
	s1 =	sshll.u32 s1, $0x6;
	s3 =	sand.u32 $0x3, s8  }
0xb8: {  	s0 =	sadd.s32 $0x19800, s0;
	s10 =	sshrl.u32 s2, $0x14;
	s3 =	sshll.u32 s3, $0x5  }
0xb9: {  	s4 =	ssub.s32 $0xF00, s9;
	s5 =	smul.u32 $0xD000, s10;
	s3 =	sadd.s32 $0x0, s3;
	[tilespmem:s0+$0x10] =	vst v1  }
0xba: {  	s11 =	sadd.s32 $0x1E0, s1;
	s12 =	sadd.s32 $0xFFFFFB00, s4;
	v1 =	vld [tilespmem:s3+$0xD00]  }
0xbb: {  	s1 =	sand.u32 $0xFFFFFC00, s12;
	s13 =	sshrl.u32 s5, $0x2;
	s0 =	sadd.s32 $0xFFFFFF60, s11  }
0xbc: {  	s2 =	sshrl.u32 s2, $0xA;
	s1 =	sadd.s32 s1, s13;
	s0 =	sand.u32 $0x40, s0  }
0xbd: {  	s2 =	sand.u32 $0x380, s2;
	s0 =	sor.u32 s0, s1  }
0xbe: {  	s0 =	sor.u32 s2, s0  }
0xbf: {  	s14 =	simm.s32 $0xB;
	s15 =	simm.s32 $0xB;
	(v2sf) =	vpush v0, $0xC;
	[tilespmem:s0+$0x19800] =	vst v1  }
0xc0: {  	s1 =	smulhi.u32 $0x51EB851F, s14;
	s2 =	sand.u32 $0xFFFE, s15;
	v1 =	vld [tilespmem:s3+$0xD10]  }
0xc1: {  	s2 =	sshrl.u32 s2, $0x1  }
0xc2: {  	s16 =	spop (v2sf);
	s1 =	sshrl.u32 s1, $0x4;
	s2 =	smul.u32 $0x147B, s2  }
0xc3: {  	s17 =	smul.u32 $0x3200, s1;
	s1 =	sshll.u32 s1, $0x6;
	s3 =	sand.u32 $0x3, s16  }
0xc4: {  	s0 =	sadd.s32 $0x19800, s0;
	s18 =	sshrl.u32 s2, $0x14;
	s3 =	sshll.u32 s3, $0x5  }
0xc5: {  	s4 =	ssub.s32 $0xF00, s17;
	s5 =	smul.u32 $0xD000, s18;
	s3 =	sadd.s32 $0x0, s3;
	[tilespmem:s0+$0x10] =	vst v1  }
0xc6: {  	s19 =	sadd.s32 $0x1E0, s1;
	s20 =	sadd.s32 $0xFFFFFC00, s4;
	v1 =	vld [tilespmem:s3+$0xD80]  }
0xc7: {  	s1 =	sand.u32 $0xFFFFFC00, s20;
	s21 =	sshrl.u32 s5, $0x2;
	s0 =	sadd.s32 $0xFFFFFF80, s19  }
0xc8: {  	s2 =	sshrl.u32 s2, $0xA;
	s1 =	sadd.s32 s1, s21;
	s0 =	sand.u32 $0x60, s0  }
0xc9: {  	s2 =	sand.u32 $0x380, s2;
	s0 =	sor.u32 s0, s1  }
0xca: {  	s0 =	sor.u32 s2, s0  }
0xcb: {  	(v2sf) =	vpush v0, $0xD;
	s22 =	simm.s32 $0xC;
	s23 =	simm.s32 $0xC;
	[tilespmem:s0+$0x19800] =	vst v1  }
0xcc: {  	s1 =	smulhi.u32 $0x51EB851F, s22;
	s2 =	sand.u32 $0xFFFE, s23;
	v1 =	vld [tilespmem:s3+$0xD90]  }
0xcd: {  	s2 =	sshrl.u32 s2, $0x1  }
0xce: {  	s24 =	spop (v2sf);
	s1 =	sshrl.u32 s1, $0x4;
	s2 =	smul.u32 $0x147B, s2  }
0xcf: {  	s1 =	smul.u32 $0x3200, s1;
	s3 =	sand.u32 $0x3, s24  }
0xd0: {  	s0 =	sadd.s32 $0x19800, s0;
	s25 =	sshrl.u32 s2, $0x14;
	s3 =	sshll.u32 s3, $0x5  }
0xd1: {  	s1 =	ssub.s32 $0xF00, s1;
	s4 =	smul.u32 $0xD000, s25;
	s3 =	sadd.s32 $0x0, s3;
	[tilespmem:s0+$0x10] =	vst v1  }
0xd2: {  	s26 =	sadd.s32 $0xFFFFFD00, s1;
	v1 =	vld [tilespmem:s3+$0xE00]  }
0xd3: {  	s29 =	sshrl.u32 s2, $0xB;
	s4 =	sshrl.u32 s4, $0x2;
	s0 =	sand.u32 $0xFFFFFC00, s26  }
0xd4: {  	s2 =	sshrl.u32 s2, $0xA;
	s1 =	sand.u32 $0x40, s29;
	s0 =	sadd.s32 s0, s4  }
0xd5: {  	s2 =	sand.u32 $0x380, s2;
	s0 =	sor.u32 s1, s0  }
0xd6: {  	s0 =	sor.u32 s2, s0  }
0xd7: {  	(v2sf) =	vpush v0, $0xE;
	s30 =	simm.s32 $0xD;
	s31 =	simm.s32 $0xD;
	[tilespmem:s0+$0x19800] =	vst v1  }
0xd8: {  	s1 =	smulhi.u32 $0x51EB851F, s30;
	s2 =	sand.u32 $0xFFFE, s31;
	v1 =	vld [tilespmem:s3+$0xE10]  }
0xd9: {  	s2 =	sshrl.u32 s2, $0x1  }
0xda: {  	s4 =	spop (v2sf);
	s1 =	sshrl.u32 s1, $0x4;
	s2 =	smul.u32 $0x147B, s2  }
0xdb: {  	s5 =	smul.u32 $0x3200, s1;
	s1 =	sshll.u32 s1, $0x6;
	s3 =	sand.u32 $0x3, s4  }
0xdc: {  	s0 =	sadd.s32 $0x19800, s0;
	s6 =	sshrl.u32 s2, $0x14;
	s3 =	sshll.u32 s3, $0x5  }
0xdd: {  	s4 =	ssub.s32 $0xF00, s5;
	s5 =	smul.u32 $0xD000, s6;
	s3 =	sadd.s32 $0x0, s3;
	[tilespmem:s0+$0x10] =	vst v1  }
0xde: {  	s7 =	sadd.s32 $0x1E0, s1;
	s8 =	sadd.s32 $0xFFFFFE00, s4;
	v1 =	vld [tilespmem:s3+$0xE80]  }
0xdf: {  	s1 =	sand.u32 $0xFFFFFC00, s8;
	s9 =	sshrl.u32 s5, $0x2;
	s0 =	sadd.s32 $0xFFFFFFC0, s7  }
0xe0: {  	s2 =	sshrl.u32 s2, $0xA;
	s1 =	sadd.s32 s1, s9;
	s0 =	sand.u32 $0x60, s0  }
0xe1: {  	(v2sf) =	vpush v0, $0xF;
	s2 =	sand.u32 $0x380, s2;
	s0 =	sor.u32 s0, s1  }
0xe2: {  	s0 =	sor.u32 s2, s0  }
0xe3: {  	s10 =	simm.s32 $0xE;
	s11 =	simm.s32 $0xE;
	[tilespmem:s0+$0x19800] =	vst v1  }
0xe4: {  	s1 =	smulhi.u32 $0x51EB851F, s10;
	s2 =	sand.u32 $0xFFFE, s11;
	v0 =	vld [tilespmem:s3+$0xE90]  }
0xe5: {  	s2 =	sshrl.u32 s2, $0x1  }
0xe6: {  	s12 =	spop (v2sf);
	s1 =	sshrl.u32 s1, $0x4;
	s2 =	smul.u32 $0x147B, s2  }
0xe7: {  	s13 =	smul.u32 $0x3200, s1;
	s1 =	sshll.u32 s1, $0x6;
	s3 =	sand.u32 $0x3, s12  }
0xe8: {  	s0 =	sadd.s32 $0x19800, s0;
	s14 =	sshrl.u32 s2, $0x14;
	s3 =	sshll.u32 s3, $0x5  }
0xe9: {  	s4 =	ssub.s32 $0xF00, s13;
	s5 =	smul.u32 $0xD000, s14;
	s3 =	sadd.s32 $0x0, s3;
	[tilespmem:s0+$0x10] =	vst v0  }
0xea: {  	s15 =	sadd.s32 $0x1E0, s1;
	s16 =	sadd.s32 $0xFFFFFF00, s4;
	v0 =	vld [tilespmem:s3+$0xF00]  }
0xeb: {  	s1 =	sand.u32 $0xFFFFFC00, s16;
	s17 =	sshrl.u32 s5, $0x2;
	s0 =	sadd.s32 $0xFFFFFFE0, s15  }
0xec: {  	s2 =	sshrl.u32 s2, $0xA;
	s1 =	sadd.s32 s1, s17;
	s0 =	sand.u32 $0x40, s0  }
0xed: {  	s2 =	sand.u32 $0x380, s2;
	s0 =	sor.u32 s0, s1  }
0xee: {  	s28 =	simm.s32 $0x14;
	s18 =	simm.s32 $0xF;
	s0 =	sor.u32 s2, s0  }
0xef: {  	s19 =	sand.u32 $0xFFFE, s18;
	s18 =	simm.s32 $0x1A;
	s9 =	simm.s32 $0xF;
	[tilespmem:s0+$0x19800] =	vst v0  }
0xf0: {  	s8 =	simm.s32 $0x12;
	s20 =	smulhi.u32 $0x51EB851F, s9;
	s21 =	spop (v2sf);
	v0 =	vld [tilespmem:s3+$0xF10]  }
0xf1: {  	s11 =	simm.s32 $0x19;
	s22 =	sand.u32 $0x3, s21;
	s1 =	sshrl.u32 s19, $0x1  }
0xf2: {  	s21 =	simm.s32 $0x1D;
	s1 =	smul.u32 $0x147B, s1;
	s2 =	sshrl.u32 s20, $0x4  }
0xf3: {  	s13 =	simm.s32 $0x16;
	s12 =	simm.s32 $0x18;
	s23 =	smul.u32 $0x3200, s2  }
0xf4: {  	s24 =	sshrl.u32 s1, $0x14;
	s0 =	sadd.s32 $0x19800, s0;
	s3 =	sshll.u32 s22, $0x5  }
0xf5: {  	s4 =	simm.s32 $0x10;
	s5 =	smul.u32 $0xD000, s24;
	s25 =	sadd.s32 $0x0, s3;
	[tilespmem:s0+$0x10] =	vst v0  }
0xf6: {  	s14 =	simm.s32 $0x17;
	s2 =	sshll.u32 s2, $0x6;
	s26 =	ssub.s32 $0xF00, s23;
	v0 =	vld [tilespmem:s25+$0xF80]  }
0xf7: {  	s2 =	sadd.s32 $0x1E0, s2;
	s3 =	sand.u32 $0xFFFFFC00, s26;
	s29 =	sshrl.u32 s5, $0x2  }
0xf8: {  	s31 =	sshrl.u32 s1, $0xA;
	s30 =	sand.u32 $0x60, s2;
	s3 =	sadd.s32 s3, s29  }
0xf9: {  	s16 =	simm.s32 $0x1C;
	s2 =	sand.u32 $0x380, s31;
	s0 =	sor.u32 s30, s3  }
0xfa: {  	s17 =	simm.s32 $0x1B;
	s19 =	simm.s32 $0x3E0;
	s0 =	sor.u32 s2, s0  }
0xfb: {  	s20 =	simm.s32 $0x1E;
	s1 =	simm.s32 $0xF00;
	s23 =	simm.s32 $0x13;
	[tilespmem:s0+$0x19800] =	vst v0  }
0xfc: {  	s24 =	simm.s32 $0x15;
	s22 =	simm.s32 $0x0;
	s3 =	simm.s32 $0x2000;
	v0 =	vld [tilespmem:s25+$0xF90]  }
.LBB2_7:
0xfd: {  	_ =	sdelay $0x2  }
0xfe: {  	s0 =	sadd.s32 $0x19800, s0  }
0xff: {  	[tilespmem:s0+$0x10] =	vst v0  }
0x100: {  	v0 =	vld [tilespmem:s4+$0x0];
	_ =	sdelay $0x4  }
0x101: {  	(v2sf) =	vpush v0, $0x0;
	_ =	sdelay $0x5  }
0x102: {  	(v2sf) =	vpush v0, $0x1  }
0x103: {  	[dreg:$0x9] =	wrdreg s14;
	(v2sf) =	vpush v0, $0x2  }
0x104: {  	[dreg:$0x7] =	wrdreg s8;
	(v2sf) =	vpush v0, $0x3  }
0x105: {  	[dreg:$0x5] =	wrdreg s4;
	s22 =	sadd.s32 $0x10, s22;
	s9 =	sadd.s32 $0x10, s9;
	(v2sf) =	vpush v0, $0x4  }
0x106: {  	[dreg:$0x3] =	wrdreg s9;
	s7 =	sand.u32 $0xFFFE, s22;
	s9 =	smulhi.u32 $0x51EB851F, s22  }
0x107: {  	s1 =	sadd.s32 $0x1000, s1;
	s2 =	smov.u32 s3;
	s0 =	sshrl.u32 s7, $0x1;
	(v2sf) =	vpush v0, $0x5  }
0x108: {  	s26 =	smov.u32 s24;
	s0 =	smul.u32 $0x147B, s0;
	s4 =	sshrl.u32 s9, $0x4;
	(v2sf) =	vpush v0, $0x6  }
0x109: {  	s24 =	smov.u32 s23;
	s5 =	smul.u32 $0x3200, s4;
	s4 =	sshll.u32 s4, $0x6;
	(v2sf) =	vpush v0, $0x7  }
0x10a: {  	s2 =	sshra.s32 s2, $0x2;
	s6 =	sshrl.u32 s0, $0x14;
	s4 =	sadd.s32 s4, s19  }
0x10b: {  	s10 =	sshrl.u32 s0, $0xB;
	s0 =	sshrl.u32 s0, $0xA;
	s7 =	spop (v2sf);
	(v2sf) =	vpush v0, $0x8  }
0x10c: {  	s6 =	smul.u32 $0xD000, s6;
	s5 =	ssub.s32 s1, s5;
	s7 =	sand.u32 $0x3, s7  }
0x10d: {  	s14 =	sand.u32 $0x40, s10;
	s23 =	sand.u32 $0x380, s0;
	(v2sf) =	vpush v0, $0x9;
	s7 =	sshll.u32 s7, $0x5  }
0x10e: {  	s15 =	sadd.s32 $0xFFFFF100, s5;
	s6 =	sshrl.u32 s6, $0x2;
	(v2sf) =	vpush v0, $0xA;
	s7 =	sadd.s32 s2, s7  }
0x10f: {  	s4 =	sadd.s32 $0xFFFFFE40, s4;
	s15 =	sand.u32 $0xFFFFFC00, s15;
	s6 =	sadd.s32 $0x19800, s6;
	(v2sf) =	vpush v0, $0xB;
	v1 =	vld [tilespmem:s7+$0x800]  }
0x110: {  	s5 =	sadd.s32 $0xFFFFF200, s5;
	s4 =	sand.u32 $0x60, s4;
	s15 =	sadd.s32 s15, s6  }
0x111: {  	s30 =	sand.u32 $0xFFFFFC00, s5;
	s25 =	sor.u32 s14, s15;
	s29 =	spop (v2sf);
	(v2sf) =	vpush v0, $0xC  }
0x112: {  	s0 =	sadd.s32 s30, s6;
	s15 =	sor.u32 s23, s25;
	s31 =	spop (v2sf)  }
0x113: {  	s14 =	sand.u32 $0x3, s29;
	s29 =	sor.u32 s4, s0;
	s6 =	spop (v2sf);
	(v2sf) =	vpush v0, $0xD  }
0x114: {  	s14 =	sshll.u32 s14, $0x5;
	s9 =	sand.u32 $0x3, s6;
	s10 =	spop (v2sf);
	(v2sf) =	vpush v0, $0xE;
	[tilespmem:s15+$0x0] =	vst v1  }
0x115: {  	s5 =	sand.u32 $0x3, s31;
	s23 =	sor.u32 s23, s29;
	s6 =	sshll.u32 s9, $0x5;
	v1 =	vld [tilespmem:s7+$0x810]  }
0x116: {  	s25 =	sand.u32 $0x3, s10;
	s30 =	spop (v2sf);
	s9 =	sadd.s32 s2, s14  }
0x117: {  	s0 =	sshll.u32 s25, $0x5;
	s4 =	sand.u32 $0x3, s30;
	s31 =	spop (v2sf)  }
0x118: {  	s10 =	spop (v2sf);
	s7 =	sshll.u32 s5, $0x5;
	s5 =	sand.u32 $0x3, s31  }
0x119: {  	s30 =	sshll.u32 s4, $0x5;
	s14 =	sshll.u32 s5, $0x5;
	s5 =	sand.u32 $0x3, s10  }
0x11a: {  	s4 =	smov.u32 s12;
	[tilespmem:s15+$0x10] =	vst v1;
	s15 =	sshll.u32 s5, $0x5;
	s25 =	spop (v2sf)  }
0x11b: {  	s7 =	sadd.s32 s2, s7;
	(v2sf) =	vpush v0, $0xF;
	[dreg:$0x11] =	wrdreg s15;
	v0 =	vld [tilespmem:s9+$0x880];
	s5 =	sand.u32 $0x3, s25  }
0x11c: {  	s31 =	spop (v2sf);
	s25 =	smulhi.u32 $0x51EB851F, s8;
	s10 =	sshll.u32 s5, $0x5  }
0x11d: {  	s15 =	sand.u32 $0x3, s31;
	s31 =	spop (v2sf);
	s5 =	smov.u32 s11  }
0x11e: {  	[dreg:$0x10] =	wrdreg s10;
	s31 =	sand.u32 $0x3, s31;
	s10 =	spop (v2sf)  }
0x11f: {  	s12 =	sshrl.u32 s25, $0x4;
	s25 =	smov.u32 s13;
	s29 =	sshll.u32 s31, $0x5  }
0x120: {  	s31 =	sadd.s32 $0x2, s22;
	s11 =	spop (v2sf);
	s13 =	smul.u32 $0x3200, s12;
	[tilespmem:s23+$0x0] =	vst v0  }
0x121: {  	s12 =	sshll.u32 s12, $0x6;
	s31 =	sand.u32 $0xFFFE, s31;
	s11 =	sand.u32 $0x3, s11;
	v0 =	vld [tilespmem:s9+$0x890]  }
0x122: {  	s8 =	spop (v2sf);
	s31 =	sshrl.u32 s31, $0x1;
	s9 =	sshll.u32 s11, $0x5  }
0x123: {  	s31 =	smul.u32 $0x147B, s31;
	s11 =	sand.u32 $0x3, s8;
	s8 =	spop (v2sf)  }
0x124: {  	s13 =	ssub.s32 s1, s13;
	s11 =	sshll.u32 s11, $0x5;
	s8 =	sand.u32 $0x3, s8  }
0x125: {  	[dreg:$0xc] =	wrdreg s11;
	s11 =	sadd.s32 s19, s12;
	s12 =	sshrl.u32 s31, $0x14  }
0x126: {  	s13 =	sadd.s32 $0xFFFFF300, s13;
	s8 =	sshll.u32 s8, $0x5;
	s12 =	smul.u32 $0xD000, s12;
	[tilespmem:s23+$0x10] =	vst v0  }
0x127: {  	s13 =	sand.u32 $0xFFFFFC00, s13;
	s11 =	sadd.s32 $0xFFFFFE60, s11;
	[dreg:$0xb] =	wrdreg s8;
	v0 =	vld [tilespmem:s7+$0x900]  }
0x128: {  	s8 =	sand.u32 $0x40, s11;
	s23 =	smov.u32 s24;
	s12 =	sshrl.u32 s12, $0x2  }
0x129: {  	s24 =	smov.u32 s26;
	s26 =	sshrl.u32 s31, $0xA;
	s12 =	sadd.s32 s13, s12  }
0x12a: {  	s11 =	sand.u32 $0x380, s26;
	s8 =	sor.u32 s8, s12  }
0x12b: {  	s31 =	spop (v2sf);
	s8 =	sor.u32 s11, s8  }
0x12c: {  	s13 =	sadd.s32 $0x3, s22;
	s12 =	sand.u32 $0x3, s31;
	[tilespmem:s8+$0x19800] =	vst v0  }
0x12d: {  	s31 =	smulhi.u32 $0x51EB851F, s23;
	s26 =	sshll.u32 s12, $0x5;
	s12 =	sand.u32 $0xFFFE, s13;
	v0 =	vld [tilespmem:s7+$0x910]  }
0x12e: {  	s12 =	sshrl.u32 s12, $0x1  }
0x12f: {  	s11 =	sshrl.u32 s31, $0x4;
	s7 =	smul.u32 $0x147B, s12  }
0x130: {  	s13 =	smul.u32 $0x3200, s11  }
0x131: {  	s6 =	sadd.s32 s2, s6;
	s8 =	sadd.s32 $0x19800, s8;
	s31 =	sshrl.u32 s7, $0x14  }
0x132: {  	s11 =	sshll.u32 s11, $0x6;
	s12 =	ssub.s32 s1, s13;
	s13 =	smul.u32 $0xD000, s31;
	[tilespmem:s8+$0x10] =	vst v0  }
0x133: {  	s11 =	sadd.s32 s19, s11;
	s12 =	sadd.s32 $0xFFFFF400, s12;
	v0 =	vld [tilespmem:s6+$0x980]  }
0x134: {  	s8 =	sadd.s32 $0xFFFFFE80, s11;
	s11 =	sand.u32 $0xFFFFFC00, s12;
	s31 =	sshrl.u32 s13, $0x2  }
0x135: {  	s7 =	sshrl.u32 s7, $0xA;
	s8 =	sand.u32 $0x60, s8;
	s11 =	sadd.s32 s11, s31  }
0x136: {  	s7 =	sand.u32 $0x380, s7;
	s8 =	sor.u32 s8, s11  }
0x137: {  	s7 =	sor.u32 s7, s8  }
0x138: {  	s13 =	sadd.s32 $0x4, s22;
	[tilespmem:s7+$0x19800] =	vst v0  }
0x139: {  	s31 =	smulhi.u32 $0x51EB851F, s28;
	s8 =	sand.u32 $0xFFFE, s13;
	v0 =	vld [tilespmem:s6+$0x990]  }
0x13a: {  	s12 =	sshrl.u32 s8, $0x1  }
0x13b: {  	s13 =	sshrl.u32 s31, $0x4;
	s6 =	smul.u32 $0x147B, s12  }
0x13c: {  	s8 =	smul.u32 $0x3200, s13  }
0x13d: {  	s7 =	sadd.s32 $0x19800, s7;
	s31 =	sshrl.u32 s6, $0x14  }
0x13e: {  	s0 =	sadd.s32 s2, s0;
	s8 =	ssub.s32 s1, s8;
	s12 =	smul.u32 $0xD000, s31;
	[tilespmem:s7+$0x10] =	vst v0  }
0x13f: {  	s13 =	sadd.s32 $0xFFFFF500, s8;
	v0 =	vld [tilespmem:s0+$0xA00]  }
0x140: {  	s11 =	sshrl.u32 s6, $0xB;
	s7 =	sand.u32 $0xFFFFFC00, s13;
	s31 =	sshrl.u32 s12, $0x2  }
0x141: {  	s6 =	sshrl.u32 s6, $0xA;
	s11 =	sand.u32 $0x40, s11;
	s7 =	sadd.s32 s7, s31  }
0x142: {  	s6 =	sand.u32 $0x380, s6;
	s7 =	sor.u32 s11, s7  }
0x143: {  	s6 =	sor.u32 s6, s7  }
0x144: {  	s8 =	sadd.s32 $0x5, s22;
	[tilespmem:s6+$0x19800] =	vst v0  }
0x145: {  	s11 =	smulhi.u32 $0x51EB851F, s24;
	s7 =	sand.u32 $0xFFFE, s8;
	v0 =	vld [tilespmem:s0+$0xA10]  }
0x146: {  	s12 =	sshrl.u32 s7, $0x1  }
0x147: {  	s13 =	sshrl.u32 s11, $0x4;
	s0 =	smul.u32 $0x147B, s12  }
0x148: {  	s8 =	smul.u32 $0x3200, s13  }
0x149: {  	s7 =	sshll.u32 s13, $0x6;
	s6 =	sadd.s32 $0x19800, s6;
	s31 =	sshrl.u32 s0, $0x14  }
0x14a: {  	s12 =	sadd.s32 s2, s30;
	s8 =	ssub.s32 s1, s8;
	s11 =	smul.u32 $0xD000, s31;
	[tilespmem:s6+$0x10] =	vst v0  }
0x14b: {  	s7 =	sadd.s32 s19, s7;
	s30 =	sadd.s32 $0xFFFFF600, s8;
	v0 =	vld [tilespmem:s12+$0xA80]  }
0x14c: {  	s13 =	sadd.s32 $0xFFFFFEC0, s7;
	s7 =	sand.u32 $0xFFFFFC00, s30;
	s31 =	sshrl.u32 s11, $0x2  }
0x14d: {  	s0 =	sshrl.u32 s0, $0xA;
	s6 =	sand.u32 $0x60, s13;
	s7 =	sadd.s32 s7, s31  }
0x14e: {  	s0 =	sand.u32 $0x380, s0;
	s6 =	sor.u32 s6, s7  }
0x14f: {  	s13 =	smulhi.u32 $0x51EB851F, s25;
	s0 =	sor.u32 s0, s6  }
0x150: {  	s11 =	sadd.s32 $0x6, s22;
	[tilespmem:s0+$0x19800] =	vst v0  }
0x151: {  	s7 =	sshrl.u32 s13, $0x4;
	s6 =	sand.u32 $0xFFFE, s11;
	v0 =	vld [tilespmem:s12+$0xA90]  }
0x152: {  	s30 =	smul.u32 $0x3200, s7;
	s6 =	sshrl.u32 s6, $0x1  }
0x153: {  	s6 =	smul.u32 $0x147B, s6  }
0x154: {  	s7 =	sshll.u32 s7, $0x6  }
0x155: {  	s8 =	ssub.s32 s1, s30;
	s0 =	sadd.s32 $0x19800, s0;
	s31 =	sshrl.u32 s6, $0x14  }
0x156: {  	s12 =	smov.u32 s4;
	s4 =	sadd.s32 s2, s14;
	s11 =	smul.u32 $0xD000, s31;
	[tilespmem:s0+$0x10] =	vst v0  }
0x157: {  	s7 =	sadd.s32 s19, s7;
	s30 =	sadd.s32 $0xFFFFF700, s8;
	v0 =	vld [tilespmem:s4+$0xB00]  }
0x158: {  	s13 =	sadd.s32 $0xFFFFFEE0, s7;
	s7 =	sand.u32 $0xFFFFFC00, s30;
	s31 =	sshrl.u32 s11, $0x2  }
0x159: {  	s6 =	sshrl.u32 s6, $0xA;
	s7 =	sadd.s32 s7, s31;
	s0 =	sand.u32 $0x40, s13  }
0x15a: {  	s6 =	sand.u32 $0x380, s6;
	s0 =	sor.u32 s0, s7  }
0x15b: {  	s0 =	sor.u32 s6, s0  }
0x15c: {  	s14 =	rddreg [dreg:$0x9];
	s7 =	sadd.s32 $0x7, s22;
	[tilespmem:s0+$0x19800] =	vst v0  }
0x15d: {  	s8 =	smulhi.u32 $0x51EB851F, s14;
	s6 =	sand.u32 $0xFFFE, s7;
	v0 =	vld [tilespmem:s4+$0xB10]  }
0x15e: {  	s11 =	sshrl.u32 s6, $0x1  }
0x15f: {  	s13 =	sshrl.u32 s8, $0x4;
	s4 =	smul.u32 $0x147B, s11  }
0x160: {  	s31 =	rddreg [dreg:$0x11];
	s7 =	smul.u32 $0x3200, s13  }
0x161: {  	s6 =	sshll.u32 s13, $0x6;
	s0 =	sadd.s32 $0x19800, s0;
	s30 =	sshrl.u32 s4, $0x14  }
0x162: {  	s7 =	ssub.s32 s1, s7;
	s11 =	sadd.s32 s2, s31;
	s8 =	smul.u32 $0xD000, s30;
	[tilespmem:s0+$0x10] =	vst v0  }
0x163: {  	s6 =	sadd.s32 s19, s6;
	s30 =	sadd.s32 $0xFFFFF800, s7;
	v0 =	vld [tilespmem:s11+$0xB80]  }
0x164: {  	s13 =	sadd.s32 $0xFFFFFF00, s6;
	s6 =	sand.u32 $0xFFFFFC00, s30;
	s31 =	sshrl.u32 s8, $0x2  }
0x165: {  	s4 =	sshrl.u32 s4, $0xA;
	s0 =	sand.u32 $0x60, s13;
	s6 =	sadd.s32 s6, s31  }
0x166: {  	s4 =	sand.u32 $0x380, s4;
	s0 =	sor.u32 s0, s6  }
0x167: {  	s13 =	smulhi.u32 $0x51EB851F, s12;
	s0 =	sor.u32 s4, s0  }
0x168: {  	s8 =	sadd.s32 $0x8, s22;
	[tilespmem:s0+$0x19800] =	vst v0  }
0x169: {  	s6 =	sshrl.u32 s13, $0x4;
	s4 =	sand.u32 $0xFFFE, s8;
	v0 =	vld [tilespmem:s11+$0xB90]  }
0x16a: {  	s6 =	smul.u32 $0x3200, s6;
	s4 =	sshrl.u32 s4, $0x1  }
0x16b: {  	s4 =	smul.u32 $0x147B, s4  }
0x16c: {  	s31 =	rddreg [dreg:$0x10]  }
0x16d: {  	s6 =	ssub.s32 s1, s6;
	s0 =	sadd.s32 $0x19800, s0;
	s30 =	sshrl.u32 s4, $0x14  }
0x16e: {  	s11 =	smov.u32 s5;
	s5 =	sadd.s32 s2, s31;
	s8 =	smul.u32 $0xD000, s30;
	[tilespmem:s0+$0x10] =	vst v0  }
0x16f: {  	s6 =	sadd.s32 $0xFFFFF900, s6;
	v0 =	vld [tilespmem:s5+$0xC00]  }
0x170: {  	s7 =	sshrl.u32 s4, $0xB;
	s13 =	sshrl.u32 s8, $0x2;
	s0 =	sand.u32 $0xFFFFFC00, s6  }
0x171: {  	s4 =	sshrl.u32 s4, $0xA;
	s7 =	sand.u32 $0x40, s7;
	s0 =	sadd.s32 s0, s13  }
0x172: {  	s4 =	sand.u32 $0x380, s4;
	s0 =	sor.u32 s7, s0  }
0x173: {  	s0 =	sor.u32 s4, s0  }
0x174: {  	s30 =	sadd.s32 $0x9, s22;
	[tilespmem:s0+$0x19800] =	vst v0  }
0x175: {  	s31 =	smulhi.u32 $0x51EB851F, s11;
	s4 =	sand.u32 $0xFFFE, s30;
	v0 =	vld [tilespmem:s5+$0xC10]  }
0x176: {  	s4 =	sshrl.u32 s4, $0x1  }
0x177: {  	s7 =	sshrl.u32 s31, $0x4;
	s4 =	smul.u32 $0x147B, s4  }
0x178: {  	s15 =	sshll.u32 s15, $0x5;
	s6 =	smul.u32 $0x3200, s7  }
0x179: {  	s13 =	sadd.s32 s2, s15;
	s0 =	sadd.s32 $0x19800, s0;
	s8 =	sshrl.u32 s4, $0x14  }
0x17a: {  	s6 =	ssub.s32 s1, s6;
	s5 =	sshll.u32 s7, $0x6;
	s7 =	smul.u32 $0xD000, s8;
	[tilespmem:s0+$0x10] =	vst v0  }
0x17b: {  	s30 =	sadd.s32 $0xFFFFFA00, s6;
	s5 =	sadd.s32 s19, s5;
	v0 =	vld [tilespmem:s13+$0xC80]  }
0x17c: {  	s15 =	sadd.s32 $0xFFFFFF40, s5;
	s5 =	sand.u32 $0xFFFFFC00, s30;
	s31 =	sshrl.u32 s7, $0x2  }
0x17d: {  	s4 =	sshrl.u32 s4, $0xA;
	s5 =	sadd.s32 s5, s31;
	s0 =	sand.u32 $0x60, s15  }
0x17e: {  	s4 =	sand.u32 $0x380, s4;
	s0 =	sor.u32 s0, s5  }
0x17f: {  	s0 =	sor.u32 s4, s0  }
0x180: {  	s6 =	sadd.s32 $0xA, s22;
	[tilespmem:s0+$0x19800] =	vst v0  }
0x181: {  	s7 =	smulhi.u32 $0x51EB851F, s18;
	s4 =	sand.u32 $0xFFFE, s6;
	v0 =	vld [tilespmem:s13+$0xC90]  }
0x182: {  	s4 =	sshrl.u32 s4, $0x1  }
0x183: {  	s5 =	sshrl.u32 s7, $0x4;
	s4 =	smul.u32 $0x147B, s4  }
0x184: {  	s8 =	smul.u32 $0x3200, s5  }
0x185: {  	s15 =	sadd.s32 s2, s29;
	s0 =	sadd.s32 $0x19800, s0;
	s13 =	sshrl.u32 s4, $0x14  }
0x186: {  	s5 =	sshll.u32 s5, $0x6;
	s6 =	ssub.s32 s1, s8;
	s7 =	smul.u32 $0xD000, s13;
	[tilespmem:s0+$0x10] =	vst v0  }
0x187: {  	s5 =	sadd.s32 s19, s5;
	s30 =	sadd.s32 $0xFFFFFB00, s6;
	v0 =	vld [tilespmem:s15+$0xD00]  }
0x188: {  	s29 =	sadd.s32 $0xFFFFFF60, s5;
	s5 =	sand.u32 $0xFFFFFC00, s30;
	s31 =	sshrl.u32 s7, $0x2  }
0x189: {  	s4 =	sshrl.u32 s4, $0xA;
	s5 =	sadd.s32 s5, s31;
	s0 =	sand.u32 $0x40, s29  }
0x18a: {  	s4 =	sand.u32 $0x380, s4;
	s0 =	sor.u32 s0, s5  }
0x18b: {  	s0 =	sor.u32 s4, s0  }
0x18c: {  	s6 =	sadd.s32 $0xB, s22;
	[tilespmem:s0+$0x19800] =	vst v0  }
0x18d: {  	s7 =	smulhi.u32 $0x51EB851F, s17;
	s4 =	sand.u32 $0xFFFE, s6;
	v0 =	vld [tilespmem:s15+$0xD10]  }
0x18e: {  	s4 =	sshrl.u32 s4, $0x1  }
0x18f: {  	s10 =	sand.u32 $0x3, s10;
	s5 =	sshrl.u32 s7, $0x4;
	s4 =	smul.u32 $0x147B, s4  }
0x190: {  	s10 =	sshll.u32 s10, $0x5;
	s8 =	smul.u32 $0x3200, s5  }
0x191: {  	s5 =	sshll.u32 s5, $0x6;
	s0 =	sadd.s32 $0x19800, s0;
	s13 =	sshrl.u32 s4, $0x14  }
0x192: {  	s6 =	ssub.s32 s1, s8;
	s15 =	sadd.s32 s2, s10;
	s7 =	smul.u32 $0xD000, s13;
	[tilespmem:s0+$0x10] =	vst v0  }
0x193: {  	s5 =	sadd.s32 s19, s5;
	s30 =	sadd.s32 $0xFFFFFC00, s6;
	v0 =	vld [tilespmem:s15+$0xD80]  }
0x194: {  	s29 =	sadd.s32 $0xFFFFFF80, s5;
	s5 =	sand.u32 $0xFFFFFC00, s30;
	s31 =	sshrl.u32 s7, $0x2  }
0x195: {  	s4 =	sshrl.u32 s4, $0xA;
	s5 =	sadd.s32 s5, s31;
	s0 =	sand.u32 $0x60, s29  }
0x196: {  	s4 =	sand.u32 $0x380, s4;
	s0 =	sor.u32 s0, s5  }
0x197: {  	s0 =	sor.u32 s4, s0  }
0x198: {  	s7 =	sadd.s32 $0xC, s22;
	[tilespmem:s0+$0x19800] =	vst v0  }
0x199: {  	s10 =	smulhi.u32 $0x51EB851F, s16;
	s4 =	sand.u32 $0xFFFE, s7;
	v0 =	vld [tilespmem:s15+$0xD90]  }
0x19a: {  	s4 =	sshrl.u32 s4, $0x1  }
0x19b: {  	s5 =	sshrl.u32 s10, $0x4;
	s4 =	smul.u32 $0x147B, s4  }
0x19c: {  	s5 =	smul.u32 $0x3200, s5  }
0x19d: {  	s0 =	sadd.s32 $0x19800, s0;
	s15 =	sshrl.u32 s4, $0x14  }
0x19e: {  	s29 =	sadd.s32 s2, s9;
	s5 =	ssub.s32 s1, s5;
	s7 =	smul.u32 $0xD000, s15;
	[tilespmem:s0+$0x10] =	vst v0  }
0x19f: {  	s30 =	sadd.s32 $0xFFFFFD00, s5;
	v0 =	vld [tilespmem:s29+$0xE00]  }
0x1a0: {  	s13 =	sshrl.u32 s4, $0xB;
	s31 =	sshrl.u32 s7, $0x2;
	s0 =	sand.u32 $0xFFFFFC00, s30  }
0x1a1: {  	s6 =	sand.u32 $0x40, s13;
	s4 =	sshrl.u32 s4, $0xA;
	s0 =	sadd.s32 s0, s31  }
0x1a2: {  	s4 =	sand.u32 $0x380, s4;
	s0 =	sor.u32 s6, s0  }
0x1a3: {  	s0 =	sor.u32 s4, s0  }
0x1a4: {  	s7 =	sadd.s32 $0xD, s22;
	[tilespmem:s0+$0x19800] =	vst v0  }
0x1a5: {  	s10 =	smulhi.u32 $0x51EB851F, s21;
	s4 =	sand.u32 $0xFFFE, s7;
	v0 =	vld [tilespmem:s29+$0xE10]  }
0x1a6: {  	s4 =	sshrl.u32 s4, $0x1  }
0x1a7: {  	s5 =	sshrl.u32 s10, $0x4;
	s4 =	smul.u32 $0x147B, s4  }
0x1a8: {  	s13 =	smul.u32 $0x3200, s5;
	s5 =	sshll.u32 s5, $0x6  }
0x1a9: {  	s0 =	sadd.s32 $0x19800, s0;
	s15 =	sshrl.u32 s4, $0x14;
	s29 =	rddreg [dreg:$0xc]  }
0x1aa: {  	s6 =	ssub.s32 s1, s13;
	s8 =	sadd.s32 s2, s29;
	s7 =	smul.u32 $0xD000, s15;
	[tilespmem:s0+$0x10] =	vst v0  }
0x1ab: {  	s5 =	sadd.s32 s19, s5;
	s30 =	sadd.s32 $0xFFFFFE00, s6;
	v0 =	vld [tilespmem:s8+$0xE80]  }
0x1ac: {  	s5 =	sadd.s32 $0xFFFFFFC0, s5;
	s31 =	sshrl.u32 s7, $0x2;
	s0 =	sand.u32 $0xFFFFFC00, s30  }
0x1ad: {  	s5 =	sand.u32 $0x60, s5;
	s4 =	sshrl.u32 s4, $0xA;
	s0 =	sadd.s32 s0, s31  }
0x1ae: {  	s4 =	sand.u32 $0x380, s4;
	s0 =	sor.u32 s5, s0  }
0x1af: {  	s0 =	sor.u32 s4, s0  }
0x1b0: {  	s7 =	sadd.s32 $0xE, s22;
	[tilespmem:s0+$0x19800] =	vst v0  }
0x1b1: {  	s10 =	smulhi.u32 $0x51EB851F, s20;
	s4 =	sand.u32 $0xFFFE, s7;
	v0 =	vld [tilespmem:s8+$0xE90]  }
0x1b2: {  	s4 =	sshrl.u32 s4, $0x1  }
0x1b3: {  	s5 =	sshrl.u32 s10, $0x4;
	s4 =	smul.u32 $0x147B, s4  }
0x1b4: {  	s29 =	rddreg [dreg:$0xb];
	s13 =	smul.u32 $0x3200, s5  }
0x1b5: {  	s5 =	sshll.u32 s5, $0x6;
	s0 =	sadd.s32 $0x19800, s0;
	s15 =	sshrl.u32 s4, $0x14  }
0x1b6: {  	s6 =	ssub.s32 s1, s13;
	s8 =	sadd.s32 s2, s29;
	s7 =	smul.u32 $0xD000, s15;
	[tilespmem:s0+$0x10] =	vst v0  }
0x1b7: {  	s5 =	sadd.s32 s19, s5;
	s30 =	sadd.s32 $0xFFFFFF00, s6;
	v0 =	vld [tilespmem:s8+$0xF00]  }
0x1b8: {  	s5 =	sadd.s32 $0xFFFFFFE0, s5;
	s31 =	sshrl.u32 s7, $0x2;
	s0 =	sand.u32 $0xFFFFFC00, s30  }
0x1b9: {  	s5 =	sand.u32 $0x40, s5;
	s4 =	sshrl.u32 s4, $0xA;
	s0 =	sadd.s32 s0, s31  }
0x1ba: {  	s4 =	sand.u32 $0x380, s4;
	s0 =	sor.u32 s5, s0  }
0x1bb: {  	p0 =	sne.s32 s3, $0x30000;
	s0 =	sor.u32 s4, s0  }
0x1bc: {  	s3 =	sadd.s32 $0x2000, s3;
	s23 =	sadd.s32 $0x10, s23;
	s6 =	sadd.s32 $0xF, s22;
	[tilespmem:s0+$0x19800] =	vst v0  }
0x1bd: {  	s28 =	sadd.s32 $0x10, s28;
	s9 =	rddreg [dreg:$0x3];
	s4 =	sand.u32 $0xFFFE, s6;
	v0 =	vld [tilespmem:s8+$0xF10]  }
0x1be: {  	s24 =	sadd.s32 $0x10, s24;
	s7 =	smulhi.u32 $0x51EB851F, s9;
	s4 =	sshrl.u32 s4, $0x1  }
0x1bf: {  	s14 =	sadd.s32 $0x10, s14;
	s12 =	sadd.s32 $0x10, s12;
	s4 =	smul.u32 $0x147B, s4  }
0x1c0: {  	s11 =	sadd.s32 $0x10, s11;
	s18 =	sadd.s32 $0x10, s18;
	s5 =	sshrl.u32 s7, $0x4  }
0x1c1: {  	s13 =	smul.u32 $0x3200, s5;
	s0 =	sadd.s32 $0x19800, s0;
	s15 =	sshrl.u32 s4, $0x14  }
0x1c2: {  	s2 =	sadd.s32 s2, s26;
	s5 =	sshll.u32 s5, $0x6;
	s7 =	smul.u32 $0xD000, s15;
	[tilespmem:s0+$0x10] =	vst v0  }
0x1c3: {  	s17 =	sadd.s32 $0x10, s17;
	s5 =	sadd.s32 s19, s5;
	s29 =	ssub.s32 s1, s13;
	v0 =	vld [tilespmem:s2+$0xF80]  }
0x1c4: {  	s5 =	sand.u32 $0x60, s5;
	s30 =	sshrl.u32 s7, $0x2;
	s0 =	sand.u32 $0xFFFFFC00, s29  }
.Ltmp2:
0x1c5: {  	s4 =	sshrl.u32 s4, $0xA;
	s0 =	sadd.s32 s0, s30;
	(pc) =	sbr.rel @p0 .LBB2_7-.Ltmp2, $4  }
0x1c6: {  	s16 =	sadd.s32 $0x10, s16;
	s4 =	sand.u32 $0x380, s4;
	s0 =	sor.u32 s5, s0  }
0x1c7: {  	s21 =	sadd.s32 $0x10, s21;
	s10 =	rddreg [dreg:$0x7];
	s0 =	sor.u32 s4, s0  }
0x1c8: {  	s20 =	sadd.s32 $0x10, s20;
	s31 =	rddreg [dreg:$0x5];
	s19 =	sadd.s32 $0x200, s19;
	[tilespmem:s0+$0x19800] =	vst v0  }
0x1c9: {  	s13 =	sadd.s32 $0x10, s25;
	s8 =	sadd.s32 $0x10, s10;
	s4 =	sadd.s32 $0x10, s31;
	v0 =	vld [tilespmem:s2+$0xF90]  }
0x1ca: {  	s3 =	rddreg [dreg:$0x1d]  }
0x1cb: {  	s2 =	rddreg [dreg:$0x15];
	s1 =	sshll.u32 s3, $0x4  }
0x1cc: {  	s1 =	sor.u32 s2, s1  }
0x1cd: {  	s0 =	sadd.s32 $0x19800, s0;
	s3 =	sshll.u32 s3, $0x1;
	s1 =	sshrl.u32 s1, $0x3  }
0x1ce: {  	s25 =	rddreg [dreg:$0x14];
	s24 =	sadd.s32 $0x2, s3;
	s23 =	smul.u32 $0x680, s1  }
0x1cf: {  	s26 =	simm.s32 $0x0;
	s28 =	simm.s32 $0x19800;
	s1 =	sand.u32 $0x3E, s24  }
0x1d0: {  	s29 =	rddreg [dreg:$0x12];
	[tilespmem:s0+$0x10] =	vst v0;
	s1 =	smul.u32 $0x190, s1;
	s0 =	sadd.s32 s25, s23  }
0x1d1: {  	[hbm4b:s0+s26] =	stream.linear.scatter [tilespmem:s28], [sflag:$0x3], $0x3400, $0x38;
	v63 =	vld [tilespmem:$0x0]  }
0x1d2: {  	s30 =	rddreg [dreg:$0x1];
	s0 =	sadd.s32 s29, s1  }
0x1d3: {  	[dreg:$0x1f] =	wrdreg s3;
	s0 =	sshrl.u32 s0, $0x3  }
0x1d4: {  	s31 =	simm.s32 $0x5;
	[dreg:$0x1e] =	wrdreg s23;
	s0 =	sadd.s32 s30, s0  }
0x1d5: {  	[tilespmem:s26], [sflag:$0x5] =	stream.linear.gather [hbm4b:s0+s26], $0x190, $0x38;
	v63 =	vld [tilespmem:$0x0]  }
0x1d6: {  	_ =	swait.ge [sflag:s31], $0x190  }
0x1d7: {  	[sflag:s31] =	ssyncset.done $0x0  }
0x1d8: {  	s0 =	simm.s32 $0x0;
	[sflag:s31] =	ssyncadd.s32 $0xFFFFFE70  }
0x1d9: {  	s1 =	simm.s32 $0x40;
	v0 =	vld [tilespmem:s0+$0x0]  }
.LBB2_9:
0x1da: {  	p0 =	sne.s32 s1, $0x600  }
.Ltmp3:
0x1db: {  	_ = 	snop;
	(pc) =	sbr.rel @p0 .LBB2_9-.Ltmp3, $3  }
0x1dc: {  	_ =	sdelay $0x1  }
0x1dd: {  	s2 =	sshra.s32 s1, $0x2;
	s1 =	sadd.s32 $0x40, s1;
	v1 =	vshrl.u32 v0, $0x2  }
0x1de: {  	v0 =	vld [tilespmem:s2+$0x0];
	[tilespmem:s0+$0x400] =	vst v1;
	s0 =	smov.u32 s2  }
0x1df: {  	_ =	sdelay $0x3  }
0x1e0: {  	s20 =	rddreg [dreg:$0x13];
	s1 =	simm.s32 $0x190;
	v0 =	vshrl.u32 v0, $0x2  }
0x1e1: {  	s2 =	simm.s32 $0x400;
	s3 =	simm.s32 $0x800;
	s21 =	simm.s32 $0x2;
	[tilespmem:s0+$0x400] =	vst v0  }
0x1e2: {  	[tilespmem:s3], [sflag:$0x1] =	stream.indirect.gather [hbm4b:s20+s1], $0x80, s2, s1, $0xb8;
	v63 =	vld [tilespmem:$0x0]  }
0x1e3: {  	_ =	swait.ge [sflag:s21], $0xC800  }
0x1e4: {  	[sflag:s21] =	ssyncset.done $0x0  }
0x1e5: {  	s22 =	simm.s32 $0x4;
	[sflag:s21] =	ssyncadd.s32 $0xFFFF3800  }
0x1e6: {  	_ =	swait.ge [sflag:s22], $0x3400  }
0x1e7: {  	[sflag:s22] =	ssyncset.done $0x0  }
0x1e8: {  	s23 =	simm.s32 $0x200;
	[sflag:s22] =	ssyncadd.s32 $0xFFFFCC00  }
0x1e9: {  	v0 =	vld [tilespmem:s23+$0x0];
	_ =	sdelay $0x4  }
0x1ea: {  	(v2sf) =	vpush v0, $0x0;
	_ =	sdelay $0xa  }
0x1eb: {  	s1 =	simm.s32 $0x0  }
0x1ec: {  	s24 =	sand.u32 $0xFFFE, s1;
	(v2sf) =	vpush v0, $0x1  }
0x1ed: {  	s4 =	smulhi.u32 $0x51EB851F, s1;
	s3 =	sshrl.u32 s24, $0x1  }
0x1ee: {  	s3 =	smul.u32 $0x147B, s3  }
0x1ef: {  	s4 =	sshrl.u32 s4, $0x4;
	s5 =	spop (v2sf)  }
0x1f0: {  	s6 =	smul.u32 $0x3200, s4;
	s7 =	sshrl.u32 s3, $0x14;
	s5 =	sand.u32 $0x3, s5  }
0x1f1: {  	s7 =	smul.u32 $0xD000, s7;
	s5 =	sshll.u32 s5, $0x5  }
0x1f2: {  	s6 =	ssub.s32 $0xF00, s6;
	s5 =	sadd.s32 $0x0, s5  }
0x1f3: {  	s8 =	sadd.s32 $0xFFFFF100, s6;
	s7 =	sshrl.u32 s7, $0x2;
	v1 =	vld [tilespmem:s5+$0xD000]  }
0x1f4: {  	s9 =	sshrl.u32 s3, $0xB;
	s8 =	sand.u32 $0xFFFFFC00, s8;
	s7 =	sadd.s32 $0x1CC00, s7  }
0x1f5: {  	s3 =	sshrl.u32 s3, $0xA;
	s9 =	sand.u32 $0x40, s9;
	s8 =	sadd.s32 s8, s7  }
0x1f6: {  	s3 =	sand.u32 $0x380, s3;
	s8 =	sor.u32 s9, s8  }
0x1f7: {  	s8 =	sor.u32 s3, s8  }
0x1f8: {  	(v2sf) =	vpush v0, $0x2;
	[tilespmem:s8+$0x0] =	vst v1  }
0x1f9: {  	v1 =	vld [tilespmem:s5+$0xD010];
	_ =	sdelay $0x1  }
0x1fa: {  	s25 =	spop (v2sf)  }
0x1fb: {  	s5 =	sand.u32 $0x3, s25  }
0x1fc: {  	s5 =	sshll.u32 s5, $0x5  }
0x1fd: {  	s4 =	sshll.u32 s4, $0x6;
	s5 =	sadd.s32 $0x0, s5;
	[tilespmem:s8+$0x10] =	vst v1  }
0x1fe: {  	s4 =	sadd.s32 $0x1E0, s4;
	s6 =	sadd.s32 $0xFFFFF200, s6;
	v1 =	vld [tilespmem:s5+$0xD080]  }
0x1ff: {  	s4 =	sadd.s32 $0xFFFFFE40, s4;
	s6 =	sand.u32 $0xFFFFFC00, s6  }
0x200: {  	s4 =	sand.u32 $0x60, s4;
	s6 =	sadd.s32 s6, s7  }
0x201: {  	s4 =	sor.u32 s4, s6  }
0x202: {  	s3 =	sor.u32 s3, s4  }
0x203: {  	s26 =	simm.s32 $0x2;
	(v2sf) =	vpush v0, $0x3;
	[tilespmem:s3+$0x0] =	vst v1  }
0x204: {  	s2 =	smulhi.u32 $0x51EB851F, s21;
	s4 =	sand.u32 $0xFFFE, s26;
	v1 =	vld [tilespmem:s5+$0xD090]  }
0x205: {  	s4 =	sshrl.u32 s4, $0x1  }
0x206: {  	s2 =	sshrl.u32 s2, $0x4;
	s4 =	smul.u32 $0x147B, s4;
	s29 =	spop (v2sf)  }
0x207: {  	s30 =	smul.u32 $0x3200, s2;
	s5 =	sand.u32 $0x3, s29  }
0x208: {  	s2 =	sshll.u32 s2, $0x6;
	s31 =	sshrl.u32 s4, $0x14;
	s5 =	sshll.u32 s5, $0x5  }
0x209: {  	s6 =	ssub.s32 $0xF00, s30;
	s7 =	smul.u32 $0xD000, s31;
	s5 =	sadd.s32 $0x0, s5;
	[tilespmem:s3+$0x10] =	vst v1  }
0x20a: {  	s2 =	sadd.s32 $0x1E0, s2;
	s6 =	sadd.s32 $0xFFFFF300, s6;
	v1 =	vld [tilespmem:s5+$0xD100]  }
0x20b: {  	s2 =	sadd.s32 $0xFFFFFE60, s2;
	s7 =	sshrl.u32 s7, $0x2;
	s3 =	sand.u32 $0xFFFFFC00, s6  }
0x20c: {  	s2 =	sand.u32 $0x40, s2;
	s4 =	sshrl.u32 s4, $0xA;
	s3 =	sadd.s32 s3, s7  }
0x20d: {  	s4 =	sand.u32 $0x380, s4;
	s2 =	sor.u32 s2, s3  }
0x20e: {  	s2 =	sor.u32 s4, s2  }
0x20f: {  	s9 =	simm.s32 $0x3;
	s8 =	simm.s32 $0x3;
	(v2sf) =	vpush v0, $0x4;
	[tilespmem:s2+$0x1CC00] =	vst v1  }
0x210: {  	s3 =	smulhi.u32 $0x51EB851F, s8;
	s4 =	sand.u32 $0xFFFE, s9;
	v1 =	vld [tilespmem:s5+$0xD110]  }
0x211: {  	s4 =	sshrl.u32 s4, $0x1  }
0x212: {  	s10 =	spop (v2sf);
	s3 =	sshrl.u32 s3, $0x4;
	s4 =	smul.u32 $0x147B, s4  }
0x213: {  	s11 =	smul.u32 $0x3200, s3;
	s3 =	sshll.u32 s3, $0x6;
	s5 =	sand.u32 $0x3, s10  }
0x214: {  	s2 =	sadd.s32 $0x1CC00, s2;
	s12 =	sshrl.u32 s4, $0x14;
	s5 =	sshll.u32 s5, $0x5  }
0x215: {  	s6 =	ssub.s32 $0xF00, s11;
	s7 =	smul.u32 $0xD000, s12;
	s5 =	sadd.s32 $0x0, s5;
	[tilespmem:s2+$0x10] =	vst v1  }
0x216: {  	s13 =	sadd.s32 $0x1E0, s3;
	s14 =	sadd.s32 $0xFFFFF400, s6;
	v1 =	vld [tilespmem:s5+$0xD180]  }
0x217: {  	s3 =	sand.u32 $0xFFFFFC00, s14;
	s15 =	sshrl.u32 s7, $0x2;
	s2 =	sadd.s32 $0xFFFFFE80, s13  }
0x218: {  	s4 =	sshrl.u32 s4, $0xA;
	s3 =	sadd.s32 s3, s15;
	s2 =	sand.u32 $0x60, s2  }
0x219: {  	s4 =	sand.u32 $0x380, s4;
	s2 =	sor.u32 s2, s3  }
0x21a: {  	s2 =	sor.u32 s4, s2  }
0x21b: {  	s16 =	simm.s32 $0x4;
	(v2sf) =	vpush v0, $0x5;
	[tilespmem:s2+$0x1CC00] =	vst v1  }
0x21c: {  	s0 =	smulhi.u32 $0x51EB851F, s22;
	s3 =	sand.u32 $0xFFFE, s16;
	v1 =	vld [tilespmem:s5+$0xD190]  }
0x21d: {  	s3 =	sshrl.u32 s3, $0x1  }
0x21e: {  	s0 =	sshrl.u32 s0, $0x4;
	s17 =	spop (v2sf);
	s3 =	smul.u32 $0x147B, s3  }
0x21f: {  	s0 =	smul.u32 $0x3200, s0;
	s4 =	sand.u32 $0x3, s17  }
0x220: {  	s4 =	sshll.u32 s4, $0x5;
	s2 =	sadd.s32 $0x1CC00, s2;
	s18 =	sshrl.u32 s3, $0x14  }
0x221: {  	s0 =	ssub.s32 $0xF00, s0;
	s4 =	sadd.s32 $0x0, s4;
	s5 =	smul.u32 $0xD000, s18;
	[tilespmem:s2+$0x10] =	vst v1  }
0x222: {  	s0 =	sadd.s32 $0xFFFFF500, s0;
	v1 =	vld [tilespmem:s4+$0xD200]  }
0x223: {  	s0 =	sand.u32 $0xFFFFFC00, s0;
	s19 =	sshrl.u32 s3, $0xB;
	s5 =	sshrl.u32 s5, $0x2  }
0x224: {  	s3 =	sshrl.u32 s3, $0xA;
	s0 =	sadd.s32 s0, s5;
	s2 =	sand.u32 $0x40, s19  }
0x225: {  	s3 =	sand.u32 $0x380, s3;
	s0 =	sor.u32 s2, s0  }
0x226: {  	s0 =	sor.u32 s3, s0  }
0x227: {  	s20 =	simm.s32 $0x5;
	s21 =	simm.s32 $0x5;
	(v2sf) =	vpush v0, $0x6;
	[tilespmem:s0+$0x1CC00] =	vst v1  }
0x228: {  	s2 =	smulhi.u32 $0x51EB851F, s20;
	s3 =	sand.u32 $0xFFFE, s21;
	v1 =	vld [tilespmem:s4+$0xD210]  }
0x229: {  	s3 =	sshrl.u32 s3, $0x1  }
0x22a: {  	s22 =	spop (v2sf);
	s2 =	sshrl.u32 s2, $0x4;
	s3 =	smul.u32 $0x147B, s3  }
0x22b: {  	s23 =	smul.u32 $0x3200, s2;
	s2 =	sshll.u32 s2, $0x6;
	s4 =	sand.u32 $0x3, s22  }
0x22c: {  	s0 =	sadd.s32 $0x1CC00, s0;
	s24 =	sshrl.u32 s3, $0x14;
	s4 =	sshll.u32 s4, $0x5  }
0x22d: {  	s5 =	ssub.s32 $0xF00, s23;
	s6 =	smul.u32 $0xD000, s24;
	s4 =	sadd.s32 $0x0, s4;
	[tilespmem:s0+$0x10] =	vst v1  }
0x22e: {  	s25 =	sadd.s32 $0x1E0, s2;
	s26 =	sadd.s32 $0xFFFFF600, s5;
	v1 =	vld [tilespmem:s4+$0xD280]  }
0x22f: {  	s2 =	sand.u32 $0xFFFFFC00, s26;
	s29 =	sshrl.u32 s6, $0x2;
	s0 =	sadd.s32 $0xFFFFFEC0, s25  }
0x230: {  	s3 =	sshrl.u32 s3, $0xA;
	s2 =	sadd.s32 s2, s29;
	s0 =	sand.u32 $0x60, s0  }
0x231: {  	s3 =	sand.u32 $0x380, s3;
	s0 =	sor.u32 s0, s2  }
0x232: {  	s0 =	sor.u32 s3, s0  }
0x233: {  	s30 =	simm.s32 $0x6;
	s31 =	simm.s32 $0x6;
	(v2sf) =	vpush v0, $0x7;
	[tilespmem:s0+$0x1CC00] =	vst v1  }
0x234: {  	s2 =	smulhi.u32 $0x51EB851F, s30;
	s3 =	sand.u32 $0xFFFE, s31;
	v1 =	vld [tilespmem:s4+$0xD290]  }
0x235: {  	s3 =	sshrl.u32 s3, $0x1  }
0x236: {  	s5 =	spop (v2sf);
	s2 =	sshrl.u32 s2, $0x4;
	s3 =	smul.u32 $0x147B, s3  }
0x237: {  	s6 =	smul.u32 $0x3200, s2;
	s2 =	sshll.u32 s2, $0x6;
	s4 =	sand.u32 $0x3, s5  }
0x238: {  	s0 =	sadd.s32 $0x1CC00, s0;
	s7 =	sshrl.u32 s3, $0x14;
	s4 =	sshll.u32 s4, $0x5  }
0x239: {  	s5 =	ssub.s32 $0xF00, s6;
	s6 =	smul.u32 $0xD000, s7;
	s4 =	sadd.s32 $0x0, s4;
	[tilespmem:s0+$0x10] =	vst v1  }
0x23a: {  	s8 =	sadd.s32 $0x1E0, s2;
	s9 =	sadd.s32 $0xFFFFF700, s5;
	v1 =	vld [tilespmem:s4+$0xD300]  }
0x23b: {  	s2 =	sand.u32 $0xFFFFFC00, s9;
	s10 =	sshrl.u32 s6, $0x2;
	s0 =	sadd.s32 $0xFFFFFEE0, s8  }
0x23c: {  	s3 =	sshrl.u32 s3, $0xA;
	s2 =	sadd.s32 s2, s10;
	s0 =	sand.u32 $0x40, s0  }
0x23d: {  	s3 =	sand.u32 $0x380, s3;
	s0 =	sor.u32 s0, s2  }
0x23e: {  	s0 =	sor.u32 s3, s0  }
0x23f: {  	s11 =	simm.s32 $0x7;
	s12 =	simm.s32 $0x7;
	(v2sf) =	vpush v0, $0x8;
	[tilespmem:s0+$0x1CC00] =	vst v1  }
0x240: {  	s2 =	smulhi.u32 $0x51EB851F, s11;
	s3 =	sand.u32 $0xFFFE, s12;
	v1 =	vld [tilespmem:s4+$0xD310]  }
0x241: {  	s3 =	sshrl.u32 s3, $0x1  }
0x242: {  	s13 =	spop (v2sf);
	s2 =	sshrl.u32 s2, $0x4;
	s3 =	smul.u32 $0x147B, s3  }
0x243: {  	s14 =	smul.u32 $0x3200, s2;
	s2 =	sshll.u32 s2, $0x6;
	s4 =	sand.u32 $0x3, s13  }
0x244: {  	s0 =	sadd.s32 $0x1CC00, s0;
	s15 =	sshrl.u32 s3, $0x14;
	s4 =	sshll.u32 s4, $0x5  }
0x245: {  	s5 =	ssub.s32 $0xF00, s14;
	s6 =	smul.u32 $0xD000, s15;
	s4 =	sadd.s32 $0x0, s4;
	[tilespmem:s0+$0x10] =	vst v1  }
0x246: {  	s16 =	sadd.s32 $0x1E0, s2;
	s17 =	sadd.s32 $0xFFFFF800, s5;
	v1 =	vld [tilespmem:s4+$0xD380]  }
0x247: {  	s2 =	sand.u32 $0xFFFFFC00, s17;
	s18 =	sshrl.u32 s6, $0x2;
	s0 =	sadd.s32 $0xFFFFFF00, s16  }
0x248: {  	s3 =	sshrl.u32 s3, $0xA;
	s2 =	sadd.s32 s2, s18;
	s0 =	sand.u32 $0x60, s0  }
0x249: {  	s3 =	sand.u32 $0x380, s3;
	s0 =	sor.u32 s0, s2  }
0x24a: {  	s0 =	sor.u32 s3, s0  }
0x24b: {  	s19 =	simm.s32 $0x8;
	s20 =	simm.s32 $0x8;
	(v2sf) =	vpush v0, $0x9;
	[tilespmem:s0+$0x1CC00] =	vst v1  }
0x24c: {  	s2 =	smulhi.u32 $0x51EB851F, s19;
	s3 =	sand.u32 $0xFFFE, s20;
	v1 =	vld [tilespmem:s4+$0xD390]  }
0x24d: {  	s3 =	sshrl.u32 s3, $0x1  }
0x24e: {  	s21 =	spop (v2sf);
	s2 =	sshrl.u32 s2, $0x4;
	s3 =	smul.u32 $0x147B, s3  }
0x24f: {  	s2 =	smul.u32 $0x3200, s2;
	s4 =	sand.u32 $0x3, s21  }
0x250: {  	s0 =	sadd.s32 $0x1CC00, s0;
	s22 =	sshrl.u32 s3, $0x14;
	s4 =	sshll.u32 s4, $0x5  }
0x251: {  	s2 =	ssub.s32 $0xF00, s2;
	s5 =	smul.u32 $0xD000, s22;
	s4 =	sadd.s32 $0x0, s4;
	[tilespmem:s0+$0x10] =	vst v1  }
0x252: {  	s23 =	sadd.s32 $0xFFFFF900, s2;
	v1 =	vld [tilespmem:s4+$0xD400]  }
0x253: {  	s24 =	sshrl.u32 s3, $0xB;
	s5 =	sshrl.u32 s5, $0x2;
	s0 =	sand.u32 $0xFFFFFC00, s23  }
0x254: {  	s3 =	sshrl.u32 s3, $0xA;
	s2 =	sand.u32 $0x40, s24;
	s0 =	sadd.s32 s0, s5  }
0x255: {  	s3 =	sand.u32 $0x380, s3;
	s0 =	sor.u32 s2, s0  }
0x256: {  	s0 =	sor.u32 s3, s0  }
0x257: {  	s26 =	simm.s32 $0x9;
	s25 =	simm.s32 $0x9;
	(v2sf) =	vpush v0, $0xA;
	[tilespmem:s0+$0x1CC00] =	vst v1  }
0x258: {  	s2 =	smulhi.u32 $0x51EB851F, s25;
	s3 =	sand.u32 $0xFFFE, s26;
	v1 =	vld [tilespmem:s4+$0xD410]  }
0x259: {  	s3 =	sshrl.u32 s3, $0x1  }
0x25a: {  	s29 =	spop (v2sf);
	s2 =	sshrl.u32 s2, $0x4;
	s3 =	smul.u32 $0x147B, s3  }
0x25b: {  	s30 =	smul.u32 $0x3200, s2;
	s2 =	sshll.u32 s2, $0x6;
	s4 =	sand.u32 $0x3, s29  }
0x25c: {  	s0 =	sadd.s32 $0x1CC00, s0;
	s31 =	sshrl.u32 s3, $0x14;
	s4 =	sshll.u32 s4, $0x5  }
0x25d: {  	s5 =	ssub.s32 $0xF00, s30;
	s6 =	smul.u32 $0xD000, s31;
	s4 =	sadd.s32 $0x0, s4;
	[tilespmem:s0+$0x10] =	vst v1  }
0x25e: {  	s2 =	sadd.s32 $0x1E0, s2;
	s5 =	sadd.s32 $0xFFFFFA00, s5;
	v1 =	vld [tilespmem:s4+$0xD480]  }
0x25f: {  	s7 =	sshrl.u32 s6, $0x2;
	s0 =	sadd.s32 $0xFFFFFF40, s2;
	s2 =	sand.u32 $0xFFFFFC00, s5  }
0x260: {  	s3 =	sshrl.u32 s3, $0xA;
	s0 =	sand.u32 $0x60, s0;
	s2 =	sadd.s32 s2, s7  }
0x261: {  	s3 =	sand.u32 $0x380, s3;
	s0 =	sor.u32 s0, s2  }
0x262: {  	s0 =	sor.u32 s3, s0  }
0x263: {  	s9 =	simm.s32 $0xA;
	(v2sf) =	vpush v0, $0xB;
	s8 =	simm.s32 $0xA;
	[tilespmem:s0+$0x1CC00] =	vst v1  }
0x264: {  	s2 =	smulhi.u32 $0x51EB851F, s8;
	s3 =	sand.u32 $0xFFFE, s9;
	v1 =	vld [tilespmem:s4+$0xD490]  }
0x265: {  	s3 =	sshrl.u32 s3, $0x1  }
0x266: {  	s10 =	spop (v2sf);
	s2 =	sshrl.u32 s2, $0x4;
	s3 =	smul.u32 $0x147B, s3  }
0x267: {  	s11 =	smul.u32 $0x3200, s2;
	s2 =	sshll.u32 s2, $0x6;
	s4 =	sand.u32 $0x3, s10  }
0x268: {  	s0 =	sadd.s32 $0x1CC00, s0;
	s12 =	sshrl.u32 s3, $0x14;
	s4 =	sshll.u32 s4, $0x5  }
0x269: {  	s5 =	ssub.s32 $0xF00, s11;
	s6 =	smul.u32 $0xD000, s12;
	s4 =	sadd.s32 $0x0, s4;
	[tilespmem:s0+$0x10] =	vst v1  }
0x26a: {  	s13 =	sadd.s32 $0x1E0, s2;
	s14 =	sadd.s32 $0xFFFFFB00, s5;
	v1 =	vld [tilespmem:s4+$0xD500]  }
0x26b: {  	s2 =	sand.u32 $0xFFFFFC00, s14;
	s15 =	sshrl.u32 s6, $0x2;
	s0 =	sadd.s32 $0xFFFFFF60, s13  }
0x26c: {  	s3 =	sshrl.u32 s3, $0xA;
	s2 =	sadd.s32 s2, s15;
	s0 =	sand.u32 $0x40, s0  }
0x26d: {  	s3 =	sand.u32 $0x380, s3;
	s0 =	sor.u32 s0, s2  }
0x26e: {  	s0 =	sor.u32 s3, s0  }
0x26f: {  	s17 =	simm.s32 $0xB;
	s16 =	simm.s32 $0xB;
	(v2sf) =	vpush v0, $0xC;
	[tilespmem:s0+$0x1CC00] =	vst v1  }
0x270: {  	s2 =	smulhi.u32 $0x51EB851F, s16;
	s3 =	sand.u32 $0xFFFE, s17;
	v1 =	vld [tilespmem:s4+$0xD510]  }
0x271: {  	s3 =	sshrl.u32 s3, $0x1  }
0x272: {  	s18 =	spop (v2sf);
	s2 =	sshrl.u32 s2, $0x4;
	s3 =	smul.u32 $0x147B, s3  }
0x273: {  	s19 =	smul.u32 $0x3200, s2;
	s2 =	sshll.u32 s2, $0x6;
	s4 =	sand.u32 $0x3, s18  }
0x274: {  	s0 =	sadd.s32 $0x1CC00, s0;
	s20 =	sshrl.u32 s3, $0x14;
	s4 =	sshll.u32 s4, $0x5  }
0x275: {  	s5 =	ssub.s32 $0xF00, s19;
	s6 =	smul.u32 $0xD000, s20;
	s4 =	sadd.s32 $0x0, s4;
	[tilespmem:s0+$0x10] =	vst v1  }
0x276: {  	s21 =	sadd.s32 $0x1E0, s2;
	s22 =	sadd.s32 $0xFFFFFC00, s5;
	v1 =	vld [tilespmem:s4+$0xD580]  }
0x277: {  	s2 =	sand.u32 $0xFFFFFC00, s22;
	s23 =	sshrl.u32 s6, $0x2;
	s0 =	sadd.s32 $0xFFFFFF80, s21  }
0x278: {  	s3 =	sshrl.u32 s3, $0xA;
	s2 =	sadd.s32 s2, s23;
	s0 =	sand.u32 $0x60, s0  }
0x279: {  	s3 =	sand.u32 $0x380, s3;
	s0 =	sor.u32 s0, s2  }
0x27a: {  	s0 =	sor.u32 s3, s0  }
0x27b: {  	(v2sf) =	vpush v0, $0xD;
	s24 =	simm.s32 $0xC;
	s25 =	simm.s32 $0xC;
	[tilespmem:s0+$0x1CC00] =	vst v1  }
0x27c: {  	s2 =	smulhi.u32 $0x51EB851F, s24;
	s3 =	sand.u32 $0xFFFE, s25;
	v1 =	vld [tilespmem:s4+$0xD590]  }
0x27d: {  	s3 =	sshrl.u32 s3, $0x1  }
0x27e: {  	s26 =	spop (v2sf);
	s2 =	sshrl.u32 s2, $0x4;
	s3 =	smul.u32 $0x147B, s3  }
0x27f: {  	s2 =	smul.u32 $0x3200, s2;
	s4 =	sand.u32 $0x3, s26  }
0x280: {  	s0 =	sadd.s32 $0x1CC00, s0;
	s29 =	sshrl.u32 s3, $0x14;
	s4 =	sshll.u32 s4, $0x5  }
0x281: {  	s2 =	ssub.s32 $0xF00, s2;
	s5 =	smul.u32 $0xD000, s29;
	s4 =	sadd.s32 $0x0, s4;
	[tilespmem:s0+$0x10] =	vst v1  }
0x282: {  	s30 =	sadd.s32 $0xFFFFFD00, s2;
	v1 =	vld [tilespmem:s4+$0xD600]  }
0x283: {  	s31 =	sshrl.u32 s3, $0xB;
	s5 =	sshrl.u32 s5, $0x2;
	s0 =	sand.u32 $0xFFFFFC00, s30  }
0x284: {  	s3 =	sshrl.u32 s3, $0xA;
	s2 =	sand.u32 $0x40, s31;
	s0 =	sadd.s32 s0, s5  }
0x285: {  	s3 =	sand.u32 $0x380, s3;
	s0 =	sor.u32 s2, s0  }
0x286: {  	s0 =	sor.u32 s3, s0  }
0x287: {  	(v2sf) =	vpush v0, $0xE;
	s6 =	simm.s32 $0xD;
	s5 =	simm.s32 $0xD;
	[tilespmem:s0+$0x1CC00] =	vst v1  }
0x288: {  	s2 =	smulhi.u32 $0x51EB851F, s5;
	s3 =	sand.u32 $0xFFFE, s6;
	v1 =	vld [tilespmem:s4+$0xD610]  }
0x289: {  	s3 =	sshrl.u32 s3, $0x1  }
0x28a: {  	s7 =	spop (v2sf);
	s2 =	sshrl.u32 s2, $0x4;
	s3 =	smul.u32 $0x147B, s3  }
0x28b: {  	s8 =	smul.u32 $0x3200, s2;
	s2 =	sshll.u32 s2, $0x6;
	s4 =	sand.u32 $0x3, s7  }
0x28c: {  	s0 =	sadd.s32 $0x1CC00, s0;
	s9 =	sshrl.u32 s3, $0x14;
	s4 =	sshll.u32 s4, $0x5  }
0x28d: {  	s5 =	ssub.s32 $0xF00, s8;
	s6 =	smul.u32 $0xD000, s9;
	s4 =	sadd.s32 $0x0, s4;
	[tilespmem:s0+$0x10] =	vst v1  }
0x28e: {  	s10 =	sadd.s32 $0x1E0, s2;
	s11 =	sadd.s32 $0xFFFFFE00, s5;
	v1 =	vld [tilespmem:s4+$0xD680]  }
0x28f: {  	s2 =	sand.u32 $0xFFFFFC00, s11;
	s12 =	sshrl.u32 s6, $0x2;
	s0 =	sadd.s32 $0xFFFFFFC0, s10  }
0x290: {  	s3 =	sshrl.u32 s3, $0xA;
	s2 =	sadd.s32 s2, s12;
	s0 =	sand.u32 $0x60, s0  }
0x291: {  	(v2sf) =	vpush v0, $0xF;
	s3 =	sand.u32 $0x380, s3;
	s0 =	sor.u32 s0, s2  }
0x292: {  	s0 =	sor.u32 s3, s0  }
0x293: {  	s14 =	simm.s32 $0xE;
	s13 =	simm.s32 $0xE;
	[tilespmem:s0+$0x1CC00] =	vst v1  }
0x294: {  	s2 =	smulhi.u32 $0x51EB851F, s13;
	s3 =	sand.u32 $0xFFFE, s14;
	v0 =	vld [tilespmem:s4+$0xD690]  }
0x295: {  	s3 =	sshrl.u32 s3, $0x1  }
0x296: {  	s15 =	spop (v2sf);
	s2 =	sshrl.u32 s2, $0x4;
	s3 =	smul.u32 $0x147B, s3  }
0x297: {  	s16 =	smul.u32 $0x3200, s2;
	s2 =	sshll.u32 s2, $0x6;
	s4 =	sand.u32 $0x3, s15  }
0x298: {  	s0 =	sadd.s32 $0x1CC00, s0;
	s17 =	sshrl.u32 s3, $0x14;
	s4 =	sshll.u32 s4, $0x5  }
0x299: {  	s5 =	ssub.s32 $0xF00, s16;
	s6 =	smul.u32 $0xD000, s17;
	s4 =	sadd.s32 $0x0, s4;
	[tilespmem:s0+$0x10] =	vst v0  }
0x29a: {  	s18 =	sadd.s32 $0x1E0, s2;
	s19 =	sadd.s32 $0xFFFFFF00, s5;
	v0 =	vld [tilespmem:s4+$0xD700]  }
0x29b: {  	s2 =	sand.u32 $0xFFFFFC00, s19;
	s20 =	sshrl.u32 s6, $0x2;
	s0 =	sadd.s32 $0xFFFFFFE0, s18  }
0x29c: {  	s3 =	sshrl.u32 s3, $0xA;
	s2 =	sadd.s32 s2, s20;
	s0 =	sand.u32 $0x40, s0  }
0x29d: {  	s3 =	sand.u32 $0x380, s3;
	s0 =	sor.u32 s0, s2  }
0x29e: {  	s21 =	simm.s32 $0xF;
	s0 =	sor.u32 s3, s0  }
0x29f: {  	s28 =	simm.s32 $0x16;
	s22 =	sand.u32 $0xFFFE, s21;
	s9 =	simm.s32 $0xF;
	[tilespmem:s0+$0x1CC00] =	vst v0  }
0x2a0: {  	s21 =	simm.s32 $0x3E0;
	s24 =	spop (v2sf);
	s23 =	smulhi.u32 $0x51EB851F, s9;
	v0 =	vld [tilespmem:s4+$0xD710]  }
0x2a1: {  	s25 =	sand.u32 $0x3, s24;
	s8 =	simm.s32 $0x12;
	s2 =	sshrl.u32 s22, $0x1  }
0x2a2: {  	s11 =	simm.s32 $0x2000;
	s2 =	smul.u32 $0x147B, s2;
	s3 =	sshrl.u32 s23, $0x4  }
0x2a3: {  	s12 =	simm.s32 $0x1E;
	s10 =	simm.s32 $0xF00;
	s26 =	smul.u32 $0x3200, s3  }
0x2a4: {  	s29 =	sshrl.u32 s2, $0x14;
	s0 =	sadd.s32 $0x1CC00, s0;
	s4 =	sshll.u32 s25, $0x5  }
0x2a5: {  	s13 =	simm.s32 $0x1C;
	s6 =	smul.u32 $0xD000, s29;
	s4 =	sadd.s32 $0x0, s4;
	[tilespmem:s0+$0x10] =	vst v0  }
0x2a6: {  	s14 =	simm.s32 $0x19;
	s3 =	sshll.u32 s3, $0x6;
	s5 =	ssub.s32 $0xF00, s26;
	v0 =	vld [tilespmem:s4+$0xD780]  }
0x2a7: {  	s3 =	sadd.s32 $0x1E0, s3;
	s5 =	sand.u32 $0xFFFFFC00, s5;
	s6 =	sshrl.u32 s6, $0x2  }
0x2a8: {  	s2 =	sshrl.u32 s2, $0xA;
	s30 =	sand.u32 $0x60, s3;
	s31 =	sadd.s32 s5, s6  }
0x2a9: {  	s16 =	simm.s32 $0x14;
	s2 =	sand.u32 $0x380, s2;
	s0 =	sor.u32 s30, s31  }
0x2aa: {  	s17 =	simm.s32 $0x18;
	s19 =	simm.s32 $0x1B;
	s0 =	sor.u32 s2, s0  }
0x2ab: {  	s20 =	simm.s32 $0x1A;
	s18 =	simm.s32 $0x17;
	s26 =	simm.s32 $0x15;
	[tilespmem:s0+$0x1CC00] =	vst v0  }
0x2ac: {  	s25 =	simm.s32 $0x13;
	s5 =	simm.s32 $0x210;
	s2 =	simm.s32 $0x1D;
	v0 =	vld [tilespmem:s4+$0xD790]  }
.LBB2_11:
0x2ad: {  	_ =	sdelay $0x2  }
0x2ae: {  	s0 =	sadd.s32 $0x1CC00, s0  }
0x2af: {  	[tilespmem:s0+$0x10] =	vst v0  }
0x2b0: {  	v0 =	vld [tilespmem:s5+$0x0];
	_ =	sdelay $0x4  }
0x2b1: {  	(v2sf) =	vpush v0, $0x0;
	_ =	sdelay $0x4  }
0x2b2: {  	(v2sf) =	vpush v0, $0x1;
	_ =	sdelay $0x2  }
0x2b3: {  	[dreg:$0xa] =	wrdreg s12;
	s1 =	sadd.s32 $0x10, s1;
	(v2sf) =	vpush v0, $0x2  }
0x2b4: {  	[dreg:$0x8] =	wrdreg s14;
	s4 =	smulhi.u32 $0x51EB851F, s1;
	(v2sf) =	vpush v0, $0x3  }
0x2b5: {  	[dreg:$0x6] =	wrdreg s5;
	s9 =	sadd.s32 $0x10, s9;
	s10 =	sadd.s32 $0x1000, s10;
	(v2sf) =	vpush v0, $0x4  }
0x2b6: {  	s3 =	smov.u32 s11;
	s24 =	sand.u32 $0xFFFE, s1;
	s4 =	sshrl.u32 s4, $0x4;
	(v2sf) =	vpush v0, $0x5  }
0x2b7: {  	s0 =	sshrl.u32 s24, $0x1;
	s29 =	smul.u32 $0x3200, s4;
	s4 =	sshll.u32 s4, $0x6;
	(v2sf) =	vpush v0, $0x6  }
0x2b8: {  	[dreg:$0x4] =	wrdreg s9;
	s0 =	smul.u32 $0x147B, s0;
	s4 =	sadd.s32 s4, s21;
	(v2sf) =	vpush v0, $0x7  }
0x2b9: {  	s6 =	sshra.s32 s3, $0x2;
	s3 =	ssub.s32 s10, s29;
	s4 =	sadd.s32 $0xFFFFFE40, s4  }
0x2ba: {  	s30 =	sshrl.u32 s0, $0x14;
	s31 =	sshrl.u32 s0, $0xB;
	s7 =	spop (v2sf);
	(v2sf) =	vpush v0, $0x8  }
0x2bb: {  	s12 =	sadd.s32 $0xFFFFF100, s3;
	s0 =	sshrl.u32 s0, $0xA;
	s5 =	smul.u32 $0xD000, s30;
	(v2sf) =	vpush v0, $0x9  }
0x2bc: {  	s3 =	sadd.s32 $0xFFFFF200, s3;
	s14 =	sand.u32 $0xFFFFFC00, s12;
	s7 =	sand.u32 $0x3, s7;
	(v2sf) =	vpush v0, $0xA  }
0x2bd: {  	s9 =	sand.u32 $0x40, s31;
	s5 =	sshrl.u32 s5, $0x2;
	s7 =	sshll.u32 s7, $0x5;
	(v2sf) =	vpush v0, $0xB  }
0x2be: {  	s23 =	sand.u32 $0x380, s0;
	s5 =	sadd.s32 $0x1CC00, s5;
	s7 =	sadd.s32 s6, s7  }
0x2bf: {  	s24 =	sand.u32 $0xFFFFFC00, s3;
	s14 =	sadd.s32 s14, s5;
	s22 =	spop (v2sf);
	v1 =	vld [tilespmem:s7+$0xD000];
	(v2sf) =	vpush v0, $0xC  }
0x2c0: {  	s30 =	sand.u32 $0x60, s4;
	s0 =	sadd.s32 s24, s5;
	s15 =	sor.u32 s9, s14  }
0x2c1: {  	s14 =	sor.u32 s23, s15;
	s15 =	sor.u32 s30, s0;
	(v2sf) =	vpush v0, $0xD  }
0x2c2: {  	s23 =	sor.u32 s23, s15;
	s31 =	spop (v2sf)  }
0x2c3: {  	s15 =	smov.u32 s8;
	s9 =	sand.u32 $0x3, s22;
	s5 =	spop (v2sf)  }
0x2c4: {  	s29 =	sshll.u32 s9, $0x5;
	s4 =	sand.u32 $0x3, s31;
	s22 =	spop (v2sf);
	[tilespmem:s14+$0x0] =	vst v1  }
0x2c5: {  	s9 =	sshll.u32 s4, $0x5;
	s12 =	sand.u32 $0x3, s5;
	s30 =	spop (v2sf);
	v1 =	vld [tilespmem:s7+$0xD010]  }
0x2c6: {  	s3 =	sshll.u32 s12, $0x5;
	s24 =	sand.u32 $0x3, s22;
	s31 =	spop (v2sf)  }
0x2c7: {  	(v2sf) =	vpush v0, $0xE;
	s0 =	sshll.u32 s24, $0x5;
	s4 =	sand.u32 $0x3, s30;
	s12 =	spop (v2sf)  }
0x2c8: {  	s30 =	sshll.u32 s4, $0x5;
	s5 =	sand.u32 $0x3, s12;
	s7 =	sand.u32 $0x3, s31  }
0x2c9: {  	s31 =	sadd.s32 s6, s29;
	s29 =	sshll.u32 s5, $0x5;
	s22 =	spop (v2sf)  }
0x2ca: {  	s4 =	sshll.u32 s7, $0x5;
	[tilespmem:s14+$0x10] =	vst v1;
	s5 =	sand.u32 $0x3, s22;
	s24 =	spop (v2sf)  }
0x2cb: {  	(v2sf) =	vpush v0, $0xF;
	v0 =	vld [tilespmem:s31+$0xD080];
	s14 =	sshll.u32 s5, $0x5;
	s7 =	sand.u32 $0x3, s24;
	s12 =	spop (v2sf)  }
0x2cc: {  	s5 =	sshll.u32 s7, $0x5;
	s7 =	sand.u32 $0x3, s12;
	s22 =	spop (v2sf)  }
0x2cd: {  	[dreg:$0xf] =	wrdreg s5;
	s12 =	sand.u32 $0x3, s22;
	s5 =	smov.u32 s13  }
0x2ce: {  	s13 =	sadd.s32 $0x2, s1;
	s24 =	spop (v2sf);
	s12 =	sshll.u32 s12, $0x5  }
0x2cf: {  	s22 =	smulhi.u32 $0x51EB851F, s8;
	s13 =	sand.u32 $0xFFFE, s13;
	[dreg:$0xe] =	wrdreg s12  }
0x2d0: {  	[tilespmem:s23+$0x0] =	vst v0;
	s12 =	sand.u32 $0x3, s24;
	s13 =	sshrl.u32 s13, $0x1;
	s24 =	spop (v2sf)  }
0x2d1: {  	s8 =	sshrl.u32 s22, $0x4;
	v0 =	vld [tilespmem:s31+$0xD090];
	s13 =	smul.u32 $0x147B, s13;
	s31 =	sand.u32 $0x3, s24  }
0x2d2: {  	s24 =	smul.u32 $0x3200, s8;
	s8 =	sshll.u32 s8, $0x6;
	s22 =	sshll.u32 s31, $0x5  }
0x2d3: {  	s9 =	sadd.s32 s6, s9;
	s8 =	sadd.s32 s21, s8;
	[dreg:$0xd] =	wrdreg s22  }
0x2d4: {  	s31 =	sshrl.u32 s13, $0x14;
	s22 =	smov.u32 s20;
	s20 =	smov.u32 s19  }
0x2d5: {  	s19 =	smov.u32 s18;
	s18 =	smov.u32 s17;
	s17 =	smov.u32 s16  }
0x2d6: {  	s16 =	smov.u32 s26;
	s26 =	smov.u32 s25;
	s25 =	spop (v2sf)  }
0x2d7: {  	s24 =	ssub.s32 s10, s24;
	s8 =	sadd.s32 $0xFFFFFE60, s8;
	s31 =	smul.u32 $0xD000, s31  }
0x2d8: {  	s13 =	sshrl.u32 s13, $0xA;
	s8 =	sand.u32 $0x40, s8;
	[tilespmem:s23+$0x10] =	vst v0;
	s23 =	sadd.s32 $0xFFFFF300, s24  }
0x2d9: {  	s24 =	sand.u32 $0x3, s25;
	s25 =	sshrl.u32 s31, $0x2;
	v0 =	vld [tilespmem:s9+$0xD100];
	s23 =	sand.u32 $0xFFFFFC00, s23  }
0x2da: {  	s13 =	sand.u32 $0x380, s13;
	s23 =	sadd.s32 s23, s25;
	s25 =	smov.u32 s26  }
0x2db: {  	s26 =	smov.u32 s16;
	s16 =	smov.u32 s17;
	s17 =	smov.u32 s18  }
0x2dc: {  	s18 =	smov.u32 s19;
	s19 =	smov.u32 s20;
	s8 =	sor.u32 s8, s23  }
0x2dd: {  	s20 =	smov.u32 s22;
	s22 =	spop (v2sf);
	s8 =	sor.u32 s13, s8  }
0x2de: {  	s31 =	sshll.u32 s24, $0x5;
	s24 =	sadd.s32 $0x3, s1;
	s23 =	sand.u32 $0x3, s22;
	[tilespmem:s8+$0x1CC00] =	vst v0  }
0x2df: {  	s13 =	smulhi.u32 $0x51EB851F, s25;
	s22 =	sshll.u32 s23, $0x5;
	s23 =	sand.u32 $0xFFFE, s24;
	v0 =	vld [tilespmem:s9+$0xD110]  }
0x2e0: {  	s24 =	sshrl.u32 s23, $0x1  }
0x2e1: {  	s13 =	sshrl.u32 s13, $0x4;
	s9 =	smul.u32 $0x147B, s24  }
0x2e2: {  	s23 =	smul.u32 $0x3200, s13  }
0x2e3: {  	s3 =	sadd.s32 s6, s3;
	s8 =	sadd.s32 $0x1CC00, s8;
	s24 =	sshrl.u32 s9, $0x14  }
0x2e4: {  	s13 =	sshll.u32 s13, $0x6;
	s23 =	ssub.s32 s10, s23;
	s24 =	smul.u32 $0xD000, s24;
	[tilespmem:s8+$0x10] =	vst v0  }
0x2e5: {  	s13 =	sadd.s32 s21, s13;
	s23 =	sadd.s32 $0xFFFFF400, s23;
	v0 =	vld [tilespmem:s3+$0xD180]  }
0x2e6: {  	s8 =	sadd.s32 $0xFFFFFE80, s13;
	s13 =	sand.u32 $0xFFFFFC00, s23;
	s24 =	sshrl.u32 s24, $0x2  }
0x2e7: {  	s9 =	sshrl.u32 s9, $0xA;
	s8 =	sand.u32 $0x60, s8;
	s13 =	sadd.s32 s13, s24  }
0x2e8: {  	s9 =	sand.u32 $0x380, s9;
	s8 =	sor.u32 s8, s13  }
0x2e9: {  	s8 =	sor.u32 s9, s8  }
0x2ea: {  	s23 =	sadd.s32 $0x4, s1;
	[tilespmem:s8+$0x1CC00] =	vst v0  }
0x2eb: {  	s24 =	smulhi.u32 $0x51EB851F, s16;
	s9 =	sand.u32 $0xFFFE, s23;
	v0 =	vld [tilespmem:s3+$0xD190]  }
0x2ec: {  	s9 =	sshrl.u32 s9, $0x1  }
0x2ed: {  	s23 =	sshrl.u32 s24, $0x4;
	s3 =	smul.u32 $0x147B, s9  }
0x2ee: {  	s9 =	smul.u32 $0x3200, s23  }
0x2ef: {  	s8 =	sadd.s32 $0x1CC00, s8;
	s24 =	sshrl.u32 s3, $0x14  }
0x2f0: {  	s0 =	sadd.s32 s6, s0;
	s9 =	ssub.s32 s10, s9;
	s23 =	smul.u32 $0xD000, s24;
	[tilespmem:s8+$0x10] =	vst v0  }
0x2f1: {  	s9 =	sadd.s32 $0xFFFFF500, s9;
	v0 =	vld [tilespmem:s0+$0xD200]  }
0x2f2: {  	s13 =	sshrl.u32 s3, $0xB;
	s8 =	sand.u32 $0xFFFFFC00, s9;
	s24 =	sshrl.u32 s23, $0x2  }
0x2f3: {  	s3 =	sshrl.u32 s3, $0xA;
	s13 =	sand.u32 $0x40, s13;
	s8 =	sadd.s32 s8, s24  }
0x2f4: {  	s3 =	sand.u32 $0x380, s3;
	s8 =	sor.u32 s13, s8  }
0x2f5: {  	s3 =	sor.u32 s3, s8  }
0x2f6: {  	s23 =	sadd.s32 $0x5, s1;
	[tilespmem:s3+$0x1CC00] =	vst v0  }
0x2f7: {  	s24 =	smulhi.u32 $0x51EB851F, s26;
	s8 =	sand.u32 $0xFFFE, s23;
	v0 =	vld [tilespmem:s0+$0xD210]  }
0x2f8: {  	s13 =	sshrl.u32 s8, $0x1  }
0x2f9: {  	s23 =	sshrl.u32 s24, $0x4;
	s0 =	smul.u32 $0x147B, s13  }
0x2fa: {  	s9 =	smul.u32 $0x3200, s23  }
0x2fb: {  	s8 =	sshll.u32 s23, $0x6;
	s3 =	sadd.s32 $0x1CC00, s3;
	s24 =	sshrl.u32 s0, $0x14  }
0x2fc: {  	s23 =	sadd.s32 s6, s30;
	s9 =	ssub.s32 s10, s9;
	s13 =	smul.u32 $0xD000, s24;
	[tilespmem:s3+$0x10] =	vst v0  }
0x2fd: {  	s8 =	sadd.s32 s21, s8;
	s24 =	sadd.s32 $0xFFFFF600, s9;
	v0 =	vld [tilespmem:s23+$0xD280]  }
0x2fe: {  	s3 =	sadd.s32 $0xFFFFFEC0, s8;
	s8 =	sand.u32 $0xFFFFFC00, s24;
	s30 =	sshrl.u32 s13, $0x2  }
0x2ff: {  	s0 =	sshrl.u32 s0, $0xA;
	s3 =	sand.u32 $0x60, s3;
	s8 =	sadd.s32 s8, s30  }
0x300: {  	s0 =	sand.u32 $0x380, s0;
	s3 =	sor.u32 s3, s8  }
0x301: {  	s0 =	sor.u32 s0, s3  }
0x302: {  	s9 =	sadd.s32 $0x6, s1;
	[tilespmem:s0+$0x1CC00] =	vst v0  }
0x303: {  	s13 =	smulhi.u32 $0x51EB851F, s28;
	s3 =	sand.u32 $0xFFFE, s9;
	v0 =	vld [tilespmem:s23+$0xD290]  }
0x304: {  	s3 =	sshrl.u32 s3, $0x1  }
0x305: {  	s8 =	sshrl.u32 s13, $0x4;
	s3 =	smul.u32 $0x147B, s3  }
0x306: {  	s24 =	smul.u32 $0x3200, s8  }
0x307: {  	s4 =	sadd.s32 s6, s4;
	s0 =	sadd.s32 $0x1CC00, s0;
	s30 =	sshrl.u32 s3, $0x14  }
0x308: {  	s8 =	sshll.u32 s8, $0x6;
	s9 =	ssub.s32 s10, s24;
	s13 =	smul.u32 $0xD000, s30;
	[tilespmem:s0+$0x10] =	vst v0  }
0x309: {  	s8 =	sadd.s32 s21, s8;
	s24 =	sadd.s32 $0xFFFFF700, s9;
	v0 =	vld [tilespmem:s4+$0xD300]  }
0x30a: {  	s23 =	sadd.s32 $0xFFFFFEE0, s8;
	s8 =	sand.u32 $0xFFFFFC00, s24;
	s30 =	sshrl.u32 s13, $0x2  }
0x30b: {  	s3 =	sshrl.u32 s3, $0xA;
	s8 =	sadd.s32 s8, s30;
	s0 =	sand.u32 $0x40, s23  }
0x30c: {  	s3 =	sand.u32 $0x380, s3;
	s0 =	sor.u32 s0, s8  }
0x30d: {  	s9 =	smulhi.u32 $0x51EB851F, s18;
	s0 =	sor.u32 s3, s0  }
0x30e: {  	s8 =	sadd.s32 $0x7, s1;
	[tilespmem:s0+$0x1CC00] =	vst v0  }
0x30f: {  	s13 =	sshrl.u32 s9, $0x4;
	s3 =	sand.u32 $0xFFFE, s8;
	v0 =	vld [tilespmem:s4+$0xD310]  }
0x310: {  	s8 =	smul.u32 $0x3200, s13;
	s3 =	sshrl.u32 s3, $0x1  }
0x311: {  	s3 =	smul.u32 $0x147B, s3;
	_ =	sdelay $0x1  }
0x312: {  	s8 =	ssub.s32 s10, s8;
	s0 =	sadd.s32 $0x1CC00, s0;
	s23 =	sshrl.u32 s3, $0x14  }
0x313: {  	s4 =	sshll.u32 s13, $0x6;
	s13 =	sadd.s32 s6, s29;
	s9 =	smul.u32 $0xD000, s23;
	[tilespmem:s0+$0x10] =	vst v0  }
0x314: {  	s29 =	sadd.s32 $0xFFFFF800, s8;
	s4 =	sadd.s32 s21, s4;
	v0 =	vld [tilespmem:s13+$0xD380]  }
0x315: {  	s24 =	sadd.s32 $0xFFFFFF00, s4;
	s4 =	sand.u32 $0xFFFFFC00, s29;
	s30 =	sshrl.u32 s9, $0x2  }
0x316: {  	s3 =	sshrl.u32 s3, $0xA;
	s4 =	sadd.s32 s4, s30;
	s0 =	sand.u32 $0x60, s24  }
0x317: {  	s3 =	sand.u32 $0x380, s3;
	s0 =	sor.u32 s0, s4  }
0x318: {  	s0 =	sor.u32 s3, s0  }
0x319: {  	s9 =	sadd.s32 $0x8, s1;
	[tilespmem:s0+$0x1CC00] =	vst v0  }
0x31a: {  	s23 =	smulhi.u32 $0x51EB851F, s17;
	s3 =	sand.u32 $0xFFFE, s9;
	v0 =	vld [tilespmem:s13+$0xD390]  }
0x31b: {  	s3 =	sshrl.u32 s3, $0x1  }
0x31c: {  	s4 =	sshrl.u32 s23, $0x4;
	s3 =	smul.u32 $0x147B, s3  }
0x31d: {  	s4 =	smul.u32 $0x3200, s4  }
0x31e: {  	s0 =	sadd.s32 $0x1CC00, s0;
	s29 =	sshrl.u32 s3, $0x14  }
0x31f: {  	s30 =	sadd.s32 s6, s14;
	s4 =	ssub.s32 s10, s4;
	s9 =	smul.u32 $0xD000, s29;
	[tilespmem:s0+$0x10] =	vst v0  }
0x320: {  	s4 =	sadd.s32 $0xFFFFF900, s4;
	v0 =	vld [tilespmem:s30+$0xD400]  }
0x321: {  	s24 =	sshrl.u32 s3, $0xB;
	s9 =	sshrl.u32 s9, $0x2;
	s0 =	sand.u32 $0xFFFFFC00, s4  }
0x322: {  	s3 =	sshrl.u32 s3, $0xA;
	s8 =	sand.u32 $0x40, s24;
	s0 =	sadd.s32 s0, s9  }
0x323: {  	s3 =	sand.u32 $0x380, s3;
	s0 =	sor.u32 s8, s0  }
0x324: {  	s0 =	sor.u32 s3, s0  }
0x325: {  	s14 =	rddreg [dreg:$0x8];
	s23 =	sadd.s32 $0x9, s1;
	[tilespmem:s0+$0x1CC00] =	vst v0  }
0x326: {  	s24 =	smulhi.u32 $0x51EB851F, s14;
	s3 =	sand.u32 $0xFFFE, s23;
	v0 =	vld [tilespmem:s30+$0xD410]  }
0x327: {  	s3 =	sshrl.u32 s3, $0x1  }
0x328: {  	s4 =	sshrl.u32 s24, $0x4;
	s3 =	smul.u32 $0x147B, s3  }
0x329: {  	s13 =	smov.u32 s5;
	s29 =	smul.u32 $0x3200, s4;
	s4 =	sshll.u32 s4, $0x6  }
0x32a: {  	s23 =	rddreg [dreg:$0xf];
	s0 =	sadd.s32 $0x1CC00, s0;
	s30 =	sshrl.u32 s3, $0x14  }
0x32b: {  	s8 =	ssub.s32 s10, s29;
	s5 =	sadd.s32 s6, s23;
	s9 =	smul.u32 $0xD000, s30;
	[tilespmem:s0+$0x10] =	vst v0  }
0x32c: {  	s4 =	sadd.s32 s21, s4;
	s29 =	sadd.s32 $0xFFFFFA00, s8;
	v0 =	vld [tilespmem:s5+$0xD480]  }
0x32d: {  	s24 =	sadd.s32 $0xFFFFFF40, s4;
	s4 =	sand.u32 $0xFFFFFC00, s29;
	s30 =	sshrl.u32 s9, $0x2  }
0x32e: {  	s3 =	sshrl.u32 s3, $0xA;
	s4 =	sadd.s32 s4, s30;
	s0 =	sand.u32 $0x60, s24  }
0x32f: {  	s3 =	sand.u32 $0x380, s3;
	s0 =	sor.u32 s0, s4  }
0x330: {  	s0 =	sor.u32 s3, s0  }
0x331: {  	s8 =	sadd.s32 $0xA, s1;
	[tilespmem:s0+$0x1CC00] =	vst v0  }
0x332: {  	s23 =	smulhi.u32 $0x51EB851F, s20;
	s3 =	sand.u32 $0xFFFE, s8;
	v0 =	vld [tilespmem:s5+$0xD490]  }
0x333: {  	s3 =	sshrl.u32 s3, $0x1  }
0x334: {  	s4 =	sshrl.u32 s23, $0x4;
	s3 =	smul.u32 $0x147B, s3  }
0x335: {  	s7 =	sshll.u32 s7, $0x5;
	s24 =	smul.u32 $0x3200, s4  }
0x336: {  	s7 =	sadd.s32 s6, s7;
	s0 =	sadd.s32 $0x1CC00, s0;
	s29 =	sshrl.u32 s3, $0x14  }
0x337: {  	s4 =	sshll.u32 s4, $0x6;
	s5 =	ssub.s32 s10, s24;
	s8 =	smul.u32 $0xD000, s29;
	[tilespmem:s0+$0x10] =	vst v0  }
0x338: {  	s4 =	sadd.s32 s21, s4;
	s5 =	sadd.s32 $0xFFFFFB00, s5;
	v0 =	vld [tilespmem:s7+$0xD500]  }
0x339: {  	s30 =	sadd.s32 $0xFFFFFF60, s4;
	s4 =	sand.u32 $0xFFFFFC00, s5;
	s8 =	sshrl.u32 s8, $0x2  }
0x33a: {  	s3 =	sshrl.u32 s3, $0xA;
	s4 =	sadd.s32 s4, s8;
	s0 =	sand.u32 $0x40, s30  }
0x33b: {  	s3 =	sand.u32 $0x380, s3;
	s0 =	sor.u32 s0, s4  }
0x33c: {  	s0 =	sor.u32 s3, s0  }
0x33d: {  	s23 =	sadd.s32 $0xB, s1;
	[tilespmem:s0+$0x1CC00] =	vst v0  }
0x33e: {  	s24 =	smulhi.u32 $0x51EB851F, s19;
	s3 =	sand.u32 $0xFFFE, s23;
	v0 =	vld [tilespmem:s7+$0xD510]  }
0x33f: {  	s3 =	sshrl.u32 s3, $0x1  }
0x340: {  	s4 =	sshrl.u32 s24, $0x4;
	s3 =	smul.u32 $0x147B, s3  }
0x341: {  	s29 =	smul.u32 $0x3200, s4;
	s4 =	sshll.u32 s4, $0x6  }
0x342: {  	s23 =	rddreg [dreg:$0xe];
	s0 =	sadd.s32 $0x1CC00, s0;
	s30 =	sshrl.u32 s3, $0x14  }
0x343: {  	s8 =	sadd.s32 s6, s23;
	s5 =	ssub.s32 s10, s29;
	s7 =	smul.u32 $0xD000, s30;
	[tilespmem:s0+$0x10] =	vst v0  }
0x344: {  	s4 =	sadd.s32 s21, s4;
	s29 =	sadd.s32 $0xFFFFFC00, s5;
	v0 =	vld [tilespmem:s8+$0xD580]  }
0x345: {  	s24 =	sadd.s32 $0xFFFFFF80, s4;
	s4 =	sand.u32 $0xFFFFFC00, s29;
	s30 =	sshrl.u32 s7, $0x2  }
0x346: {  	s3 =	sshrl.u32 s3, $0xA;
	s4 =	sadd.s32 s4, s30;
	s0 =	sand.u32 $0x60, s24  }
0x347: {  	s3 =	sand.u32 $0x380, s3;
	s0 =	sor.u32 s0, s4  }
0x348: {  	s0 =	sor.u32 s3, s0  }
0x349: {  	s5 =	sadd.s32 $0xC, s1;
	[tilespmem:s0+$0x1CC00] =	vst v0  }
0x34a: {  	s7 =	smulhi.u32 $0x51EB851F, s13;
	s3 =	sand.u32 $0xFFFE, s5;
	v0 =	vld [tilespmem:s8+$0xD590]  }
0x34b: {  	s3 =	sshrl.u32 s3, $0x1  }
0x34c: {  	s4 =	sshrl.u32 s7, $0x4;
	s3 =	smul.u32 $0x147B, s3  }
0x34d: {  	s4 =	smul.u32 $0x3200, s4  }
0x34e: {  	s12 =	sshll.u32 s12, $0x5;
	s0 =	sadd.s32 $0x1CC00, s0;
	s23 =	sshrl.u32 s3, $0x14  }
0x34f: {  	s24 =	sadd.s32 s6, s12;
	s4 =	ssub.s32 s10, s4;
	s7 =	smul.u32 $0xD000, s23;
	[tilespmem:s0+$0x10] =	vst v0  }
0x350: {  	s29 =	sadd.s32 $0xFFFFFD00, s4;
	v0 =	vld [tilespmem:s24+$0xD600]  }
0x351: {  	s8 =	sshrl.u32 s3, $0xB;
	s30 =	sshrl.u32 s7, $0x2;
	s0 =	sand.u32 $0xFFFFFC00, s29  }
0x352: {  	s3 =	sshrl.u32 s3, $0xA;
	s5 =	sand.u32 $0x40, s8;
	s0 =	sadd.s32 s0, s30  }
0x353: {  	s3 =	sand.u32 $0x380, s3;
	s0 =	sor.u32 s5, s0  }
0x354: {  	s0 =	sor.u32 s3, s0  }
0x355: {  	s4 =	sadd.s32 $0xD, s1;
	[tilespmem:s0+$0x1CC00] =	vst v0  }
0x356: {  	s5 =	smulhi.u32 $0x51EB851F, s2;
	s3 =	sand.u32 $0xFFFE, s4;
	v0 =	vld [tilespmem:s24+$0xD610]  }
0x357: {  	s3 =	sshrl.u32 s3, $0x1  }
0x358: {  	s4 =	sshrl.u32 s5, $0x4;
	s3 =	smul.u32 $0x147B, s3  }
0x359: {  	s7 =	smul.u32 $0x3200, s4;
	s4 =	sshll.u32 s4, $0x6  }
0x35a: {  	s0 =	sadd.s32 $0x1CC00, s0;
	s23 =	sshrl.u32 s3, $0x14;
	s24 =	rddreg [dreg:$0xd]  }
0x35b: {  	s5 =	ssub.s32 s10, s7;
	s8 =	sadd.s32 s6, s24;
	s7 =	smul.u32 $0xD000, s23;
	[tilespmem:s0+$0x10] =	vst v0  }
0x35c: {  	s4 =	sadd.s32 s21, s4;
	s29 =	sadd.s32 $0xFFFFFE00, s5;
	v0 =	vld [tilespmem:s8+$0xD680]  }
0x35d: {  	s4 =	sadd.s32 $0xFFFFFFC0, s4;
	s30 =	sshrl.u32 s7, $0x2;
	s0 =	sand.u32 $0xFFFFFC00, s29  }
0x35e: {  	s3 =	sshrl.u32 s3, $0xA;
	s4 =	sand.u32 $0x60, s4;
	s0 =	sadd.s32 s0, s30  }
0x35f: {  	s3 =	sand.u32 $0x380, s3;
	s0 =	sor.u32 s4, s0  }
0x360: {  	s0 =	sor.u32 s3, s0  }
0x361: {  	s12 =	rddreg [dreg:$0xa];
	s5 =	sadd.s32 $0xE, s1;
	[tilespmem:s0+$0x1CC00] =	vst v0  }
0x362: {  	s7 =	smulhi.u32 $0x51EB851F, s12;
	s3 =	sand.u32 $0xFFFE, s5;
	v0 =	vld [tilespmem:s8+$0xD690]  }
0x363: {  	s3 =	sshrl.u32 s3, $0x1  }
0x364: {  	s4 =	sshrl.u32 s7, $0x4;
	s3 =	smul.u32 $0x147B, s3  }
0x365: {  	s23 =	smul.u32 $0x3200, s4  }
0x366: {  	s29 =	sadd.s32 s6, s31;
	s0 =	sadd.s32 $0x1CC00, s0;
	s24 =	sshrl.u32 s3, $0x14  }
0x367: {  	s4 =	sshll.u32 s4, $0x6;
	s5 =	ssub.s32 s10, s23;
	s7 =	smul.u32 $0xD000, s24;
	[tilespmem:s0+$0x10] =	vst v0  }
0x368: {  	s4 =	sadd.s32 s21, s4;
	s30 =	sadd.s32 $0xFFFFFF00, s5;
	v0 =	vld [tilespmem:s29+$0xD700]  }
0x369: {  	s4 =	sadd.s32 $0xFFFFFFE0, s4;
	s31 =	sshrl.u32 s7, $0x2;
	s0 =	sand.u32 $0xFFFFFC00, s30  }
0x36a: {  	s4 =	sand.u32 $0x40, s4;
	s3 =	sshrl.u32 s3, $0xA;
	s0 =	sadd.s32 s0, s31  }
0x36b: {  	s3 =	sand.u32 $0x380, s3;
	s0 =	sor.u32 s4, s0  }
0x36c: {  	s0 =	sor.u32 s3, s0  }
0x36d: {  	p0 =	sne.s32 s11, $0x30000;
	s11 =	sadd.s32 $0x2000, s11;
	s5 =	sadd.s32 $0xF, s1;
	[tilespmem:s0+$0x1CC00] =	vst v0  }
0x36e: {  	s25 =	sadd.s32 $0x10, s25;
	s9 =	rddreg [dreg:$0x4];
	s3 =	sand.u32 $0xFFFE, s5;
	v0 =	vld [tilespmem:s29+$0xD710]  }
0x36f: {  	s16 =	sadd.s32 $0x10, s16;
	s7 =	smulhi.u32 $0x51EB851F, s9;
	s3 =	sshrl.u32 s3, $0x1  }
0x370: {  	s26 =	sadd.s32 $0x10, s26;
	s28 =	sadd.s32 $0x10, s28;
	s3 =	smul.u32 $0x147B, s3  }
0x371: {  	s18 =	sadd.s32 $0x10, s18;
	s17 =	sadd.s32 $0x10, s17;
	s4 =	sshrl.u32 s7, $0x4  }
0x372: {  	s23 =	smul.u32 $0x3200, s4;
	s0 =	sadd.s32 $0x1CC00, s0;
	s24 =	sshrl.u32 s3, $0x14  }
0x373: {  	s6 =	sadd.s32 s6, s22;
	s4 =	sshll.u32 s4, $0x6;
	s7 =	smul.u32 $0xD000, s24;
	[tilespmem:s0+$0x10] =	vst v0  }
0x374: {  	s14 =	sadd.s32 $0x10, s14;
	s4 =	sadd.s32 s21, s4;
	s29 =	ssub.s32 s10, s23;
	v0 =	vld [tilespmem:s6+$0xD780]  }
0x375: {  	s4 =	sand.u32 $0x60, s4;
	s30 =	sshrl.u32 s7, $0x2;
	s0 =	sand.u32 $0xFFFFFC00, s29  }
.Ltmp4:
0x376: {  	s3 =	sshrl.u32 s3, $0xA;
	s0 =	sadd.s32 s0, s30;
	(pc) =	sbr.rel @p0 .LBB2_11-.Ltmp4, $4  }
0x377: {  	s20 =	sadd.s32 $0x10, s20;
	s3 =	sand.u32 $0x380, s3;
	s0 =	sor.u32 s4, s0  }
0x378: {  	s19 =	sadd.s32 $0x10, s19;
	s13 =	sadd.s32 $0x10, s13;
	s0 =	sor.u32 s3, s0  }
0x379: {  	s2 =	sadd.s32 $0x10, s2;
	s12 =	sadd.s32 $0x10, s12;
	s31 =	rddreg [dreg:$0x6];
	[tilespmem:s0+$0x1CC00] =	vst v0  }
0x37a: {  	s8 =	sadd.s32 $0x10, s15;
	s5 =	sadd.s32 $0x10, s31;
	s21 =	sadd.s32 $0x200, s21;
	v0 =	vld [tilespmem:s6+$0xD790]  }
0x37b: {  	s1 =	rddreg [dreg:$0x1f]  }
0x37c: {  	s25 =	rddreg [dreg:$0x17]  }
0x37d: {  	s0 =	sadd.s32 $0x1CC00, s0;
	s2 =	rddreg [dreg:$0x1e];
	s1 =	sadd.s32 $0x3, s1  }
0x37e: {  	s26 =	simm.s32 $0x0;
	s3 =	simm.s32 $0x1CC00;
	s1 =	sand.u32 $0x3F, s1  }
0x37f: {  	s28 =	rddreg [dreg:$0x12];
	s1 =	smul.u32 $0x190, s1;
	[tilespmem:s0+$0x10] =	vst v0;
	s0 =	sadd.s32 s25, s2  }
0x380: {  	[hbm4b:s0+s26] =	stream.linear.scatter [tilespmem:s3], [sflag:$0x4], $0x3400, $0x38;
	v63 =	vld [tilespmem:$0x0]  }
0x381: {  	s0 =	sadd.s32 s28, s1  }
0x382: {  	s29 =	rddreg [dreg:$0x1];
	s0 =	sshrl.u32 s0, $0x3  }
0x383: {  	s30 =	simm.s32 $0x200;
	s31 =	simm.s32 $0x5;
	s0 =	sadd.s32 s29, s0  }
0x384: {  	[tilespmem:s30], [sflag:$0x5] =	stream.linear.gather [hbm4b:s0+s26], $0x190, $0x38;
	v63 =	vld [tilespmem:$0x0]  }
0x385: {  	_ =	swait.ge [sflag:s31], $0x190  }
0x386: {  	[sflag:s31] =	ssyncset.done $0x0  }
0x387: {  	s0 =	simm.s32 $0x0;
	[sflag:s31] =	ssyncadd.s32 $0xFFFFFE70  }
0x388: {  	s1 =	simm.s32 $0x40;
	v0 =	vld [tilespmem:s0+$0x200]  }
.LBB2_13:
0x389: {  	p0 =	sne.s32 s1, $0x600  }
.Ltmp5:
0x38a: {  	_ = 	snop;
	(pc) =	sbr.rel @p0 .LBB2_13-.Ltmp5, $3  }
0x38b: {  	_ =	sdelay $0x1  }
0x38c: {  	s2 =	sshra.s32 s1, $0x2;
	s1 =	sadd.s32 $0x40, s1;
	v1 =	vshrl.u32 v0, $0x2  }
0x38d: {  	v0 =	vld [tilespmem:s2+$0x200];
	[tilespmem:s0+$0x600] =	vst v1;
	s0 =	smov.u32 s2  }
0x38e: {  	_ =	sdelay $0x3  }
0x38f: {  	s31 =	rddreg [dreg:$0x1d];
	v0 =	vshrl.u32 v0, $0x2  }
0x390: {  	[tilespmem:s0+$0x600] =	vst v0;
	s0 =	sadd.s32 $0x1, s31  }
0x391: {  	p0 =	sne.s32 s0, $0x20  }
.Ltmp6:
0x392: {  	_ = 	snop;
	(pc) =	sbr.rel @p0 .LBB2_6-.Ltmp6, $4  }
0x393: {  	s30 =	rddreg [dreg:$0x13]  }
0x394: {  	s1 =	simm.s32 $0x190;
	s2 =	simm.s32 $0x600;
	s3 =	simm.s32 $0xD000  }
0x395: {  	[tilespmem:s3], [sflag:$0x2] =	stream.indirect.gather [hbm4b:s30+s1], $0x80, s2, s1, $0xb8;
	v63 =	vld [tilespmem:$0x0]  }
0x396: {  	[dreg:$0x1d] =	wrdreg s0  }
0x397: {  	s0 =	simm.s32 $0x1  }
0x398: {  	_ =	swait.ge [sflag:s0], $0xC800  }
0x399: {  	[sflag:s0] =	ssyncset.done $0x0  }
0x39a: {  	s29 =	simm.s32 $0x2;
	[sflag:s0] =	ssyncadd.s32 $0xFFFF3800  }
0x39b: {  	_ =	swait.ge [sflag:s29], $0xC800  }
0x39c: {  	[sflag:s29] =	ssyncset.done $0x0  }
0x39d: {  	s30 =	simm.s32 $0x3;
	[sflag:s29] =	ssyncadd.s32 $0xFFFF3800  }
0x39e: {  	_ =	swait.ge [sflag:s30], $0x3400  }
0x39f: {  	[sflag:s30] =	ssyncset.done $0x0  }
0x3a0: {  	s1 =	simm.s32 $0x4;
	[sflag:s30] =	ssyncadd.s32 $0xFFFFCC00  }
0x3a1: {  	_ =	swait.ge [sflag:s1], $0x3400  }
0x3a2: {  	s2 =	rddreg [dreg:$0x1c]  }
0x3a3: {  	s31 =	rddreg [dreg:$0x1b];
	s2 =	sadd.s32 $0x1, s2  }
0x3a4: {  	p0 =	sne.s32 s2, s31  }
.Ltmp7:
0x3a5: {  	_ = 	snop;
	(pc) =	sbr.rel @p0 .LBB2_1-.Ltmp7, $3  }
0x3a6: {  	_ =	sdelay $0x1  }
0x3a7: {  	[sflag:s1] =	ssyncset.done $0x0  }
0x3a8: {  	[sflag:s1] =	ssyncadd.s32 $0xFFFFCC00  }
0x3a9: {  	_ =	sfence.sel $0x180000  }
0x3aa: {  	[bflag:$0x0] =	sbarrier.arrive $0xFFFF  }
0x3ab: {  	_ =	strace $0x90000047  }
0x3ac: {  	s0 =	stileid.u32;
	[bflag:$0x2] =	sbarrier.arrive $0xFFFF  }
0x3ad: {  	p0 =	sne.s32 s0, $0x0;
	s0 =	rddreg [dreg:$0x2]  }
0x3ae: {  	s0 =	sadd.s32 @!p0 $0x100000, s0  }
0x3af: {  	[sflag:s0] =	ssyncadd.tile.s32 @!p0 $0x1;
	_ =	shalt  }
.Lfunc_end2:
_tile_overlayer_lowered:
.L_overlay_start_2:
0x3b0: {  	(tag) =	ssettag $0x2  }
0x3b1: {  	s0 =	rddreg [dreg:$0x0];
	s2 =	stileid.u32  }
0x3b2: {  	s1 =	rddreg [dreg:$0x1];
	p0 =	sne.s32 s2, $0x0  }
0x3b3: {  	s3 =	rddreg [dreg:$0x2];
	[bflag:$0x3] =	sbarrier.arrive $0xFFFF;
	s2 =	simm.s32 @!p0 $0x1C05  }
0x3b4: {  	[timem:s3], [sflag:s2] =	dma.local @!p0 [hbm:s0], s1  }
0x3b5: {  	s0 =	simm.s32 @!p0 $0x5  }
0x3b6: {  	_ =	swait.ge @!p0 [sflag:s0], s1  }
0x3b7: {  	s1 =	ssub.s32 @!p0 $0x0, s1;
	[sflag:s0] =	ssyncset.done @!p0 $0x0  }
0x3b8: {  	[sflag:s0] =	ssyncadd.s32 @!p0 s1  }
0x3b9: {  	[bflag:$0x3] =	sbarrier.arrive $0xFFFF  }
0x3ba: {  	_ =	shalt  }

</sc_bundles>
